<compile_context>
chip_gen: v7x
topology: tpu7x:2x2x1
jax: 0.10.2.dev20260603
libtpu: 0.0.44.dev20260713+nightly
codegen_flags: <defaults>
</compile_context>

<pallas_src>
import functools

import jax
import jax.numpy as jnp
from jax import lax
from jax.experimental import pallas as pl
from jax.experimental.pallas import tpu as pltpu
from jax.experimental.pallas import tpu_sc as plsc

_K = 16
_TILE = 256


_CW = 512


def _knn_kernel(n_pts, posTc_ref, pos_ref, x_ref, w1nT_ref, idx_ref, c_ref,
                d2_ref):
    b = pl.program_id(0)
    t = pl.program_id(1)
    nch = n_pts // _CW
    pos_t = pos_ref[0]
    sq_t = jnp.sum(pos_t * pos_t, axis=1, keepdims=True)
    inf = jnp.float32(jnp.inf)
    row_g = t * _TILE + lax.broadcasted_iota(jnp.int32, (_TILE, _CW), 0)

    def build(ch, _):
        posc = posTc_ref[0, :, ch]
        sq_c = jnp.sum(posc * posc, axis=0, keepdims=True)
        dot = lax.dot_general(pos_t, posc, (((1,), (0,)), ((), ())),
                              precision=lax.Precision.HIGHEST,
                              preferred_element_type=jnp.float32)
        d2c = (sq_t + sq_c) - 2.0 * dot
        col = ch * _CW + lax.broadcasted_iota(jnp.int32, (_TILE, _CW), 1)
        d2_ref[ch] = jnp.where(col == row_g, inf, d2c)
        return 0

    lax.fori_loop(0, nch, build, 0, unroll=False)

    big = jnp.int32(n_pts)
    m_p = jnp.full((_TILE, 1), -inf, jnp.float32)
    c_p = jnp.full((_TILE, 1), -1, jnp.int32)
    for k in range(_K):
        def scan(ch, carry):
            vacc, cacc = carry
            v = d2_ref[ch]
            col = ch * _CW + lax.broadcasted_iota(jnp.int32, (_TILE, _CW), 1)
            ok = (v > m_p) | ((v == m_p) & (col > c_p))
            vm = jnp.where(ok, v, inf)
            pick = vm < vacc
            return (jnp.where(pick, vm, vacc), jnp.where(pick, col, cacc))

        vacc, cacc = lax.fori_loop(
            0, nch, scan,
            (jnp.full((_TILE, _CW), inf, jnp.float32),
             jnp.full((_TILE, _CW), big, jnp.int32)), unroll=False)
        m_p = jnp.min(vacc, axis=1, keepdims=True)
        c_p = jnp.min(jnp.where(vacc == m_p, cacc, big), axis=1,
                      keepdims=True)
        idx_ref[0, :, k:k + 1] = c_p + b * n_pts

    c_t = lax.dot_general(x_ref[0], w1nT_ref[...],
                          (((1,), (0,)), ((), ())),
                          precision=lax.Precision.HIGHEST,
                          preferred_element_type=jnp.float32)
    c_ref[0] = jnp.concatenate(
        [c_t, jnp.zeros((c_t.shape[0], 128 - c_t.shape[1]), jnp.float32)],
        axis=1)


def _mlp_kernel(x_ref, g_ref, w1xT_ref, b1_ref, w2hT_ref, w2xT_ref, b2_ref,
                w3aT_ref, w3bT_ref, w3xT_ref, b3_ref, out_ref):
    def mm(u, wT_ref):
        return lax.dot_general(u, wT_ref[...], (((1,), (0,)), ((), ())),
                               precision=lax.Precision.HIGHEST,
                               preferred_element_type=jnp.float32)
    x_t = x_ref[0]
    a = mm(x_t, w1xT_ref) + b1_ref[...]
    d = mm(x_t, w2xT_ref) + b2_ref[...]
    e = mm(x_t, w3xT_ref) + b3_ref[...]
    ninf = jnp.float32(-jnp.inf)
    m1 = jnp.full(a.shape, ninf, jnp.float32)
    m2 = jnp.full(a.shape, ninf, jnp.float32)
    m3 = jnp.full(a.shape, ninf, jnp.float32)
    gr = a.shape[1]
    for k in range(_K):
        g_k = g_ref[0, k][:, :gr]
        h1 = jnp.maximum(a + g_k, 0.0)
        h2 = jnp.maximum(mm(h1, w2hT_ref) + d, 0.0)
        h3 = mm(h2, w3aT_ref) + mm(h1, w3bT_ref) + e
        m1 = jnp.maximum(m1, h1)
        m2 = jnp.maximum(m2, h2)
        m3 = jnp.maximum(m3, h3)
    out_ref[0] = jnp.concatenate([m3, m2, m1, x_t], axis=1)


def _make_sc_gather(n_rows, gr, total):
    info = plsc.get_sparse_core_info()
    nw = info.num_cores * info.num_subcores
    per_w = total // nw
    chunk = min(per_w, 512)
    n_ch = per_w // chunk

    mesh = plsc.VectorSubcoreMesh(core_axis_name="c", subcore_axis_name="s")

    @functools.partial(
        pl.kernel, mesh=mesh,
        out_type=jax.ShapeDtypeStruct((total, 128), jnp.float32),
        scratch_types=[
            pltpu.VMEM((chunk,), jnp.int32),
            pltpu.VMEM((chunk, 128), jnp.float32),
            pltpu.SemaphoreType.DMA,
        ],
    )
    def gather(table_hbm, idx_hbm, out_hbm, idx_v, rows_v, sem):
        wid = lax.axis_index("s") * info.num_cores + lax.axis_index("c")
        base = wid * per_w
        for ci in range(n_ch):
            off = base + ci * chunk
            pltpu.sync_copy(idx_hbm.at[pl.ds(off, chunk)], idx_v)
            pltpu.async_copy(table_hbm.at[idx_v], rows_v, sem).wait()
            pltpu.sync_copy(rows_v, out_hbm.at[pl.ds(off, chunk)])

    return gather


def kernel(x, pos, W_first, b_first, W_mid, b_mid, W_last, b_last):
    B, N, D = x.shape
    GR = W_first.shape[0]
    NT = N // _TILE

    W1a, W1b, W1c = W_first[:, :D], W_first[:, D:2 * D], W_first[:, 2 * D:]
    w1xT = (W1a - W1c).T
    w1nT = (W1b + W1c).T
    w2hT = W_mid[:, :GR].T
    w2xT = W_mid[:, GR:].T
    w3aT = W_last[:, :GR].T
    w3bT = W_last[:, GR:2 * GR].T
    w3xT = W_last[:, 2 * GR:].T
    b1 = b_first.reshape(1, GR)
    b2 = b_mid.reshape(1, GR)
    b3 = b_last.reshape(1, GR)
    NCH = N // _CW
    posTc = jnp.transpose(pos, (0, 2, 1)).reshape(B, 3, NCH, _CW)

    idx_g, c = pl.pallas_call(
        functools.partial(_knn_kernel, N),
        grid=(B, NT),
        in_specs=[
            pl.BlockSpec((1, 3, NCH, _CW), lambda b, t: (b, 0, 0, 0)),
            pl.BlockSpec((1, _TILE, 3), lambda b, t: (b, t, 0)),
            pl.BlockSpec((1, _TILE, D), lambda b, t: (b, t, 0)),
            pl.BlockSpec((D, GR), lambda b, t: (0, 0)),
        ],
        out_specs=[
            pl.BlockSpec((1, _TILE, _K), lambda b, t: (b, t, 0)),
            pl.BlockSpec((1, _TILE, 128), lambda b, t: (b, t, 0)),
        ],
        out_shape=[
            jax.ShapeDtypeStruct((B, N, _K), jnp.int32),
            jax.ShapeDtypeStruct((B, N, 128), jnp.float32),
        ],
        scratch_shapes=[pltpu.VMEM((NCH, _TILE, _CW), jnp.float32)],
    )(posTc, pos, x, w1nT)

    idx_flat = jnp.transpose(idx_g, (0, 2, 1)).reshape(-1)
    total = B * _K * N
    g_flat = _make_sc_gather(B * N, GR, total)(
        c.reshape(B * N, 128), idx_flat)
    g = g_flat.reshape(B, _K, N, 128)

    out = pl.pallas_call(
        _mlp_kernel,
        grid=(B, NT),
        in_specs=[
            pl.BlockSpec((1, _TILE, D), lambda b, t: (b, t, 0)),
            pl.BlockSpec((1, _K, _TILE, 128), lambda b, t: (b, 0, t, 0)),
            pl.BlockSpec((D, GR), lambda b, t: (0, 0)),
            pl.BlockSpec((1, GR), lambda b, t: (0, 0)),
            pl.BlockSpec((GR, GR), lambda b, t: (0, 0)),
            pl.BlockSpec((D, GR), lambda b, t: (0, 0)),
            pl.BlockSpec((1, GR), lambda b, t: (0, 0)),
            pl.BlockSpec((GR, GR), lambda b, t: (0, 0)),
            pl.BlockSpec((GR, GR), lambda b, t: (0, 0)),
            pl.BlockSpec((D, GR), lambda b, t: (0, 0)),
            pl.BlockSpec((1, GR), lambda b, t: (0, 0)),
        ],
        out_specs=pl.BlockSpec((1, _TILE, D + 3 * GR), lambda b, t: (b, t, 0)),
        out_shape=jax.ShapeDtypeStruct((B, N, D + 3 * GR), jnp.float32),
    )(x, g, w1xT, b1, w2hT, w2xT, b2, w3aT, w3bT, w3xT, b3)
    return out

# --- scband reference (transcript-rebuilt; emitter-appended) ---
"""Pipeline reference for scband-dense-edge-conv-25383256719485 (READ-ONLY COPY).

The authoritative reference and input builder live on the scoring server;
editing this copy changes nothing except your own understanding.
"""

import jax, jax.numpy as jnp
import numpy as np

B, N, D = 2, 8192, 32
KNN = 16
GR = 16


def _fc(x, W, b, act):
    y = jnp.einsum('...i,oi->...o', x, W) + b
    if act:
        y = jax.nn.relu(y)
    return y


def setup_inputs(seed: int = 0) -> dict:
    key = jax.random.key(seed)
    ks = jax.random.split(key, 10)
    x = jax.random.normal(ks[0], (B, N, D), dtype=jnp.float32)
    pos = jax.random.normal(ks[1], (B, N, 3), dtype=jnp.float32)
    # layer_first: 3*in_channels -> growth_rate
    W_first = jax.random.normal(ks[2], (GR, 3 * D), dtype=jnp.float32) * 0.1
    b_first = jnp.zeros((GR,), dtype=jnp.float32)
    # middle layer (i=1): in_channels + 1*growth_rate -> growth_rate
    W_mid = jax.random.normal(ks[3], (GR, D + GR), dtype=jnp.float32) * 0.1
    b_mid = jnp.zeros((GR,), dtype=jnp.float32)
    # layer_last: in_channels + 2*growth_rate -> growth_rate (no activation)
    W_last = jax.random.normal(ks[4], (GR, D + 2 * GR), dtype=jnp.float32) * 0.1
    b_last = jnp.zeros((GR,), dtype=jnp.float32)
    return {"x": x, "pos": pos, "W_first": W_first, "b_first": b_first,
            "W_mid": W_mid, "b_mid": b_mid, "W_last": W_last, "b_last": b_last}


def reference(x, pos, W_first, b_first, W_mid, b_mid, W_last, b_last):
    # kNN (offset=1: exclude self) via squared euclidean distances
    sq = jnp.sum(pos * pos, axis=-1)
    d2 = sq[:, :, None] + sq[:, None, :] - 2.0 * jnp.einsum('bnd,bmd->bnm', pos, pos)
    _, idx = jax.lax.top_k(-d2, KNN + 1)
    knn_idx = idx[:, :, 1:]  # (B, N, K)
    # knn_group: gather neighbor features -> (B, N, K, D)
    knn_feat = jax.vmap(lambda xb, ib: xb[ib])(x, knn_idx)
    x_tiled = jnp.broadcast_to(x[:, :, None, :], knn_feat.shape)
    edge_feat = jnp.concatenate([x_tiled, knn_feat, knn_feat - x_tiled], axis=-1)  # (B,N,K,3D)
    # dense edge conv
    y = jnp.concatenate([_fc(edge_feat, W_first, b_first, True), x_tiled], axis=-1)  # (B,N,K,D+GR)
    y = jnp.concatenate([_fc(y, W_mid, b_mid, True), y], axis=-1)                    # (B,N,K,D+2GR)
    y = jnp.concatenate([_fc(y, W_last, b_last, False), y], axis=-1)                 # (B,N,K,D+3GR)
    # max aggregation over K
    return jnp.max(y, axis=-2)  # (B, N, D + num_fc_layers*GR) = (2, 8192, 80)

if __name__ == "__main__":
    import jax
    _d = setup_inputs()
    print(jax.jit(kernel)(*tuple(_d.values())))

</pallas_src>

<mosaic_0001>
#map = affine_map<(d0, d1) -> (0, 0)>
#map1 = affine_map<(d0, d1) -> (0)>
module attributes {stable_mosaic.version = 14 : i64} {
  func.func @gather(%arg0: i32, %arg1: i32, %arg2: memref<16384x128xf32, #tpu.memory_space<hbm>>, %arg3: memref<262144xi32, #tpu.memory_space<hbm>>, %arg4: memref<262144x128xf32, #tpu.memory_space<hbm>>, %arg5: memref<512xi32, #tpu.memory_space<vmem>>, %arg6: memref<512x128xf32, #tpu.memory_space<vmem>>, %arg7: memref<!tpu.dma_semaphore, #tpu.memory_space<semaphore_mem>>) attributes {dimension_semantics = [#tpu.dimension_semantics<core_parallel>, #tpu.dimension_semantics<subcore_parallel>], iteration_bounds = array<i64: 2, 16>, scalar_prefetch = 0 : i64, scratch_operands = 3 : i64, tpu.core_type = #tpu.core_type<sc_vector_subcore>, window_params = [{transform_indices = #map}, {transform_indices = #map1}, {transform_indices = #map}]} {
    %mul3A = arith.constant 2 : i32
    %mul3A_0 = arith.muli %arg1, %mul3A : i32
    %add3A = arith.addi %mul3A_0, %arg0 : i32
    %mul3A_1 = arith.constant 8192 : i32
    %mul3A_2 = arith.muli %add3A, %mul3A_1 : i32
    %add3A_3 = arith.constant 0 : i32
    %add3A_4 = arith.addi %mul3A_2, %add3A_3 : i32
    "tpu.region"() ({
      %run_scoped3A = tpu.sem_alloc : memref<!tpu.dma_semaphore, #tpu.memory_space<semaphore_mem>>
      %dma_start3A_129 = tpu.memref_slice %arg3[%add3A_4] : memref<262144xi32, #tpu.memory_space<hbm>> -> memref<512xi32, #tpu.memory_space<hbm>>
      %dma_start3A_130 = tpu.memref_slice %arg3[%add3A_4] : memref<262144xi32, #tpu.memory_space<hbm>> -> memref<512xi32, #tpu.memory_space<hbm>>
      tpu.enqueue_dma source(%dma_start3A_130 : memref<512xi32, #tpu.memory_space<hbm>>) target(%arg5 : memref<512xi32, #tpu.memory_space<vmem>>) target_semaphore(%run_scoped3A : memref<!tpu.dma_semaphore, #tpu.memory_space<semaphore_mem>>)
      %dma_wait3A_131 = tpu.memref_slice %arg3[%add3A_4] : memref<262144xi32, #tpu.memory_space<hbm>> -> memref<512xi32, #tpu.memory_space<hbm>>
      %dma_wait3A_132 = tpu.memref_slice %arg3[%add3A_4] : memref<262144xi32, #tpu.memory_space<hbm>> -> memref<512xi32, #tpu.memory_space<hbm>>
      tpu.wait_dma2 semaphore(%run_scoped3A : memref<!tpu.dma_semaphore, #tpu.memory_space<semaphore_mem>>) src(%dma_wait3A_132 : memref<512xi32, #tpu.memory_space<hbm>>) dst(%arg5 : memref<512xi32, #tpu.memory_space<vmem>>)
      tpu.yield
    }) : () -> ()
    %dma_start3A = arith.constant 0 : i32
    %dma_start3A_5 = arith.constant 0 : i32
    %dma_start3A_6 = tpu.memref_slice %arg2[%dma_start3A, %dma_start3A_5] : memref<16384x128xf32, #tpu.memory_space<hbm>> -> memref<16384x128xf32, #tpu.memory_space<hbm>>
    tpu.enqueue_indirect_dma source(%dma_start3A_6 : memref<16384x128xf32, #tpu.memory_space<hbm>>) target(%arg6 : memref<512x128xf32, #tpu.memory_space<vmem>>) offsets(%arg5 : memref<512xi32, #tpu.memory_space<vmem>>) semaphore(%arg7 : memref<!tpu.dma_semaphore, #tpu.memory_space<semaphore_mem>>)
    %dma_wait3A = arith.constant 0 : i32
    %dma_wait3A_7 = arith.constant 0 : i32
    %dma_wait3A_8 = tpu.memref_slice %arg2[%dma_wait3A, %dma_wait3A_7] : memref<16384x128xf32, #tpu.memory_space<hbm>> -> memref<16384x128xf32, #tpu.memory_space<hbm>>
    tpu.wait_indirect_dma semaphore(%arg7 : memref<!tpu.dma_semaphore, #tpu.memory_space<semaphore_mem>>) src(%dma_wait3A_8 : memref<16384x128xf32, #tpu.memory_space<hbm>>) dst(%arg6 : memref<512x128xf32, #tpu.memory_space<vmem>>)
    "tpu.region"() ({
      %run_scoped3A = tpu.sem_alloc : memref<!tpu.dma_semaphore, #tpu.memory_space<semaphore_mem>>
      %dma_start3A_129 = arith.constant 0 : i32
      %dma_start3A_130 = tpu.memref_slice %arg4[%add3A_4, %dma_start3A_129] : memref<262144x128xf32, #tpu.memory_space<hbm>> -> memref<512x128xf32, #tpu.memory_space<hbm>>
      %dma_start3A_131 = arith.constant 0 : i32
      %dma_start3A_132 = tpu.memref_slice %arg4[%add3A_4, %dma_start3A_131] : memref<262144x128xf32, #tpu.memory_space<hbm>> -> memref<512x128xf32, #tpu.memory_space<hbm>>
      tpu.enqueue_dma source(%arg6 : memref<512x128xf32, #tpu.memory_space<vmem>>) target(%dma_start3A_132 : memref<512x128xf32, #tpu.memory_space<hbm>>) target_semaphore(%run_scoped3A : memref<!tpu.dma_semaphore, #tpu.memory_space<semaphore_mem>>)
      %dma_wait3A_133 = arith.constant 0 : i32
      %dma_wait3A_134 = tpu.memref_slice %arg4[%add3A_4, %dma_wait3A_133] : memref<262144x128xf32, #tpu.memory_space<hbm>> -> memref<512x128xf32, #tpu.memory_space<hbm>>
      %dma_wait3A_135 = arith.constant 0 : i32
      %dma_wait3A_136 = tpu.memref_slice %arg4[%add3A_4, %dma_wait3A_135] : memref<262144x128xf32, #tpu.memory_space<hbm>> -> memref<512x128xf32, #tpu.memory_space<hbm>>
      tpu.wait_dma2 semaphore(%run_scoped3A : memref<!tpu.dma_semaphore, #tpu.memory_space<semaphore_mem>>) src(%arg6 : memref<512x128xf32, #tpu.memory_space<vmem>>) dst(%dma_wait3A_136 : memref<512x128xf32, #tpu.memory_space<hbm>>)
      tpu.yield
    }) : () -> ()
    %add3A_9 = arith.constant 512 : i32
    %add3A_10 = arith.addi %mul3A_2, %add3A_9 : i32
    "tpu.region"() ({
      %run_scoped3A = tpu.sem_alloc : memref<!tpu.dma_semaphore, #tpu.memory_space<semaphore_mem>>
      %dma_start3A_129 = tpu.memref_slice %arg3[%add3A_10] : memref<262144xi32, #tpu.memory_space<hbm>> -> memref<512xi32, #tpu.memory_space<hbm>>
      %dma_start3A_130 = tpu.memref_slice %arg3[%add3A_10] : memref<262144xi32, #tpu.memory_space<hbm>> -> memref<512xi32, #tpu.memory_space<hbm>>
      tpu.enqueue_dma source(%dma_start3A_130 : memref<512xi32, #tpu.memory_space<hbm>>) target(%arg5 : memref<512xi32, #tpu.memory_space<vmem>>) target_semaphore(%run_scoped3A : memref<!tpu.dma_semaphore, #tpu.memory_space<semaphore_mem>>)
      %dma_wait3A_131 = tpu.memref_slice %arg3[%add3A_10] : memref<262144xi32, #tpu.memory_space<hbm>> -> memref<512xi32, #tpu.memory_space<hbm>>
      %dma_wait3A_132 = tpu.memref_slice %arg3[%add3A_10] : memref<262144xi32, #tpu.memory_space<hbm>> -> memref<512xi32, #tpu.memory_space<hbm>>
      tpu.wait_dma2 semaphore(%run_scoped3A : memref<!tpu.dma_semaphore, #tpu.memory_space<semaphore_mem>>) src(%dma_wait3A_132 : memref<512xi32, #tpu.memory_space<hbm>>) dst(%arg5 : memref<512xi32, #tpu.memory_space<vmem>>)
      tpu.yield
    }) : () -> ()
    %dma_start3A_11 = arith.constant 0 : i32
    %dma_start3A_12 = arith.constant 0 : i32
    %dma_start3A_13 = tpu.memref_slice %arg2[%dma_start3A_11, %dma_start3A_12] : memref<16384x128xf32, #tpu.memory_space<hbm>> -> memref<16384x128xf32, #tpu.memory_space<hbm>>
    tpu.enqueue_indirect_dma source(%dma_start3A_13 : memref<16384x128xf32, #tpu.memory_space<hbm>>) target(%arg6 : memref<512x128xf32, #tpu.memory_space<vmem>>) offsets(%arg5 : memref<512xi32, #tpu.memory_space<vmem>>) semaphore(%arg7 : memref<!tpu.dma_semaphore, #tpu.memory_space<semaphore_mem>>)
    %dma_wait3A_14 = arith.constant 0 : i32
    %dma_wait3A_15 = arith.constant 0 : i32
    %dma_wait3A_16 = tpu.memref_slice %arg2[%dma_wait3A_14, %dma_wait3A_15] : memref<16384x128xf32, #tpu.memory_space<hbm>> -> memref<16384x128xf32, #tpu.memory_space<hbm>>
    tpu.wait_indirect_dma semaphore(%arg7 : memref<!tpu.dma_semaphore, #tpu.memory_space<semaphore_mem>>) src(%dma_wait3A_16 : memref<16384x128xf32, #tpu.memory_space<hbm>>) dst(%arg6 : memref<512x128xf32, #tpu.memory_space<vmem>>)
    "tpu.region"() ({
      %run_scoped3A = tpu.sem_alloc : memref<!tpu.dma_semaphore, #tpu.memory_space<semaphore_mem>>
      %dma_start3A_129 = arith.constant 0 : i32
      %dma_start3A_130 = tpu.memref_slice %arg4[%add3A_10, %dma_start3A_129] : memref<262144x128xf32, #tpu.memory_space<hbm>> -> memref<512x128xf32, #tpu.memory_space<hbm>>
      %dma_start3A_131 = arith.constant 0 : i32
      %dma_start3A_132 = tpu.memref_slice %arg4[%add3A_10, %dma_start3A_131] : memref<262144x128xf32, #tpu.memory_space<hbm>> -> memref<512x128xf32, #tpu.memory_space<hbm>>
      tpu.enqueue_dma source(%arg6 : memref<512x128xf32, #tpu.memory_space<vmem>>) target(%dma_start3A_132 : memref<512x128xf32, #tpu.memory_space<hbm>>) target_semaphore(%run_scoped3A : memref<!tpu.dma_semaphore, #tpu.memory_space<semaphore_mem>>)
      %dma_wait3A_133 = arith.constant 0 : i32
      %dma_wait3A_134 = tpu.memref_slice %arg4[%add3A_10, %dma_wait3A_133] : memref<262144x128xf32, #tpu.memory_space<hbm>> -> memref<512x128xf32, #tpu.memory_space<hbm>>
      %dma_wait3A_135 = arith.constant 0 : i32
      %dma_wait3A_136 = tpu.memref_slice %arg4[%add3A_10, %dma_wait3A_135] : memref<262144x128xf32, #tpu.memory_space<hbm>> -> memref<512x128xf32, #tpu.memory_space<hbm>>
      tpu.wait_dma2 semaphore(%run_scoped3A : memref<!tpu.dma_semaphore, #tpu.memory_space<semaphore_mem>>) src(%arg6 : memref<512x128xf32, #tpu.memory_space<vmem>>) dst(%dma_wait3A_136 : memref<512x128xf32, #tpu.memory_space<hbm>>)
      tpu.yield
    }) : () -> ()
    %add3A_17 = arith.constant 1024 : i32
    %add3A_18 = arith.addi %mul3A_2, %add3A_17 : i32
    "tpu.region"() ({
      %run_scoped3A = tpu.sem_alloc : memref<!tpu.dma_semaphore, #tpu.memory_space<semaphore_mem>>
      %dma_start3A_129 = tpu.memref_slice %arg3[%add3A_18] : memref<262144xi32, #tpu.memory_space<hbm>> -> memref<512xi32, #tpu.memory_space<hbm>>
      %dma_start3A_130 = tpu.memref_slice %arg3[%add3A_18] : memref<262144xi32, #tpu.memory_space<hbm>> -> memref<512xi32, #tpu.memory_space<hbm>>
      tpu.enqueue_dma source(%dma_start3A_130 : memref<512xi32, #tpu.memory_space<hbm>>) target(%arg5 : memref<512xi32, #tpu.memory_space<vmem>>) target_semaphore(%run_scoped3A : memref<!tpu.dma_semaphore, #tpu.memory_space<semaphore_mem>>)
      %dma_wait3A_131 = tpu.memref_slice %arg3[%add3A_18] : memref<262144xi32, #tpu.memory_space<hbm>> -> memref<512xi32, #tpu.memory_space<hbm>>
      %dma_wait3A_132 = tpu.memref_slice %arg3[%add3A_18] : memref<262144xi32, #tpu.memory_space<hbm>> -> memref<512xi32, #tpu.memory_space<hbm>>
      tpu.wait_dma2 semaphore(%run_scoped3A : memref<!tpu.dma_semaphore, #tpu.memory_space<semaphore_mem>>) src(%dma_wait3A_132 : memref<512xi32, #tpu.memory_space<hbm>>) dst(%arg5 : memref<512xi32, #tpu.memory_space<vmem>>)
      tpu.yield
    }) : () -> ()
    %dma_start3A_19 = arith.constant 0 : i32
    %dma_start3A_20 = arith.constant 0 : i32
    %dma_start3A_21 = tpu.memref_slice %arg2[%dma_start3A_19, %dma_start3A_20] : memref<16384x128xf32, #tpu.memory_space<hbm>> -> memref<16384x128xf32, #tpu.memory_space<hbm>>
    tpu.enqueue_indirect_dma source(%dma_start3A_21 : memref<16384x128xf32, #tpu.memory_space<hbm>>) target(%arg6 : memref<512x128xf32, #tpu.memory_space<vmem>>) offsets(%arg5 : memref<512xi32, #tpu.memory_space<vmem>>) semaphore(%arg7 : memref<!tpu.dma_semaphore, #tpu.memory_space<semaphore_mem>>)
    %dma_wait3A_22 = arith.constant 0 : i32
    %dma_wait3A_23 = arith.constant 0 : i32
    %dma_wait3A_24 = tpu.memref_slice %arg2[%dma_wait3A_22, %dma_wait3A_23] : memref<16384x128xf32, #tpu.memory_space<hbm>> -> memref<16384x128xf32, #tpu.memory_space<hbm>>
    tpu.wait_indirect_dma semaphore(%arg7 : memref<!tpu.dma_semaphore, #tpu.memory_space<semaphore_mem>>) src(%dma_wait3A_24 : memref<16384x128xf32, #tpu.memory_space<hbm>>) dst(%arg6 : memref<512x128xf32, #tpu.memory_space<vmem>>)
    "tpu.region"() ({
      %run_scoped3A = tpu.sem_alloc : memref<!tpu.dma_semaphore, #tpu.memory_space<semaphore_mem>>
      %dma_start3A_129 = arith.constant 0 : i32
      %dma_start3A_130 = tpu.memref_slice %arg4[%add3A_18, %dma_start3A_129] : memref<262144x128xf32, #tpu.memory_space<hbm>> -> memref<512x128xf32, #tpu.memory_space<hbm>>
      %dma_start3A_131 = arith.constant 0 : i32
      %dma_start3A_132 = tpu.memref_slice %arg4[%add3A_18, %dma_start3A_131] : memref<262144x128xf32, #tpu.memory_space<hbm>> -> memref<512x128xf32, #tpu.memory_space<hbm>>
      tpu.enqueue_dma source(%arg6 : memref<512x128xf32, #tpu.memory_space<vmem>>) target(%dma_start3A_132 : memref<512x128xf32, #tpu.memory_space<hbm>>) target_semaphore(%run_scoped3A : memref<!tpu.dma_semaphore, #tpu.memory_space<semaphore_mem>>)
      %dma_wait3A_133 = arith.constant 0 : i32
      %dma_wait3A_134 = tpu.memref_slice %arg4[%add3A_18, %dma_wait3A_133] : memref<262144x128xf32, #tpu.memory_space<hbm>> -> memref<512x128xf32, #tpu.memory_space<hbm>>
      %dma_wait3A_135 = arith.constant 0 : i32
      %dma_wait3A_136 = tpu.memref_slice %arg4[%add3A_18, %dma_wait3A_135] : memref<262144x128xf32, #tpu.memory_space<hbm>> -> memref<512x128xf32, #tpu.memory_space<hbm>>
      tpu.wait_dma2 semaphore(%run_scoped3A : memref<!tpu.dma_semaphore, #tpu.memory_space<semaphore_mem>>) src(%arg6 : memref<512x128xf32, #tpu.memory_space<vmem>>) dst(%dma_wait3A_136 : memref<512x128xf32, #tpu.memory_space<hbm>>)
      tpu.yield
    }) : () -> ()
    %add3A_25 = arith.constant 1536 : i32
    %add3A_26 = arith.addi %mul3A_2, %add3A_25 : i32
    "tpu.region"() ({
      %run_scoped3A = tpu.sem_alloc : memref<!tpu.dma_semaphore, #tpu.memory_space<semaphore_mem>>
      %dma_start3A_129 = tpu.memref_slice %arg3[%add3A_26] : memref<262144xi32, #tpu.memory_space<hbm>> -> memref<512xi32, #tpu.memory_space<hbm>>
      %dma_start3A_130 = tpu.memref_slice %arg3[%add3A_26] : memref<262144xi32, #tpu.memory_space<hbm>> -> memref<512xi32, #tpu.memory_space<hbm>>
      tpu.enqueue_dma source(%dma_start3A_130 : memref<512xi32, #tpu.memory_space<hbm>>) target(%arg5 : memref<512xi32, #tpu.memory_space<vmem>>) target_semaphore(%run_scoped3A : memref<!tpu.dma_semaphore, #tpu.memory_space<semaphore_mem>>)
      %dma_wait3A_131 = tpu.memref_slice %arg3[%add3A_26] : memref<262144xi32, #tpu.memory_space<hbm>> -> memref<512xi32, #tpu.memory_space<hbm>>
      %dma_wait3A_132 = tpu.memref_slice %arg3[%add3A_26] : memref<262144xi32, #tpu.memory_space<hbm>> -> memref<512xi32, #tpu.memory_space<hbm>>
      tpu.wait_dma2 semaphore(%run_scoped3A : memref<!tpu.dma_semaphore, #tpu.memory_space<semaphore_mem>>) src(%dma_wait3A_132 : memref<512xi32, #tpu.memory_space<hbm>>) dst(%arg5 : memref<512xi32, #tpu.memory_space<vmem>>)
      tpu.yield
    }) : () -> ()
    %dma_start3A_27 = arith.constant 0 : i32
    %dma_start3A_28 = arith.constant 0 : i32
    %dma_start3A_29 = tpu.memref_slice %arg2[%dma_start3A_27, %dma_start3A_28] : memref<16384x128xf32, #tpu.memory_space<hbm>> -> memref<16384x128xf32, #tpu.memory_space<hbm>>
    tpu.enqueue_indirect_dma source(%dma_start3A_29 : memref<16384x128xf32, #tpu.memory_space<hbm>>) target(%arg6 : memref<512x128xf32, #tpu.memory_space<vmem>>) offsets(%arg5 : memref<512xi32, #tpu.memory_space<vmem>>) semaphore(%arg7 : memref<!tpu.dma_semaphore, #tpu.memory_space<semaphore_mem>>)
    %dma_wait3A_30 = arith.constant 0 : i32
    %dma_wait3A_31 = arith.constant 0 : i32
    %dma_wait3A_32 = tpu.memref_slice %arg2[%dma_wait3A_30, %dma_wait3A_31] : memref<16384x128xf32, #tpu.memory_space<hbm>> -> memref<16384x128xf32, #tpu.memory_space<hbm>>
    tpu.wait_indirect_dma semaphore(%arg7 : memref<!tpu.dma_semaphore, #tpu.memory_space<semaphore_mem>>) src(%dma_wait3A_32 : memref<16384x128xf32, #tpu.memory_space<hbm>>) dst(%arg6 : memref<512x128xf32, #tpu.memory_space<vmem>>)
    "tpu.region"() ({
      %run_scoped3A = tpu.sem_alloc : memref<!tpu.dma_semaphore, #tpu.memory_space<semaphore_mem>>
      %dma_start3A_129 = arith.constant 0 : i32
      %dma_start3A_130 = tpu.memref_slice %arg4[%add3A_26, %dma_start3A_129] : memref<262144x128xf32, #tpu.memory_space<hbm>> -> memref<512x128xf32, #tpu.memory_space<hbm>>
      %dma_start3A_131 = arith.constant 0 : i32
      %dma_start3A_132 = tpu.memref_slice %arg4[%add3A_26, %dma_start3A_131] : memref<262144x128xf32, #tpu.memory_space<hbm>> -> memref<512x128xf32, #tpu.memory_space<hbm>>
      tpu.enqueue_dma source(%arg6 : memref<512x128xf32, #tpu.memory_space<vmem>>) target(%dma_start3A_132 : memref<512x128xf32, #tpu.memory_space<hbm>>) target_semaphore(%run_scoped3A : memref<!tpu.dma_semaphore, #tpu.memory_space<semaphore_mem>>)
      %dma_wait3A_133 = arith.constant 0 : i32
      %dma_wait3A_134 = tpu.memref_slice %arg4[%add3A_26, %dma_wait3A_133] : memref<262144x128xf32, #tpu.memory_space<hbm>> -> memref<512x128xf32, #tpu.memory_space<hbm>>
      %dma_wait3A_135 = arith.constant 0 : i32
      %dma_wait3A_136 = tpu.memref_slice %arg4[%add3A_26, %dma_wait3A_135] : memref<262144x128xf32, #tpu.memory_space<hbm>> -> memref<512x128xf32, #tpu.memory_space<hbm>>
      tpu.wait_dma2 semaphore(%run_scoped3A : memref<!tpu.dma_semaphore, #tpu.memory_space<semaphore_mem>>) src(%arg6 : memref<512x128xf32, #tpu.memory_space<vmem>>) dst(%dma_wait3A_136 : memref<512x128xf32, #tpu.memory_space<hbm>>)
      tpu.yield
    }) : () -> ()
    %add3A_33 = arith.constant 2048 : i32
    %add3A_34 = arith.addi %mul3A_2, %add3A_33 : i32
    "tpu.region"() ({
      %run_scoped3A = tpu.sem_alloc : memref<!tpu.dma_semaphore, #tpu.memory_space<semaphore_mem>>
      %dma_start3A_129 = tpu.memref_slice %arg3[%add3A_34] : memref<262144xi32, #tpu.memory_space<hbm>> -> memref<512xi32, #tpu.memory_space<hbm>>
      %dma_start3A_130 = tpu.memref_slice %arg3[%add3A_34] : memref<262144xi32, #tpu.memory_space<hbm>> -> memref<512xi32, #tpu.memory_space<hbm>>
      tpu.enqueue_dma source(%dma_start3A_130 : memref<512xi32, #tpu.memory_space<hbm>>) target(%arg5 : memref<512xi32, #tpu.memory_space<vmem>>) target_semaphore(%run_scoped3A : memref<!tpu.dma_semaphore, #tpu.memory_space<semaphore_mem>>)
      %dma_wait3A_131 = tpu.memref_slice %arg3[%add3A_34] : memref<262144xi32, #tpu.memory_space<hbm>> -> memref<512xi32, #tpu.memory_space<hbm>>
      %dma_wait3A_132 = tpu.memref_slice %arg3[%add3A_34] : memref<262144xi32, #tpu.memory_space<hbm>> -> memref<512xi32, #tpu.memory_space<hbm>>
      tpu.wait_dma2 semaphore(%run_scoped3A : memref<!tpu.dma_semaphore, #tpu.memory_space<semaphore_mem>>) src(%dma_wait3A_132 : memref<512xi32, #tpu.memory_space<hbm>>) dst(%arg5 : memref<512xi32, #tpu.memory_space<vmem>>)
      tpu.yield
    }) : () -> ()
    %dma_start3A_35 = arith.constant 0 : i32
    %dma_start3A_36 = arith.constant 0 : i32
    %dma_start3A_37 = tpu.memref_slice %arg2[%dma_start3A_35, %dma_start3A_36] : memref<16384x128xf32, #tpu.memory_space<hbm>> -> memref<16384x128xf32, #tpu.memory_space<hbm>>
    tpu.enqueue_indirect_dma source(%dma_start3A_37 : memref<16384x128xf32, #tpu.memory_space<hbm>>) target(%arg6 : memref<512x128xf32, #tpu.memory_space<vmem>>) offsets(%arg5 : memref<512xi32, #tpu.memory_space<vmem>>) semaphore(%arg7 : memref<!tpu.dma_semaphore, #tpu.memory_space<semaphore_mem>>)
    %dma_wait3A_38 = arith.constant 0 : i32
    %dma_wait3A_39 = arith.constant 0 : i32
    %dma_wait3A_40 = tpu.memref_slice %arg2[%dma_wait3A_38, %dma_wait3A_39] : memref<16384x128xf32, #tpu.memory_space<hbm>> -> memref<16384x128xf32, #tpu.memory_space<hbm>>
    tpu.wait_indirect_dma semaphore(%arg7 : memref<!tpu.dma_semaphore, #tpu.memory_space<semaphore_mem>>) src(%dma_wait3A_40 : memref<16384x128xf32, #tpu.memory_space<hbm>>) dst(%arg6 : memref<512x128xf32, #tpu.memory_space<vmem>>)
    "tpu.region"() ({
      %run_scoped3A = tpu.sem_alloc : memref<!tpu.dma_semaphore, #tpu.memory_space<semaphore_mem>>
      %dma_start3A_129 = arith.constant 0 : i32
      %dma_start3A_130 = tpu.memref_slice %arg4[%add3A_34, %dma_start3A_129] : memref<262144x128xf32, #tpu.memory_space<hbm>> -> memref<512x128xf32, #tpu.memory_space<hbm>>
      %dma_start3A_131 = arith.constant 0 : i32
      %dma_start3A_132 = tpu.memref_slice %arg4[%add3A_34, %dma_start3A_131] : memref<262144x128xf32, #tpu.memory_space<hbm>> -> memref<512x128xf32, #tpu.memory_space<hbm>>
      tpu.enqueue_dma source(%arg6 : memref<512x128xf32, #tpu.memory_space<vmem>>) target(%dma_start3A_132 : memref<512x128xf32, #tpu.memory_space<hbm>>) target_semaphore(%run_scoped3A : memref<!tpu.dma_semaphore, #tpu.memory_space<semaphore_mem>>)
      %dma_wait3A_133 = arith.constant 0 : i32
      %dma_wait3A_134 = tpu.memref_slice %arg4[%add3A_34, %dma_wait3A_133] : memref<262144x128xf32, #tpu.memory_space<hbm>> -> memref<512x128xf32, #tpu.memory_space<hbm>>
      %dma_wait3A_135 = arith.constant 0 : i32
      %dma_wait3A_136 = tpu.memref_slice %arg4[%add3A_34, %dma_wait3A_135] : memref<262144x128xf32, #tpu.memory_space<hbm>> -> memref<512x128xf32, #tpu.memory_space<hbm>>
      tpu.wait_dma2 semaphore(%run_scoped3A : memref<!tpu.dma_semaphore, #tpu.memory_space<semaphore_mem>>) src(%arg6 : memref<512x128xf32, #tpu.memory_space<vmem>>) dst(%dma_wait3A_136 : memref<512x128xf32, #tpu.memory_space<hbm>>)
      tpu.yield
    }) : () -> ()
    %add3A_41 = arith.constant 2560 : i32
    %add3A_42 = arith.addi %mul3A_2, %add3A_41 : i32
    "tpu.region"() ({
      %run_scoped3A = tpu.sem_alloc : memref<!tpu.dma_semaphore, #tpu.memory_space<semaphore_mem>>
      %dma_start3A_129 = tpu.memref_slice %arg3[%add3A_42] : memref<262144xi32, #tpu.memory_space<hbm>> -> memref<512xi32, #tpu.memory_space<hbm>>
      %dma_start3A_130 = tpu.memref_slice %arg3[%add3A_42] : memref<262144xi32, #tpu.memory_space<hbm>> -> memref<512xi32, #tpu.memory_space<hbm>>
      tpu.enqueue_dma source(%dma_start3A_130 : memref<512xi32, #tpu.memory_space<hbm>>) target(%arg5 : memref<512xi32, #tpu.memory_space<vmem>>) target_semaphore(%run_scoped3A : memref<!tpu.dma_semaphore, #tpu.memory_space<semaphore_mem>>)
      %dma_wait3A_131 = tpu.memref_slice %arg3[%add3A_42] : memref<262144xi32, #tpu.memory_space<hbm>> -> memref<512xi32, #tpu.memory_space<hbm>>
      %dma_wait3A_132 = tpu.memref_slice %arg3[%add3A_42] : memref<262144xi32, #tpu.memory_space<hbm>> -> memref<512xi32, #tpu.memory_space<hbm>>
      tpu.wait_dma2 semaphore(%run_scoped3A : memref<!tpu.dma_semaphore, #tpu.memory_space<semaphore_mem>>) src(%dma_wait3A_132 : memref<512xi32, #tpu.memory_space<hbm>>) dst(%arg5 : memref<512xi32, #tpu.memory_space<vmem>>)
      tpu.yield
    }) : () -> ()
    %dma_start3A_43 = arith.constant 0 : i32
    %dma_start3A_44 = arith.constant 0 : i32
    %dma_start3A_45 = tpu.memref_slice %arg2[%dma_start3A_43, %dma_start3A_44] : memref<16384x128xf32, #tpu.memory_space<hbm>> -> memref<16384x128xf32, #tpu.memory_space<hbm>>
    tpu.enqueue_indirect_dma source(%dma_start3A_45 : memref<16384x128xf32, #tpu.memory_space<hbm>>) target(%arg6 : memref<512x128xf32, #tpu.memory_space<vmem>>) offsets(%arg5 : memref<512xi32, #tpu.memory_space<vmem>>) semaphore(%arg7 : memref<!tpu.dma_semaphore, #tpu.memory_space<semaphore_mem>>)
    %dma_wait3A_46 = arith.constant 0 : i32
    %dma_wait3A_47 = arith.constant 0 : i32
    %dma_wait3A_48 = tpu.memref_slice %arg2[%dma_wait3A_46, %dma_wait3A_47] : memref<16384x128xf32, #tpu.memory_space<hbm>> -> memref<16384x128xf32, #tpu.memory_space<hbm>>
    tpu.wait_indirect_dma semaphore(%arg7 : memref<!tpu.dma_semaphore, #tpu.memory_space<semaphore_mem>>) src(%dma_wait3A_48 : memref<16384x128xf32, #tpu.memory_space<hbm>>) dst(%arg6 : memref<512x128xf32, #tpu.memory_space<vmem>>)
    "tpu.region"() ({
      %run_scoped3A = tpu.sem_alloc : memref<!tpu.dma_semaphore, #tpu.memory_space<semaphore_mem>>
      %dma_start3A_129 = arith.constant 0 : i32
      %dma_start3A_130 = tpu.memref_slice %arg4[%add3A_42, %dma_start3A_129] : memref<262144x128xf32, #tpu.memory_space<hbm>> -> memref<512x128xf32, #tpu.memory_space<hbm>>
      %dma_start3A_131 = arith.constant 0 : i32
      %dma_start3A_132 = tpu.memref_slice %arg4[%add3A_42, %dma_start3A_131] : memref<262144x128xf32, #tpu.memory_space<hbm>> -> memref<512x128xf32, #tpu.memory_space<hbm>>
      tpu.enqueue_dma source(%arg6 : memref<512x128xf32, #tpu.memory_space<vmem>>) target(%dma_start3A_132 : memref<512x128xf32, #tpu.memory_space<hbm>>) target_semaphore(%run_scoped3A : memref<!tpu.dma_semaphore, #tpu.memory_space<semaphore_mem>>)
      %dma_wait3A_133 = arith.constant 0 : i32
      %dma_wait3A_134 = tpu.memref_slice %arg4[%add3A_42, %dma_wait3A_133] : memref<262144x128xf32, #tpu.memory_space<hbm>> -> memref<512x128xf32, #tpu.memory_space<hbm>>
      %dma_wait3A_135 = arith.constant 0 : i32
      %dma_wait3A_136 = tpu.memref_slice %arg4[%add3A_42, %dma_wait3A_135] : memref<262144x128xf32, #tpu.memory_space<hbm>> -> memref<512x128xf32, #tpu.memory_space<hbm>>
      tpu.wait_dma2 semaphore(%run_scoped3A : memref<!tpu.dma_semaphore, #tpu.memory_space<semaphore_mem>>) src(%arg6 : memref<512x128xf32, #tpu.memory_space<vmem>>) dst(%dma_wait3A_136 : memref<512x128xf32, #tpu.memory_space<hbm>>)
      tpu.yield
    }) : () -> ()
    %add3A_49 = arith.constant 3072 : i32
    %add3A_50 = arith.addi %mul3A_2, %add3A_49 : i32
    "tpu.region"() ({
      %run_scoped3A = tpu.sem_alloc : memref<!tpu.dma_semaphore, #tpu.memory_space<semaphore_mem>>
      %dma_start3A_129 = tpu.memref_slice %arg3[%add3A_50] : memref<262144xi32, #tpu.memory_space<hbm>> -> memref<512xi32, #tpu.memory_space<hbm>>
      %dma_start3A_130 = tpu.memref_slice %arg3[%add3A_50] : memref<262144xi32, #tpu.memory_space<hbm>> -> memref<512xi32, #tpu.memory_space<hbm>>
      tpu.enqueue_dma source(%dma_start3A_130 : memref<512xi32, #tpu.memory_space<hbm>>) target(%arg5 : memref<512xi32, #tpu.memory_space<vmem>>) target_semaphore(%run_scoped3A : memref<!tpu.dma_semaphore, #tpu.memory_space<semaphore_mem>>)
      %dma_wait3A_131 = tpu.memref_slice %arg3[%add3A_50] : memref<262144xi32, #tpu.memory_space<hbm>> -> memref<512xi32, #tpu.memory_space<hbm>>
      %dma_wait3A_132 = tpu.memref_slice %arg3[%add3A_50] : memref<262144xi32, #tpu.memory_space<hbm>> -> memref<512xi32, #tpu.memory_space<hbm>>
      tpu.wait_dma2 semaphore(%run_scoped3A : memref<!tpu.dma_semaphore, #tpu.memory_space<semaphore_mem>>) src(%dma_wait3A_132 : memref<512xi32, #tpu.memory_space<hbm>>) dst(%arg5 : memref<512xi32, #tpu.memory_space<vmem>>)
      tpu.yield
    }) : () -> ()
    %dma_start3A_51 = arith.constant 0 : i32
    %dma_start3A_52 = arith.constant 0 : i32
    %dma_start3A_53 = tpu.memref_slice %arg2[%dma_start3A_51, %dma_start3A_52] : memref<16384x128xf32, #tpu.memory_space<hbm>> -> memref<16384x128xf32, #tpu.memory_space<hbm>>
    tpu.enqueue_indirect_dma source(%dma_start3A_53 : memref<16384x128xf32, #tpu.memory_space<hbm>>) target(%arg6 : memref<512x128xf32, #tpu.memory_space<vmem>>) offsets(%arg5 : memref<512xi32, #tpu.memory_space<vmem>>) semaphore(%arg7 : memref<!tpu.dma_semaphore, #tpu.memory_space<semaphore_mem>>)
    %dma_wait3A_54 = arith.constant 0 : i32
    %dma_wait3A_55 = arith.constant 0 : i32
    %dma_wait3A_56 = tpu.memref_slice %arg2[%dma_wait3A_54, %dma_wait3A_55] : memref<16384x128xf32, #tpu.memory_space<hbm>> -> memref<16384x128xf32, #tpu.memory_space<hbm>>
    tpu.wait_indirect_dma semaphore(%arg7 : memref<!tpu.dma_semaphore, #tpu.memory_space<semaphore_mem>>) src(%dma_wait3A_56 : memref<16384x128xf32, #tpu.memory_space<hbm>>) dst(%arg6 : memref<512x128xf32, #tpu.memory_space<vmem>>)
    "tpu.region"() ({
      %run_scoped3A = tpu.sem_alloc : memref<!tpu.dma_semaphore, #tpu.memory_space<semaphore_mem>>
      %dma_start3A_129 = arith.constant 0 : i32
      %dma_start3A_130 = tpu.memref_slice %arg4[%add3A_50, %dma_start3A_129] : memref<262144x128xf32, #tpu.memory_space<hbm>> -> memref<512x128xf32, #tpu.memory_space<hbm>>
      %dma_start3A_131 = arith.constant 0 : i32
      %dma_start3A_132 = tpu.memref_slice %arg4[%add3A_50, %dma_start3A_131] : memref<262144x128xf32, #tpu.memory_space<hbm>> -> memref<512x128xf32, #tpu.memory_space<hbm>>
      tpu.enqueue_dma source(%arg6 : memref<512x128xf32, #tpu.memory_space<vmem>>) target(%dma_start3A_132 : memref<512x128xf32, #tpu.memory_space<hbm>>) target_semaphore(%run_scoped3A : memref<!tpu.dma_semaphore, #tpu.memory_space<semaphore_mem>>)
      %dma_wait3A_133 = arith.constant 0 : i32
      %dma_wait3A_134 = tpu.memref_slice %arg4[%add3A_50, %dma_wait3A_133] : memref<262144x128xf32, #tpu.memory_space<hbm>> -> memref<512x128xf32, #tpu.memory_space<hbm>>
      %dma_wait3A_135 = arith.constant 0 : i32
      %dma_wait3A_136 = tpu.memref_slice %arg4[%add3A_50, %dma_wait3A_135] : memref<262144x128xf32, #tpu.memory_space<hbm>> -> memref<512x128xf32, #tpu.memory_space<hbm>>
      tpu.wait_dma2 semaphore(%run_scoped3A : memref<!tpu.dma_semaphore, #tpu.memory_space<semaphore_mem>>) src(%arg6 : memref<512x128xf32, #tpu.memory_space<vmem>>) dst(%dma_wait3A_136 : memref<512x128xf32, #tpu.memory_space<hbm>>)
      tpu.yield
    }) : () -> ()
    %add3A_57 = arith.constant 3584 : i32
    %add3A_58 = arith.addi %mul3A_2, %add3A_57 : i32
    "tpu.region"() ({
      %run_scoped3A = tpu.sem_alloc : memref<!tpu.dma_semaphore, #tpu.memory_space<semaphore_mem>>
      %dma_start3A_129 = tpu.memref_slice %arg3[%add3A_58] : memref<262144xi32, #tpu.memory_space<hbm>> -> memref<512xi32, #tpu.memory_space<hbm>>
      %dma_start3A_130 = tpu.memref_slice %arg3[%add3A_58] : memref<262144xi32, #tpu.memory_space<hbm>> -> memref<512xi32, #tpu.memory_space<hbm>>
      tpu.enqueue_dma source(%dma_start3A_130 : memref<512xi32, #tpu.memory_space<hbm>>) target(%arg5 : memref<512xi32, #tpu.memory_space<vmem>>) target_semaphore(%run_scoped3A : memref<!tpu.dma_semaphore, #tpu.memory_space<semaphore_mem>>)
      %dma_wait3A_131 = tpu.memref_slice %arg3[%add3A_58] : memref<262144xi32, #tpu.memory_space<hbm>> -> memref<512xi32, #tpu.memory_space<hbm>>
      %dma_wait3A_132 = tpu.memref_slice %arg3[%add3A_58] : memref<262144xi32, #tpu.memory_space<hbm>> -> memref<512xi32, #tpu.memory_space<hbm>>
      tpu.wait_dma2 semaphore(%run_scoped3A : memref<!tpu.dma_semaphore, #tpu.memory_space<semaphore_mem>>) src(%dma_wait3A_132 : memref<512xi32, #tpu.memory_space<hbm>>) dst(%arg5 : memref<512xi32, #tpu.memory_space<vmem>>)
      tpu.yield
    }) : () -> ()
    %dma_start3A_59 = arith.constant 0 : i32
    %dma_start3A_60 = arith.constant 0 : i32
    %dma_start3A_61 = tpu.memref_slice %arg2[%dma_start3A_59, %dma_start3A_60] : memref<16384x128xf32, #tpu.memory_space<hbm>> -> memref<16384x128xf32, #tpu.memory_space<hbm>>
    tpu.enqueue_indirect_dma source(%dma_start3A_61 : memref<16384x128xf32, #tpu.memory_space<hbm>>) target(%arg6 : memref<512x128xf32, #tpu.memory_space<vmem>>) offsets(%arg5 : memref<512xi32, #tpu.memory_space<vmem>>) semaphore(%arg7 : memref<!tpu.dma_semaphore, #tpu.memory_space<semaphore_mem>>)
    %dma_wait3A_62 = arith.constant 0 : i32
    %dma_wait3A_63 = arith.constant 0 : i32
    %dma_wait3A_64 = tpu.memref_slice %arg2[%dma_wait3A_62, %dma_wait3A_63] : memref<16384x128xf32, #tpu.memory_space<hbm>> -> memref<16384x128xf32, #tpu.memory_space<hbm>>
    tpu.wait_indirect_dma semaphore(%arg7 : memref<!tpu.dma_semaphore, #tpu.memory_space<semaphore_mem>>) src(%dma_wait3A_64 : memref<16384x128xf32, #tpu.memory_space<hbm>>) dst(%arg6 : memref<512x128xf32, #tpu.memory_space<vmem>>)
    "tpu.region"() ({
      %run_scoped3A = tpu.sem_alloc : memref<!tpu.dma_semaphore, #tpu.memory_space<semaphore_mem>>
      %dma_start3A_129 = arith.constant 0 : i32
      %dma_start3A_130 = tpu.memref_slice %arg4[%add3A_58, %dma_start3A_129] : memref<262144x128xf32, #tpu.memory_space<hbm>> -> memref<512x128xf32, #tpu.memory_space<hbm>>
      %dma_start3A_131 = arith.constant 0 : i32
      %dma_start3A_132 = tpu.memref_slice %arg4[%add3A_58, %dma_start3A_131] : memref<262144x128xf32, #tpu.memory_space<hbm>> -> memref<512x128xf32, #tpu.memory_space<hbm>>
      tpu.enqueue_dma source(%arg6 : memref<512x128xf32, #tpu.memory_space<vmem>>) target(%dma_start3A_132 : memref<512x128xf32, #tpu.memory_space<hbm>>) target_semaphore(%run_scoped3A : memref<!tpu.dma_semaphore, #tpu.memory_space<semaphore_mem>>)
      %dma_wait3A_133 = arith.constant 0 : i32
      %dma_wait3A_134 = tpu.memref_slice %arg4[%add3A_58, %dma_wait3A_133] : memref<262144x128xf32, #tpu.memory_space<hbm>> -> memref<512x128xf32, #tpu.memory_space<hbm>>
      %dma_wait3A_135 = arith.constant 0 : i32
      %dma_wait3A_136 = tpu.memref_slice %arg4[%add3A_58, %dma_wait3A_135] : memref<262144x128xf32, #tpu.memory_space<hbm>> -> memref<512x128xf32, #tpu.memory_space<hbm>>
      tpu.wait_dma2 semaphore(%run_scoped3A : memref<!tpu.dma_semaphore, #tpu.memory_space<semaphore_mem>>) src(%arg6 : memref<512x128xf32, #tpu.memory_space<vmem>>) dst(%dma_wait3A_136 : memref<512x128xf32, #tpu.memory_space<hbm>>)
      tpu.yield
    }) : () -> ()
    %add3A_65 = arith.constant 4096 : i32
    %add3A_66 = arith.addi %mul3A_2, %add3A_65 : i32
    "tpu.region"() ({
      %run_scoped3A = tpu.sem_alloc : memref<!tpu.dma_semaphore, #tpu.memory_space<semaphore_mem>>
      %dma_start3A_129 = tpu.memref_slice %arg3[%add3A_66] : memref<262144xi32, #tpu.memory_space<hbm>> -> memref<512xi32, #tpu.memory_space<hbm>>
      %dma_start3A_130 = tpu.memref_slice %arg3[%add3A_66] : memref<262144xi32, #tpu.memory_space<hbm>> -> memref<512xi32, #tpu.memory_space<hbm>>
      tpu.enqueue_dma source(%dma_start3A_130 : memref<512xi32, #tpu.memory_space<hbm>>) target(%arg5 : memref<512xi32, #tpu.memory_space<vmem>>) target_semaphore(%run_scoped3A : memref<!tpu.dma_semaphore, #tpu.memory_space<semaphore_mem>>)
      %dma_wait3A_131 = tpu.memref_slice %arg3[%add3A_66] : memref<262144xi32, #tpu.memory_space<hbm>> -> memref<512xi32, #tpu.memory_space<hbm>>
      %dma_wait3A_132 = tpu.memref_slice %arg3[%add3A_66] : memref<262144xi32, #tpu.memory_space<hbm>> -> memref<512xi32, #tpu.memory_space<hbm>>
      tpu.wait_dma2 semaphore(%run_scoped3A : memref<!tpu.dma_semaphore, #tpu.memory_space<semaphore_mem>>) src(%dma_wait3A_132 : memref<512xi32, #tpu.memory_space<hbm>>) dst(%arg5 : memref<512xi32, #tpu.memory_space<vmem>>)
      tpu.yield
    }) : () -> ()
    %dma_start3A_67 = arith.constant 0 : i32
    %dma_start3A_68 = arith.constant 0 : i32
    %dma_start3A_69 = tpu.memref_slice %arg2[%dma_start3A_67, %dma_start3A_68] : memref<16384x128xf32, #tpu.memory_space<hbm>> -> memref<16384x128xf32, #tpu.memory_space<hbm>>
    tpu.enqueue_indirect_dma source(%dma_start3A_69 : memref<16384x128xf32, #tpu.memory_space<hbm>>) target(%arg6 : memref<512x128xf32, #tpu.memory_space<vmem>>) offsets(%arg5 : memref<512xi32, #tpu.memory_space<vmem>>) semaphore(%arg7 : memref<!tpu.dma_semaphore, #tpu.memory_space<semaphore_mem>>)
    %dma_wait3A_70 = arith.constant 0 : i32
    %dma_wait3A_71 = arith.constant 0 : i32
    %dma_wait3A_72 = tpu.memref_slice %arg2[%dma_wait3A_70, %dma_wait3A_71] : memref<16384x128xf32, #tpu.memory_space<hbm>> -> memref<16384x128xf32, #tpu.memory_space<hbm>>
    tpu.wait_indirect_dma semaphore(%arg7 : memref<!tpu.dma_semaphore, #tpu.memory_space<semaphore_mem>>) src(%dma_wait3A_72 : memref<16384x128xf32, #tpu.memory_space<hbm>>) dst(%arg6 : memref<512x128xf32, #tpu.memory_space<vmem>>)
    "tpu.region"() ({
      %run_scoped3A = tpu.sem_alloc : memref<!tpu.dma_semaphore, #tpu.memory_space<semaphore_mem>>
      %dma_start3A_129 = arith.constant 0 : i32
      %dma_start3A_130 = tpu.memref_slice %arg4[%add3A_66, %dma_start3A_129] : memref<262144x128xf32, #tpu.memory_space<hbm>> -> memref<512x128xf32, #tpu.memory_space<hbm>>
      %dma_start3A_131 = arith.constant 0 : i32
      %dma_start3A_132 = tpu.memref_slice %arg4[%add3A_66, %dma_start3A_131] : memref<262144x128xf32, #tpu.memory_space<hbm>> -> memref<512x128xf32, #tpu.memory_space<hbm>>
      tpu.enqueue_dma source(%arg6 : memref<512x128xf32, #tpu.memory_space<vmem>>) target(%dma_start3A_132 : memref<512x128xf32, #tpu.memory_space<hbm>>) target_semaphore(%run_scoped3A : memref<!tpu.dma_semaphore, #tpu.memory_space<semaphore_mem>>)
      %dma_wait3A_133 = arith.constant 0 : i32
      %dma_wait3A_134 = tpu.memref_slice %arg4[%add3A_66, %dma_wait3A_133] : memref<262144x128xf32, #tpu.memory_space<hbm>> -> memref<512x128xf32, #tpu.memory_space<hbm>>
      %dma_wait3A_135 = arith.constant 0 : i32
      %dma_wait3A_136 = tpu.memref_slice %arg4[%add3A_66, %dma_wait3A_135] : memref<262144x128xf32, #tpu.memory_space<hbm>> -> memref<512x128xf32, #tpu.memory_space<hbm>>
      tpu.wait_dma2 semaphore(%run_scoped3A : memref<!tpu.dma_semaphore, #tpu.memory_space<semaphore_mem>>) src(%arg6 : memref<512x128xf32, #tpu.memory_space<vmem>>) dst(%dma_wait3A_136 : memref<512x128xf32, #tpu.memory_space<hbm>>)
      tpu.yield
    }) : () -> ()
    %add3A_73 = arith.constant 4608 : i32
    %add3A_74 = arith.addi %mul3A_2, %add3A_73 : i32
    "tpu.region"() ({
      %run_scoped3A = tpu.sem_alloc : memref<!tpu.dma_semaphore, #tpu.memory_space<semaphore_mem>>
      %dma_start3A_129 = tpu.memref_slice %arg3[%add3A_74] : memref<262144xi32, #tpu.memory_space<hbm>> -> memref<512xi32, #tpu.memory_space<hbm>>
      %dma_start3A_130 = tpu.memref_slice %arg3[%add3A_74] : memref<262144xi32, #tpu.memory_space<hbm>> -> memref<512xi32, #tpu.memory_space<hbm>>
      tpu.enqueue_dma source(%dma_start3A_130 : memref<512xi32, #tpu.memory_space<hbm>>) target(%arg5 : memref<512xi32, #tpu.memory_space<vmem>>) target_semaphore(%run_scoped3A : memref<!tpu.dma_semaphore, #tpu.memory_space<semaphore_mem>>)
      %dma_wait3A_131 = tpu.memref_slice %arg3[%add3A_74] : memref<262144xi32, #tpu.memory_space<hbm>> -> memref<512xi32, #tpu.memory_space<hbm>>
      %dma_wait3A_132 = tpu.memref_slice %arg3[%add3A_74] : memref<262144xi32, #tpu.memory_space<hbm>> -> memref<512xi32, #tpu.memory_space<hbm>>
      tpu.wait_dma2 semaphore(%run_scoped3A : memref<!tpu.dma_semaphore, #tpu.memory_space<semaphore_mem>>) src(%dma_wait3A_132 : memref<512xi32, #tpu.memory_space<hbm>>) dst(%arg5 : memref<512xi32, #tpu.memory_space<vmem>>)
      tpu.yield
    }) : () -> ()
    %dma_start3A_75 = arith.constant 0 : i32
    %dma_start3A_76 = arith.constant 0 : i32
    %dma_start3A_77 = tpu.memref_slice %arg2[%dma_start3A_75, %dma_start3A_76] : memref<16384x128xf32, #tpu.memory_space<hbm>> -> memref<16384x128xf32, #tpu.memory_space<hbm>>
    tpu.enqueue_indirect_dma source(%dma_start3A_77 : memref<16384x128xf32, #tpu.memory_space<hbm>>) target(%arg6 : memref<512x128xf32, #tpu.memory_space<vmem>>) offsets(%arg5 : memref<512xi32, #tpu.memory_space<vmem>>) semaphore(%arg7 : memref<!tpu.dma_semaphore, #tpu.memory_space<semaphore_mem>>)
    %dma_wait3A_78 = arith.constant 0 : i32
    %dma_wait3A_79 = arith.constant 0 : i32
    %dma_wait3A_80 = tpu.memref_slice %arg2[%dma_wait3A_78, %dma_wait3A_79] : memref<16384x128xf32, #tpu.memory_space<hbm>> -> memref<16384x128xf32, #tpu.memory_space<hbm>>
    tpu.wait_indirect_dma semaphore(%arg7 : memref<!tpu.dma_semaphore, #tpu.memory_space<semaphore_mem>>) src(%dma_wait3A_80 : memref<16384x128xf32, #tpu.memory_space<hbm>>) dst(%arg6 : memref<512x128xf32, #tpu.memory_space<vmem>>)
    "tpu.region"() ({
      %run_scoped3A = tpu.sem_alloc : memref<!tpu.dma_semaphore, #tpu.memory_space<semaphore_mem>>
      %dma_start3A_129 = arith.constant 0 : i32
      %dma_start3A_130 = tpu.memref_slice %arg4[%add3A_74, %dma_start3A_129] : memref<262144x128xf32, #tpu.memory_space<hbm>> -> memref<512x128xf32, #tpu.memory_space<hbm>>
      %dma_start3A_131 = arith.constant 0 : i32
      %dma_start3A_132 = tpu.memref_slice %arg4[%add3A_74, %dma_start3A_131] : memref<262144x128xf32, #tpu.memory_space<hbm>> -> memref<512x128xf32, #tpu.memory_space<hbm>>
      tpu.enqueue_dma source(%arg6 : memref<512x128xf32, #tpu.memory_space<vmem>>) target(%dma_start3A_132 : memref<512x128xf32, #tpu.memory_space<hbm>>) target_semaphore(%run_scoped3A : memref<!tpu.dma_semaphore, #tpu.memory_space<semaphore_mem>>)
      %dma_wait3A_133 = arith.constant 0 : i32
      %dma_wait3A_134 = tpu.memref_slice %arg4[%add3A_74, %dma_wait3A_133] : memref<262144x128xf32, #tpu.memory_space<hbm>> -> memref<512x128xf32, #tpu.memory_space<hbm>>
      %dma_wait3A_135 = arith.constant 0 : i32
      %dma_wait3A_136 = tpu.memref_slice %arg4[%add3A_74, %dma_wait3A_135] : memref<262144x128xf32, #tpu.memory_space<hbm>> -> memref<512x128xf32, #tpu.memory_space<hbm>>
      tpu.wait_dma2 semaphore(%run_scoped3A : memref<!tpu.dma_semaphore, #tpu.memory_space<semaphore_mem>>) src(%arg6 : memref<512x128xf32, #tpu.memory_space<vmem>>) dst(%dma_wait3A_136 : memref<512x128xf32, #tpu.memory_space<hbm>>)
      tpu.yield
    }) : () -> ()
    %add3A_81 = arith.constant 5120 : i32
    %add3A_82 = arith.addi %mul3A_2, %add3A_81 : i32
    "tpu.region"() ({
      %run_scoped3A = tpu.sem_alloc : memref<!tpu.dma_semaphore, #tpu.memory_space<semaphore_mem>>
      %dma_start3A_129 = tpu.memref_slice %arg3[%add3A_82] : memref<262144xi32, #tpu.memory_space<hbm>> -> memref<512xi32, #tpu.memory_space<hbm>>
      %dma_start3A_130 = tpu.memref_slice %arg3[%add3A_82] : memref<262144xi32, #tpu.memory_space<hbm>> -> memref<512xi32, #tpu.memory_space<hbm>>
      tpu.enqueue_dma source(%dma_start3A_130 : memref<512xi32, #tpu.memory_space<hbm>>) target(%arg5 : memref<512xi32, #tpu.memory_space<vmem>>) target_semaphore(%run_scoped3A : memref<!tpu.dma_semaphore, #tpu.memory_space<semaphore_mem>>)
      %dma_wait3A_131 = tpu.memref_slice %arg3[%add3A_82] : memref<262144xi32, #tpu.memory_space<hbm>> -> memref<512xi32, #tpu.memory_space<hbm>>
      %dma_wait3A_132 = tpu.memref_slice %arg3[%add3A_82] : memref<262144xi32, #tpu.memory_space<hbm>> -> memref<512xi32, #tpu.memory_space<hbm>>
      tpu.wait_dma2 semaphore(%run_scoped3A : memref<!tpu.dma_semaphore, #tpu.memory_space<semaphore_mem>>) src(%dma_wait3A_132 : memref<512xi32, #tpu.memory_space<hbm>>) dst(%arg5 : memref<512xi32, #tpu.memory_space<vmem>>)
      tpu.yield
    }) : () -> ()
    %dma_start3A_83 = arith.constant 0 : i32
    %dma_start3A_84 = arith.constant 0 : i32
    %dma_start3A_85 = tpu.memref_slice %arg2[%dma_start3A_83, %dma_start3A_84] : memref<16384x128xf32, #tpu.memory_space<hbm>> -> memref<16384x128xf32, #tpu.memory_space<hbm>>
    tpu.enqueue_indirect_dma source(%dma_start3A_85 : memref<16384x128xf32, #tpu.memory_space<hbm>>) target(%arg6 : memref<512x128xf32, #tpu.memory_space<vmem>>) offsets(%arg5 : memref<512xi32, #tpu.memory_space<vmem>>) semaphore(%arg7 : memref<!tpu.dma_semaphore, #tpu.memory_space<semaphore_mem>>)
    %dma_wait3A_86 = arith.constant 0 : i32
    %dma_wait3A_87 = arith.constant 0 : i32
    %dma_wait3A_88 = tpu.memref_slice %arg2[%dma_wait3A_86, %dma_wait3A_87] : memref<16384x128xf32, #tpu.memory_space<hbm>> -> memref<16384x128xf32, #tpu.memory_space<hbm>>
    tpu.wait_indirect_dma semaphore(%arg7 : memref<!tpu.dma_semaphore, #tpu.memory_space<semaphore_mem>>) src(%dma_wait3A_88 : memref<16384x128xf32, #tpu.memory_space<hbm>>) dst(%arg6 : memref<512x128xf32, #tpu.memory_space<vmem>>)
    "tpu.region"() ({
      %run_scoped3A = tpu.sem_alloc : memref<!tpu.dma_semaphore, #tpu.memory_space<semaphore_mem>>
      %dma_start3A_129 = arith.constant 0 : i32
      %dma_start3A_130 = tpu.memref_slice %arg4[%add3A_82, %dma_start3A_129] : memref<262144x128xf32, #tpu.memory_space<hbm>> -> memref<512x128xf32, #tpu.memory_space<hbm>>
      %dma_start3A_131 = arith.constant 0 : i32
      %dma_start3A_132 = tpu.memref_slice %arg4[%add3A_82, %dma_start3A_131] : memref<262144x128xf32, #tpu.memory_space<hbm>> -> memref<512x128xf32, #tpu.memory_space<hbm>>
      tpu.enqueue_dma source(%arg6 : memref<512x128xf32, #tpu.memory_space<vmem>>) target(%dma_start3A_132 : memref<512x128xf32, #tpu.memory_space<hbm>>) target_semaphore(%run_scoped3A : memref<!tpu.dma_semaphore, #tpu.memory_space<semaphore_mem>>)
      %dma_wait3A_133 = arith.constant 0 : i32
      %dma_wait3A_134 = tpu.memref_slice %arg4[%add3A_82, %dma_wait3A_133] : memref<262144x128xf32, #tpu.memory_space<hbm>> -> memref<512x128xf32, #tpu.memory_space<hbm>>
      %dma_wait3A_135 = arith.constant 0 : i32
      %dma_wait3A_136 = tpu.memref_slice %arg4[%add3A_82, %dma_wait3A_135] : memref<262144x128xf32, #tpu.memory_space<hbm>> -> memref<512x128xf32, #tpu.memory_space<hbm>>
      tpu.wait_dma2 semaphore(%run_scoped3A : memref<!tpu.dma_semaphore, #tpu.memory_space<semaphore_mem>>) src(%arg6 : memref<512x128xf32, #tpu.memory_space<vmem>>) dst(%dma_wait3A_136 : memref<512x128xf32, #tpu.memory_space<hbm>>)
      tpu.yield
    }) : () -> ()
    %add3A_89 = arith.constant 5632 : i32
    %add3A_90 = arith.addi %mul3A_2, %add3A_89 : i32
    "tpu.region"() ({
      %run_scoped3A = tpu.sem_alloc : memref<!tpu.dma_semaphore, #tpu.memory_space<semaphore_mem>>
      %dma_start3A_129 = tpu.memref_slice %arg3[%add3A_90] : memref<262144xi32, #tpu.memory_space<hbm>> -> memref<512xi32, #tpu.memory_space<hbm>>
      %dma_start3A_130 = tpu.memref_slice %arg3[%add3A_90] : memref<262144xi32, #tpu.memory_space<hbm>> -> memref<512xi32, #tpu.memory_space<hbm>>
      tpu.enqueue_dma source(%dma_start3A_130 : memref<512xi32, #tpu.memory_space<hbm>>) target(%arg5 : memref<512xi32, #tpu.memory_space<vmem>>) target_semaphore(%run_scoped3A : memref<!tpu.dma_semaphore, #tpu.memory_space<semaphore_mem>>)
      %dma_wait3A_131 = tpu.memref_slice %arg3[%add3A_90] : memref<262144xi32, #tpu.memory_space<hbm>> -> memref<512xi32, #tpu.memory_space<hbm>>
      %dma_wait3A_132 = tpu.memref_slice %arg3[%add3A_90] : memref<262144xi32, #tpu.memory_space<hbm>> -> memref<512xi32, #tpu.memory_space<hbm>>
      tpu.wait_dma2 semaphore(%run_scoped3A : memref<!tpu.dma_semaphore, #tpu.memory_space<semaphore_mem>>) src(%dma_wait3A_132 : memref<512xi32, #tpu.memory_space<hbm>>) dst(%arg5 : memref<512xi32, #tpu.memory_space<vmem>>)
      tpu.yield
    }) : () -> ()
    %dma_start3A_91 = arith.constant 0 : i32
    %dma_start3A_92 = arith.constant 0 : i32
    %dma_start3A_93 = tpu.memref_slice %arg2[%dma_start3A_91, %dma_start3A_92] : memref<16384x128xf32, #tpu.memory_space<hbm>> -> memref<16384x128xf32, #tpu.memory_space<hbm>>
    tpu.enqueue_indirect_dma source(%dma_start3A_93 : memref<16384x128xf32, #tpu.memory_space<hbm>>) target(%arg6 : memref<512x128xf32, #tpu.memory_space<vmem>>) offsets(%arg5 : memref<512xi32, #tpu.memory_space<vmem>>) semaphore(%arg7 : memref<!tpu.dma_semaphore, #tpu.memory_space<semaphore_mem>>)
    %dma_wait3A_94 = arith.constant 0 : i32
    %dma_wait3A_95 = arith.constant 0 : i32
    %dma_wait3A_96 = tpu.memref_slice %arg2[%dma_wait3A_94, %dma_wait3A_95] : memref<16384x128xf32, #tpu.memory_space<hbm>> -> memref<16384x128xf32, #tpu.memory_space<hbm>>
    tpu.wait_indirect_dma semaphore(%arg7 : memref<!tpu.dma_semaphore, #tpu.memory_space<semaphore_mem>>) src(%dma_wait3A_96 : memref<16384x128xf32, #tpu.memory_space<hbm>>) dst(%arg6 : memref<512x128xf32, #tpu.memory_space<vmem>>)
    "tpu.region"() ({
      %run_scoped3A = tpu.sem_alloc : memref<!tpu.dma_semaphore, #tpu.memory_space<semaphore_mem>>
      %dma_start3A_129 = arith.constant 0 : i32
      %dma_start3A_130 = tpu.memref_slice %arg4[%add3A_90, %dma_start3A_129] : memref<262144x128xf32, #tpu.memory_space<hbm>> -> memref<512x128xf32, #tpu.memory_space<hbm>>
      %dma_start3A_131 = arith.constant 0 : i32
      %dma_start3A_132 = tpu.memref_slice %arg4[%add3A_90, %dma_start3A_131] : memref<262144x128xf32, #tpu.memory_space<hbm>> -> memref<512x128xf32, #tpu.memory_space<hbm>>
      tpu.enqueue_dma source(%arg6 : memref<512x128xf32, #tpu.memory_space<vmem>>) target(%dma_start3A_132 : memref<512x128xf32, #tpu.memory_space<hbm>>) target_semaphore(%run_scoped3A : memref<!tpu.dma_semaphore, #tpu.memory_space<semaphore_mem>>)
      %dma_wait3A_133 = arith.constant 0 : i32
      %dma_wait3A_134 = tpu.memref_slice %arg4[%add3A_90, %dma_wait3A_133] : memref<262144x128xf32, #tpu.memory_space<hbm>> -> memref<512x128xf32, #tpu.memory_space<hbm>>
      %dma_wait3A_135 = arith.constant 0 : i32
      %dma_wait3A_136 = tpu.memref_slice %arg4[%add3A_90, %dma_wait3A_135] : memref<262144x128xf32, #tpu.memory_space<hbm>> -> memref<512x128xf32, #tpu.memory_space<hbm>>
      tpu.wait_dma2 semaphore(%run_scoped3A : memref<!tpu.dma_semaphore, #tpu.memory_space<semaphore_mem>>) src(%arg6 : memref<512x128xf32, #tpu.memory_space<vmem>>) dst(%dma_wait3A_136 : memref<512x128xf32, #tpu.memory_space<hbm>>)
      tpu.yield
    }) : () -> ()
    %add3A_97 = arith.constant 6144 : i32
    %add3A_98 = arith.addi %mul3A_2, %add3A_97 : i32
    "tpu.region"() ({
      %run_scoped3A = tpu.sem_alloc : memref<!tpu.dma_semaphore, #tpu.memory_space<semaphore_mem>>
      %dma_start3A_129 = tpu.memref_slice %arg3[%add3A_98] : memref<262144xi32, #tpu.memory_space<hbm>> -> memref<512xi32, #tpu.memory_space<hbm>>
      %dma_start3A_130 = tpu.memref_slice %arg3[%add3A_98] : memref<262144xi32, #tpu.memory_space<hbm>> -> memref<512xi32, #tpu.memory_space<hbm>>
      tpu.enqueue_dma source(%dma_start3A_130 : memref<512xi32, #tpu.memory_space<hbm>>) target(%arg5 : memref<512xi32, #tpu.memory_space<vmem>>) target_semaphore(%run_scoped3A : memref<!tpu.dma_semaphore, #tpu.memory_space<semaphore_mem>>)
      %dma_wait3A_131 = tpu.memref_slice %arg3[%add3A_98] : memref<262144xi32, #tpu.memory_space<hbm>> -> memref<512xi32, #tpu.memory_space<hbm>>
      %dma_wait3A_132 = tpu.memref_slice %arg3[%add3A_98] : memref<262144xi32, #tpu.memory_space<hbm>> -> memref<512xi32, #tpu.memory_space<hbm>>
      tpu.wait_dma2 semaphore(%run_scoped3A : memref<!tpu.dma_semaphore, #tpu.memory_space<semaphore_mem>>) src(%dma_wait3A_132 : memref<512xi32, #tpu.memory_space<hbm>>) dst(%arg5 : memref<512xi32, #tpu.memory_space<vmem>>)
      tpu.yield
    }) : () -> ()
    %dma_start3A_99 = arith.constant 0 : i32
    %dma_start3A_100 = arith.constant 0 : i32
    %dma_start3A_101 = tpu.memref_slice %arg2[%dma_start3A_99, %dma_start3A_100] : memref<16384x128xf32, #tpu.memory_space<hbm>> -> memref<16384x128xf32, #tpu.memory_space<hbm>>
    tpu.enqueue_indirect_dma source(%dma_start3A_101 : memref<16384x128xf32, #tpu.memory_space<hbm>>) target(%arg6 : memref<512x128xf32, #tpu.memory_space<vmem>>) offsets(%arg5 : memref<512xi32, #tpu.memory_space<vmem>>) semaphore(%arg7 : memref<!tpu.dma_semaphore, #tpu.memory_space<semaphore_mem>>)
    %dma_wait3A_102 = arith.constant 0 : i32
    %dma_wait3A_103 = arith.constant 0 : i32
    %dma_wait3A_104 = tpu.memref_slice %arg2[%dma_wait3A_102, %dma_wait3A_103] : memref<16384x128xf32, #tpu.memory_space<hbm>> -> memref<16384x128xf32, #tpu.memory_space<hbm>>
    tpu.wait_indirect_dma semaphore(%arg7 : memref<!tpu.dma_semaphore, #tpu.memory_space<semaphore_mem>>) src(%dma_wait3A_104 : memref<16384x128xf32, #tpu.memory_space<hbm>>) dst(%arg6 : memref<512x128xf32, #tpu.memory_space<vmem>>)
    "tpu.region"() ({
      %run_scoped3A = tpu.sem_alloc : memref<!tpu.dma_semaphore, #tpu.memory_space<semaphore_mem>>
      %dma_start3A_129 = arith.constant 0 : i32
      %dma_start3A_130 = tpu.memref_slice %arg4[%add3A_98, %dma_start3A_129] : memref<262144x128xf32, #tpu.memory_space<hbm>> -> memref<512x128xf32, #tpu.memory_space<hbm>>
      %dma_start3A_131 = arith.constant 0 : i32
      %dma_start3A_132 = tpu.memref_slice %arg4[%add3A_98, %dma_start3A_131] : memref<262144x128xf32, #tpu.memory_space<hbm>> -> memref<512x128xf32, #tpu.memory_space<hbm>>
      tpu.enqueue_dma source(%arg6 : memref<512x128xf32, #tpu.memory_space<vmem>>) target(%dma_start3A_132 : memref<512x128xf32, #tpu.memory_space<hbm>>) target_semaphore(%run_scoped3A : memref<!tpu.dma_semaphore, #tpu.memory_space<semaphore_mem>>)
      %dma_wait3A_133 = arith.constant 0 : i32
      %dma_wait3A_134 = tpu.memref_slice %arg4[%add3A_98, %dma_wait3A_133] : memref<262144x128xf32, #tpu.memory_space<hbm>> -> memref<512x128xf32, #tpu.memory_space<hbm>>
      %dma_wait3A_135 = arith.constant 0 : i32
      %dma_wait3A_136 = tpu.memref_slice %arg4[%add3A_98, %dma_wait3A_135] : memref<262144x128xf32, #tpu.memory_space<hbm>> -> memref<512x128xf32, #tpu.memory_space<hbm>>
      tpu.wait_dma2 semaphore(%run_scoped3A : memref<!tpu.dma_semaphore, #tpu.memory_space<semaphore_mem>>) src(%arg6 : memref<512x128xf32, #tpu.memory_space<vmem>>) dst(%dma_wait3A_136 : memref<512x128xf32, #tpu.memory_space<hbm>>)
      tpu.yield
    }) : () -> ()
    %add3A_105 = arith.constant 6656 : i32
    %add3A_106 = arith.addi %mul3A_2, %add3A_105 : i32
    "tpu.region"() ({
      %run_scoped3A = tpu.sem_alloc : memref<!tpu.dma_semaphore, #tpu.memory_space<semaphore_mem>>
      %dma_start3A_129 = tpu.memref_slice %arg3[%add3A_106] : memref<262144xi32, #tpu.memory_space<hbm>> -> memref<512xi32, #tpu.memory_space<hbm>>
      %dma_start3A_130 = tpu.memref_slice %arg3[%add3A_106] : memref<262144xi32, #tpu.memory_space<hbm>> -> memref<512xi32, #tpu.memory_space<hbm>>
      tpu.enqueue_dma source(%dma_start3A_130 : memref<512xi32, #tpu.memory_space<hbm>>) target(%arg5 : memref<512xi32, #tpu.memory_space<vmem>>) target_semaphore(%run_scoped3A : memref<!tpu.dma_semaphore, #tpu.memory_space<semaphore_mem>>)
      %dma_wait3A_131 = tpu.memref_slice %arg3[%add3A_106] : memref<262144xi32, #tpu.memory_space<hbm>> -> memref<512xi32, #tpu.memory_space<hbm>>
      %dma_wait3A_132 = tpu.memref_slice %arg3[%add3A_106] : memref<262144xi32, #tpu.memory_space<hbm>> -> memref<512xi32, #tpu.memory_space<hbm>>
      tpu.wait_dma2 semaphore(%run_scoped3A : memref<!tpu.dma_semaphore, #tpu.memory_space<semaphore_mem>>) src(%dma_wait3A_132 : memref<512xi32, #tpu.memory_space<hbm>>) dst(%arg5 : memref<512xi32, #tpu.memory_space<vmem>>)
      tpu.yield
    }) : () -> ()
    %dma_start3A_107 = arith.constant 0 : i32
    %dma_start3A_108 = arith.constant 0 : i32
    %dma_start3A_109 = tpu.memref_slice %arg2[%dma_start3A_107, %dma_start3A_108] : memref<16384x128xf32, #tpu.memory_space<hbm>> -> memref<16384x128xf32, #tpu.memory_space<hbm>>
    tpu.enqueue_indirect_dma source(%dma_start3A_109 : memref<16384x128xf32, #tpu.memory_space<hbm>>) target(%arg6 : memref<512x128xf32, #tpu.memory_space<vmem>>) offsets(%arg5 : memref<512xi32, #tpu.memory_space<vmem>>) semaphore(%arg7 : memref<!tpu.dma_semaphore, #tpu.memory_space<semaphore_mem>>)
    %dma_wait3A_110 = arith.constant 0 : i32
    %dma_wait3A_111 = arith.constant 0 : i32
    %dma_wait3A_112 = tpu.memref_slice %arg2[%dma_wait3A_110, %dma_wait3A_111] : memref<16384x128xf32, #tpu.memory_space<hbm>> -> memref<16384x128xf32, #tpu.memory_space<hbm>>
    tpu.wait_indirect_dma semaphore(%arg7 : memref<!tpu.dma_semaphore, #tpu.memory_space<semaphore_mem>>) src(%dma_wait3A_112 : memref<16384x128xf32, #tpu.memory_space<hbm>>) dst(%arg6 : memref<512x128xf32, #tpu.memory_space<vmem>>)
    "tpu.region"() ({
      %run_scoped3A = tpu.sem_alloc : memref<!tpu.dma_semaphore, #tpu.memory_space<semaphore_mem>>
      %dma_start3A_129 = arith.constant 0 : i32
      %dma_start3A_130 = tpu.memref_slice %arg4[%add3A_106, %dma_start3A_129] : memref<262144x128xf32, #tpu.memory_space<hbm>> -> memref<512x128xf32, #tpu.memory_space<hbm>>
      %dma_start3A_131 = arith.constant 0 : i32
      %dma_start3A_132 = tpu.memref_slice %arg4[%add3A_106, %dma_start3A_131] : memref<262144x128xf32, #tpu.memory_space<hbm>> -> memref<512x128xf32, #tpu.memory_space<hbm>>
      tpu.enqueue_dma source(%arg6 : memref<512x128xf32, #tpu.memory_space<vmem>>) target(%dma_start3A_132 : memref<512x128xf32, #tpu.memory_space<hbm>>) target_semaphore(%run_scoped3A : memref<!tpu.dma_semaphore, #tpu.memory_space<semaphore_mem>>)
      %dma_wait3A_133 = arith.constant 0 : i32
      %dma_wait3A_134 = tpu.memref_slice %arg4[%add3A_106, %dma_wait3A_133] : memref<262144x128xf32, #tpu.memory_space<hbm>> -> memref<512x128xf32, #tpu.memory_space<hbm>>
      %dma_wait3A_135 = arith.constant 0 : i32
      %dma_wait3A_136 = tpu.memref_slice %arg4[%add3A_106, %dma_wait3A_135] : memref<262144x128xf32, #tpu.memory_space<hbm>> -> memref<512x128xf32, #tpu.memory_space<hbm>>
      tpu.wait_dma2 semaphore(%run_scoped3A : memref<!tpu.dma_semaphore, #tpu.memory_space<semaphore_mem>>) src(%arg6 : memref<512x128xf32, #tpu.memory_space<vmem>>) dst(%dma_wait3A_136 : memref<512x128xf32, #tpu.memory_space<hbm>>)
      tpu.yield
    }) : () -> ()
    %add3A_113 = arith.constant 7168 : i32
    %add3A_114 = arith.addi %mul3A_2, %add3A_113 : i32
    "tpu.region"() ({
      %run_scoped3A = tpu.sem_alloc : memref<!tpu.dma_semaphore, #tpu.memory_space<semaphore_mem>>
      %dma_start3A_129 = tpu.memref_slice %arg3[%add3A_114] : memref<262144xi32, #tpu.memory_space<hbm>> -> memref<512xi32, #tpu.memory_space<hbm>>
      %dma_start3A_130 = tpu.memref_slice %arg3[%add3A_114] : memref<262144xi32, #tpu.memory_space<hbm>> -> memref<512xi32, #tpu.memory_space<hbm>>
      tpu.enqueue_dma source(%dma_start3A_130 : memref<512xi32, #tpu.memory_space<hbm>>) target(%arg5 : memref<512xi32, #tpu.memory_space<vmem>>) target_semaphore(%run_scoped3A : memref<!tpu.dma_semaphore, #tpu.memory_space<semaphore_mem>>)
      %dma_wait3A_131 = tpu.memref_slice %arg3[%add3A_114] : memref<262144xi32, #tpu.memory_space<hbm>> -> memref<512xi32, #tpu.memory_space<hbm>>
      %dma_wait3A_132 = tpu.memref_slice %arg3[%add3A_114] : memref<262144xi32, #tpu.memory_space<hbm>> -> memref<512xi32, #tpu.memory_space<hbm>>
      tpu.wait_dma2 semaphore(%run_scoped3A : memref<!tpu.dma_semaphore, #tpu.memory_space<semaphore_mem>>) src(%dma_wait3A_132 : memref<512xi32, #tpu.memory_space<hbm>>) dst(%arg5 : memref<512xi32, #tpu.memory_space<vmem>>)
      tpu.yield
    }) : () -> ()
    %dma_start3A_115 = arith.constant 0 : i32
    %dma_start3A_116 = arith.constant 0 : i32
    %dma_start3A_117 = tpu.memref_slice %arg2[%dma_start3A_115, %dma_start3A_116] : memref<16384x128xf32, #tpu.memory_space<hbm>> -> memref<16384x128xf32, #tpu.memory_space<hbm>>
    tpu.enqueue_indirect_dma source(%dma_start3A_117 : memref<16384x128xf32, #tpu.memory_space<hbm>>) target(%arg6 : memref<512x128xf32, #tpu.memory_space<vmem>>) offsets(%arg5 : memref<512xi32, #tpu.memory_space<vmem>>) semaphore(%arg7 : memref<!tpu.dma_semaphore, #tpu.memory_space<semaphore_mem>>)
    %dma_wait3A_118 = arith.constant 0 : i32
    %dma_wait3A_119 = arith.constant 0 : i32
    %dma_wait3A_120 = tpu.memref_slice %arg2[%dma_wait3A_118, %dma_wait3A_119] : memref<16384x128xf32, #tpu.memory_space<hbm>> -> memref<16384x128xf32, #tpu.memory_space<hbm>>
    tpu.wait_indirect_dma semaphore(%arg7 : memref<!tpu.dma_semaphore, #tpu.memory_space<semaphore_mem>>) src(%dma_wait3A_120 : memref<16384x128xf32, #tpu.memory_space<hbm>>) dst(%arg6 : memref<512x128xf32, #tpu.memory_space<vmem>>)
    "tpu.region"() ({
      %run_scoped3A = tpu.sem_alloc : memref<!tpu.dma_semaphore, #tpu.memory_space<semaphore_mem>>
      %dma_start3A_129 = arith.constant 0 : i32
      %dma_start3A_130 = tpu.memref_slice %arg4[%add3A_114, %dma_start3A_129] : memref<262144x128xf32, #tpu.memory_space<hbm>> -> memref<512x128xf32, #tpu.memory_space<hbm>>
      %dma_start3A_131 = arith.constant 0 : i32
      %dma_start3A_132 = tpu.memref_slice %arg4[%add3A_114, %dma_start3A_131] : memref<262144x128xf32, #tpu.memory_space<hbm>> -> memref<512x128xf32, #tpu.memory_space<hbm>>
      tpu.enqueue_dma source(%arg6 : memref<512x128xf32, #tpu.memory_space<vmem>>) target(%dma_start3A_132 : memref<512x128xf32, #tpu.memory_space<hbm>>) target_semaphore(%run_scoped3A : memref<!tpu.dma_semaphore, #tpu.memory_space<semaphore_mem>>)
      %dma_wait3A_133 = arith.constant 0 : i32
      %dma_wait3A_134 = tpu.memref_slice %arg4[%add3A_114, %dma_wait3A_133] : memref<262144x128xf32, #tpu.memory_space<hbm>> -> memref<512x128xf32, #tpu.memory_space<hbm>>
      %dma_wait3A_135 = arith.constant 0 : i32
      %dma_wait3A_136 = tpu.memref_slice %arg4[%add3A_114, %dma_wait3A_135] : memref<262144x128xf32, #tpu.memory_space<hbm>> -> memref<512x128xf32, #tpu.memory_space<hbm>>
      tpu.wait_dma2 semaphore(%run_scoped3A : memref<!tpu.dma_semaphore, #tpu.memory_space<semaphore_mem>>) src(%arg6 : memref<512x128xf32, #tpu.memory_space<vmem>>) dst(%dma_wait3A_136 : memref<512x128xf32, #tpu.memory_space<hbm>>)
      tpu.yield
    }) : () -> ()
    %add3A_121 = arith.constant 7680 : i32
    %add3A_122 = arith.addi %mul3A_2, %add3A_121 : i32
    "tpu.region"() ({
      %run_scoped3A = tpu.sem_alloc : memref<!tpu.dma_semaphore, #tpu.memory_space<semaphore_mem>>
      %dma_start3A_129 = tpu.memref_slice %arg3[%add3A_122] : memref<262144xi32, #tpu.memory_space<hbm>> -> memref<512xi32, #tpu.memory_space<hbm>>
      %dma_start3A_130 = tpu.memref_slice %arg3[%add3A_122] : memref<262144xi32, #tpu.memory_space<hbm>> -> memref<512xi32, #tpu.memory_space<hbm>>
      tpu.enqueue_dma source(%dma_start3A_130 : memref<512xi32, #tpu.memory_space<hbm>>) target(%arg5 : memref<512xi32, #tpu.memory_space<vmem>>) target_semaphore(%run_scoped3A : memref<!tpu.dma_semaphore, #tpu.memory_space<semaphore_mem>>)
      %dma_wait3A_131 = tpu.memref_slice %arg3[%add3A_122] : memref<262144xi32, #tpu.memory_space<hbm>> -> memref<512xi32, #tpu.memory_space<hbm>>
      %dma_wait3A_132 = tpu.memref_slice %arg3[%add3A_122] : memref<262144xi32, #tpu.memory_space<hbm>> -> memref<512xi32, #tpu.memory_space<hbm>>
      tpu.wait_dma2 semaphore(%run_scoped3A : memref<!tpu.dma_semaphore, #tpu.memory_space<semaphore_mem>>) src(%dma_wait3A_132 : memref<512xi32, #tpu.memory_space<hbm>>) dst(%arg5 : memref<512xi32, #tpu.memory_space<vmem>>)
      tpu.yield
    }) : () -> ()
    %dma_start3A_123 = arith.constant 0 : i32
    %dma_start3A_124 = arith.constant 0 : i32
    %dma_start3A_125 = tpu.memref_slice %arg2[%dma_start3A_123, %dma_start3A_124] : memref<16384x128xf32, #tpu.memory_space<hbm>> -> memref<16384x128xf32, #tpu.memory_space<hbm>>
    tpu.enqueue_indirect_dma source(%dma_start3A_125 : memref<16384x128xf32, #tpu.memory_space<hbm>>) target(%arg6 : memref<512x128xf32, #tpu.memory_space<vmem>>) offsets(%arg5 : memref<512xi32, #tpu.memory_space<vmem>>) semaphore(%arg7 : memref<!tpu.dma_semaphore, #tpu.memory_space<semaphore_mem>>)
    %dma_wait3A_126 = arith.constant 0 : i32
    %dma_wait3A_127 = arith.constant 0 : i32
    %dma_wait3A_128 = tpu.memref_slice %arg2[%dma_wait3A_126, %dma_wait3A_127] : memref<16384x128xf32, #tpu.memory_space<hbm>> -> memref<16384x128xf32, #tpu.memory_space<hbm>>
    tpu.wait_indirect_dma semaphore(%arg7 : memref<!tpu.dma_semaphore, #tpu.memory_space<semaphore_mem>>) src(%dma_wait3A_128 : memref<16384x128xf32, #tpu.memory_space<hbm>>) dst(%arg6 : memref<512x128xf32, #tpu.memory_space<vmem>>)
    "tpu.region"() ({
      %run_scoped3A = tpu.sem_alloc : memref<!tpu.dma_semaphore, #tpu.memory_space<semaphore_mem>>
      %dma_start3A_129 = arith.constant 0 : i32
      %dma_start3A_130 = tpu.memref_slice %arg4[%add3A_122, %dma_start3A_129] : memref<262144x128xf32, #tpu.memory_space<hbm>> -> memref<512x128xf32, #tpu.memory_space<hbm>>
      %dma_start3A_131 = arith.constant 0 : i32
      %dma_start3A_132 = tpu.memref_slice %arg4[%add3A_122, %dma_start3A_131] : memref<262144x128xf32, #tpu.memory_space<hbm>> -> memref<512x128xf32, #tpu.memory_space<hbm>>
      tpu.enqueue_dma source(%arg6 : memref<512x128xf32, #tpu.memory_space<vmem>>) target(%dma_start3A_132 : memref<512x128xf32, #tpu.memory_space<hbm>>) target_semaphore(%run_scoped3A : memref<!tpu.dma_semaphore, #tpu.memory_space<semaphore_mem>>)
      %dma_wait3A_133 = arith.constant 0 : i32
      %dma_wait3A_134 = tpu.memref_slice %arg4[%add3A_122, %dma_wait3A_133] : memref<262144x128xf32, #tpu.memory_space<hbm>> -> memref<512x128xf32, #tpu.memory_space<hbm>>
      %dma_wait3A_135 = arith.constant 0 : i32
      %dma_wait3A_136 = tpu.memref_slice %arg4[%add3A_122, %dma_wait3A_135] : memref<262144x128xf32, #tpu.memory_space<hbm>> -> memref<512x128xf32, #tpu.memory_space<hbm>>
      tpu.wait_dma2 semaphore(%run_scoped3A : memref<!tpu.dma_semaphore, #tpu.memory_space<semaphore_mem>>) src(%arg6 : memref<512x128xf32, #tpu.memory_space<vmem>>) dst(%dma_wait3A_136 : memref<512x128xf32, #tpu.memory_space<hbm>>)
      tpu.yield
    }) : () -> ()
    return
  }
}

module attributes {stable_mosaic.version = 14 : i64} {
  func.func @_knn_kernel(%arg0: i32, %arg1: i32, %arg2: memref<1x3x16x512xf32, #tpu.memory_space<vmem>>, %arg3: memref<1x256x3xf32, #tpu.memory_space<vmem>>, %arg4: memref<1x256x32xf32, #tpu.memory_space<vmem>>, %arg5: memref<32x16xf32, #tpu.memory_space<vmem>>, %arg6: memref<1x256x16xi32, #tpu.memory_space<vmem>>, %arg7: memref<1x256x128xf32, #tpu.memory_space<vmem>>, %arg8: memref<16x256x512xf32, #tpu.memory_space<vmem>>) attributes {dimension_semantics = [#tpu.dimension_semantics<arbitrary>, #tpu.dimension_semantics<arbitrary>], iteration_bounds = array<i64: 2, 32>, scalar_prefetch = 0 : i64, scratch_operands = 1 : i64, tpu.core_type = #tpu.core_type<tc>, window_params = [{transform_indices = @transform_0, window_bounds = array<i64: 1, 3, 16, 512>}, {transform_indices = @transform_1, window_bounds = array<i64: 1, 256, 3>}, {transform_indices = @transform_2, window_bounds = array<i64: 1, 256, 32>}, {pipeline_mode = #tpu.pipeline_mode<synchronous>, transform_indices = @transform_3, window_bounds = array<i64: 32, 16>}, {transform_indices = @transform_4, window_bounds = array<i64: 1, 256, 16>}, {transform_indices = @transform_5, window_bounds = array<i64: 1, 256, 128>}]} {
    %get3A = arith.constant 0 : index
    %get3A_0 = arith.constant 0 : index
    %get3A_1 = arith.constant 0 : index
    %get3A_2 = vector.load %arg3[%get3A, %get3A_0, %get3A_1] : memref<1x256x3xf32, #tpu.memory_space<vmem>>, vector<1x256x3xf32>
    %get3A_3 = vector.shape_cast %get3A_2 : vector<1x256x3xf32> to vector<256x3xf32>
    %mul3A = arith.mulf %get3A_3, %get3A_3 : vector<256x3xf32>
    %reduce_sum3A = arith.constant dense<0.000000e+00> : vector<256xf32>
    %reduce_sum3A_4 = vector.multi_reduction <add>, %mul3A, %reduce_sum3A [1] : vector<256x3xf32> to vector<256xf32>
    %broadcast_in_dim3A = vector.shape_cast %reduce_sum3A_4 : vector<256xf32> to vector<256x1xf32>
    %mul3A_5 = arith.constant 256 : i32
    %mul3A_6 = arith.muli %arg1, %mul3A_5 : i32
    %iota3A = tpu.iota {dimensions = array<i32: 0>} : vector<256x512xi32>
    %add3A = vector.broadcast %mul3A_6 : i32 to vector<256x512xi32>
    %add3A_7 = arith.addi %add3A, %iota3A : vector<256x512xi32>
    %scan3A = arith.constant 0x7F800000 : f32
    %scan3A_8 = arith.constant 0 : i32
    %scan3A_9 = arith.constant 16 : i32
    %scan3A_10 = arith.addi %scan3A_8, %scan3A_9 : i32
    %scan3A_11 = arith.constant 1 : i32
    scf.for %scan3A_542 = %scan3A_8 to %scan3A_10 step %scan3A_11  : i32 {
      %get3A_543 = arith.constant 0 : index
      %get3A_544 = arith.constant 0 : index
      %get3A_545 = arith.index_cast %scan3A_542 : i32 to index
      %get3A_546 = arith.constant 0 : index
      %get3A_547 = vector.load %arg2[%get3A_543, %get3A_544, %get3A_545, %get3A_546] : memref<1x3x16x512xf32, #tpu.memory_space<vmem>>, vector<1x3x1x512xf32>
      %get3A_548 = vector.shape_cast %get3A_547 : vector<1x3x1x512xf32> to vector<3x512xf32>
      %mul3A_549 = arith.mulf %get3A_548, %get3A_548 : vector<3x512xf32>
      %reduce_sum3A_550 = arith.constant dense<0.000000e+00> : vector<512xf32>
      %reduce_sum3A_551 = vector.multi_reduction <add>, %mul3A_549, %reduce_sum3A_550 [0] : vector<3x512xf32> to vector<512xf32>
      %broadcast_in_dim3A_552 = vector.shape_cast %reduce_sum3A_551 : vector<512xf32> to vector<1x512xf32>
      %dot_general3A_553 = arith.constant dense<0.000000e+00> : vector<256x512xf32>
      %dot_general3A_554 = tpu.matmul %get3A_3, %get3A_548, %dot_general3A_553 {dimension_numbers = #tpu.dot_dimension_numbers<[1], [0], [0], [1], [0, 0, 1, 1], [], []>, precision = #tpu.contract_precision<fp32>, transpose_lhs_hint = false} : vector<256x3xf32>, vector<3x512xf32>, vector<256x512xf32> -> vector<256x512xf32>
      %add3A_555 = vector.broadcast %broadcast_in_dim3A : vector<256x1xf32> to vector<256x512xf32>
      %add3A_556 = vector.broadcast %broadcast_in_dim3A_552 : vector<1x512xf32> to vector<256x512xf32>
      %add3A_557 = arith.addf %add3A_555, %add3A_556 : vector<256x512xf32>
      %mul3A_558 = arith.constant 2.000000e+00 : f32
      %mul3A_559 = vector.broadcast %mul3A_558 : f32 to vector<256x512xf32>
      %mul3A_560 = arith.mulf %mul3A_559, %dot_general3A_554 : vector<256x512xf32>
      %sub3A = arith.subf %add3A_557, %mul3A_560 : vector<256x512xf32>
      %mul3A_561 = arith.constant 512 : i32
      %mul3A_562 = arith.muli %scan3A_542, %mul3A_561 : i32
      %iota3A_563 = tpu.iota {dimensions = array<i32: 1>} : vector<256x512xi32>
      %add3A_564 = vector.broadcast %mul3A_562 : i32 to vector<256x512xi32>
      %add3A_565 = arith.addi %add3A_564, %iota3A_563 : vector<256x512xi32>
      %eq3A_566 = arith.cmpi eq, %add3A_565, %add3A_7 : vector<256x512xi32>
      %broadcast_in_dim3A_567 = vector.broadcast %scan3A : f32 to vector<256x512xf32>
      %select_n3A_568 = arith.select %eq3A_566, %broadcast_in_dim3A_567, %sub3A : vector<256x512xi1>, vector<256x512xf32>
      %swap3A_569 = arith.index_cast %scan3A_542 : i32 to index
      %swap3A_570 = arith.constant 0 : index
      %swap3A_571 = arith.constant 0 : index
      %swap3A_572 = vector.load %arg8[%swap3A_569, %swap3A_570, %swap3A_571] : memref<16x256x512xf32, #tpu.memory_space<vmem>>, vector<1x256x512xf32>
      %swap3A_573 = vector.shape_cast %swap3A_572 : vector<1x256x512xf32> to vector<256x512xf32>
      %swap3A_574 = vector.shape_cast %select_n3A_568 : vector<256x512xf32> to vector<1x256x512xf32>
      tpu.vector_store %arg8[%swap3A_569, %swap3A_570, %swap3A_571], %swap3A_574 {strides = array<i32>} : memref<16x256x512xf32, #tpu.memory_space<vmem>>, vector<1x256x512xf32>,
    }
    %scan3A_12 = arith.constant 16 : i32
    %neg3A = arith.constant 0.000000e+00 : f32
    %neg3A_13 = arith.constant 0x7F800000 : f32
    %neg3A_14 = arith.subf %neg3A, %neg3A_13 : f32
    %broadcast_in_dim3A_15 = vector.broadcast %neg3A_14 : f32 to vector<256x1xf32>
    %broadcast_in_dim3A_16 = arith.constant -1 : i32
    %broadcast_in_dim3A_17 = vector.broadcast %broadcast_in_dim3A_16 : i32 to vector<256x1xi32>
    %broadcast_in_dim3A_18 = arith.constant 0x7F800000 : f32
    %broadcast_in_dim3A_19 = vector.broadcast %broadcast_in_dim3A_18 : f32 to vector<256x512xf32>
    %broadcast_in_dim3A_20 = arith.constant 8192 : i32
    %broadcast_in_dim3A_21 = vector.broadcast %broadcast_in_dim3A_20 : i32 to vector<256x512xi32>
    %scan3A_22 = arith.constant 0x7F800000 : f32
    %scan3A_23 = arith.constant 0 : i32
    %scan3A_24 = arith.constant 16 : i32
    %scan3A_25 = arith.addi %scan3A_23, %scan3A_24 : i32
    %scan3A_26 = arith.constant 1 : i32
    %scan3A_27:2 = scf.for %scan3A_542 = %scan3A_23 to %scan3A_25 step %scan3A_26 iter_args(%scan3A_543 = %broadcast_in_dim3A_19, %scan3A_544 = %broadcast_in_dim3A_21) -> (vector<256x512xf32>, vector<256x512xi32>)  : i32 {
      %get3A_545 = arith.index_cast %scan3A_542 : i32 to index
      %get3A_546 = arith.constant 0 : index
      %get3A_547 = arith.constant 0 : index
      %get3A_548 = vector.load %arg8[%get3A_545, %get3A_546, %get3A_547] : memref<16x256x512xf32, #tpu.memory_space<vmem>>, vector<1x256x512xf32>
      %get3A_549 = vector.shape_cast %get3A_548 : vector<1x256x512xf32> to vector<256x512xf32>
      %mul3A_550 = arith.constant 512 : i32
      %mul3A_551 = arith.muli %scan3A_542, %mul3A_550 : i32
      %iota3A_552 = tpu.iota {dimensions = array<i32: 1>} : vector<256x512xi32>
      %add3A_553 = vector.broadcast %mul3A_551 : i32 to vector<256x512xi32>
      %add3A_554 = arith.addi %add3A_553, %iota3A_552 : vector<256x512xi32>
      %gt3A = vector.broadcast %broadcast_in_dim3A_15 : vector<256x1xf32> to vector<256x512xf32>
      %gt3A_555 = arith.cmpf ogt, %get3A_549, %gt3A : vector<256x512xf32>
      %eq3A_556 = vector.broadcast %broadcast_in_dim3A_15 : vector<256x1xf32> to vector<256x512xf32>
      %eq3A_557 = arith.cmpf oeq, %get3A_549, %eq3A_556 : vector<256x512xf32>
      %gt3A_558 = vector.broadcast %broadcast_in_dim3A_17 : vector<256x1xi32> to vector<256x512xi32>
      %gt3A_559 = arith.cmpi sgt, %add3A_554, %gt3A_558 : vector<256x512xi32>
      %and3A = arith.andi %eq3A_557, %gt3A_559 : vector<256x512xi1>
      %or3A = arith.ori %gt3A_555, %and3A : vector<256x512xi1>
      %broadcast_in_dim3A_560 = vector.broadcast %scan3A_22 : f32 to vector<256x512xf32>
      %select_n3A_561 = arith.select %or3A, %get3A_549, %broadcast_in_dim3A_560 : vector<256x512xi1>, vector<256x512xf32>
      %lt3A = arith.cmpf olt, %select_n3A_561, %scan3A_543 : vector<256x512xf32>
      %select_n3A_562 = arith.select %lt3A, %select_n3A_561, %scan3A_543 : vector<256x512xi1>, vector<256x512xf32>
      %select_n3A_563 = arith.select %lt3A, %add3A_554, %scan3A_544 : vector<256x512xi1>, vector<256x512xi32>
      scf.yield %select_n3A_562, %select_n3A_563 : vector<256x512xf32>, vector<256x512xi32>
    }
    %scan3A_28 = arith.constant 16 : i32
    %reduce_min3A = arith.constant dense<0x7F800000> : vector<256xf32>
    %reduce_min3A_29 = vector.multi_reduction <minimumf>, %scan3A_27#0, %reduce_min3A [1] : vector<256x512xf32> to vector<256xf32>
    %broadcast_in_dim3A_30 = vector.shape_cast %reduce_min3A_29 : vector<256xf32> to vector<256x1xf32>
    %eq3A = vector.broadcast %broadcast_in_dim3A_30 : vector<256x1xf32> to vector<256x512xf32>
    %eq3A_31 = arith.cmpf oeq, %scan3A_27#0, %eq3A : vector<256x512xf32>
    %jit3A = arith.constant 8192 : i32
    %broadcast_in_dim3A_32 = vector.broadcast %jit3A : i32 to vector<256x512xi32>
    %select_n3A = arith.select %eq3A_31, %scan3A_27#1, %broadcast_in_dim3A_32 : vector<256x512xi1>, vector<256x512xi32>
    %reduce_min3A_33 = arith.constant dense<2147483647> : vector<256xi32>
    %reduce_min3A_34 = vector.multi_reduction <minsi>, %select_n3A, %reduce_min3A_33 [1] : vector<256x512xi32> to vector<256xi32>
    %broadcast_in_dim3A_35 = vector.shape_cast %reduce_min3A_34 : vector<256xi32> to vector<256x1xi32>
    %mul3A_36 = arith.constant 8192 : i32
    %mul3A_37 = arith.muli %arg0, %mul3A_36 : i32
    %add3A_38 = vector.broadcast %mul3A_37 : i32 to vector<256x1xi32>
    %add3A_39 = arith.addi %broadcast_in_dim3A_35, %add3A_38 : vector<256x1xi32>
    %swap3A = arith.constant 0 : index
    %swap3A_40 = arith.constant 0 : index
    %swap3A_41 = arith.constant 0 : index
    %swap3A_42 = vector.load %arg6[%swap3A, %swap3A_40, %swap3A_41] : memref<1x256x16xi32, #tpu.memory_space<vmem>>, vector<1x256x1xi32>
    %swap3A_43 = vector.shape_cast %swap3A_42 : vector<1x256x1xi32> to vector<256x1xi32>
    %swap3A_44 = vector.shape_cast %add3A_39 : vector<256x1xi32> to vector<1x256x1xi32>
    tpu.vector_store %arg6[%swap3A, %swap3A_40, %swap3A_41], %swap3A_44 {strides = array<i32>} : memref<1x256x16xi32, #tpu.memory_space<vmem>>, vector<1x256x1xi32>,
    %broadcast_in_dim3A_45 = arith.constant 0x7F800000 : f32
    %broadcast_in_dim3A_46 = vector.broadcast %broadcast_in_dim3A_45 : f32 to vector<256x512xf32>
    %broadcast_in_dim3A_47 = arith.constant 8192 : i32
    %broadcast_in_dim3A_48 = vector.broadcast %broadcast_in_dim3A_47 : i32 to vector<256x512xi32>
    %scan3A_49 = arith.constant 0x7F800000 : f32
    %scan3A_50 = arith.constant 0 : i32
    %scan3A_51 = arith.constant 16 : i32
    %scan3A_52 = arith.addi %scan3A_50, %scan3A_51 : i32
    %scan3A_53 = arith.constant 1 : i32
    %scan3A_54:2 = scf.for %scan3A_542 = %scan3A_50 to %scan3A_52 step %scan3A_53 iter_args(%scan3A_543 = %broadcast_in_dim3A_46, %scan3A_544 = %broadcast_in_dim3A_48) -> (vector<256x512xf32>, vector<256x512xi32>)  : i32 {
      %get3A_545 = arith.index_cast %scan3A_542 : i32 to index
      %get3A_546 = arith.constant 0 : index
      %get3A_547 = arith.constant 0 : index
      %get3A_548 = vector.load %arg8[%get3A_545, %get3A_546, %get3A_547] : memref<16x256x512xf32, #tpu.memory_space<vmem>>, vector<1x256x512xf32>
      %get3A_549 = vector.shape_cast %get3A_548 : vector<1x256x512xf32> to vector<256x512xf32>
      %mul3A_550 = arith.constant 512 : i32
      %mul3A_551 = arith.muli %scan3A_542, %mul3A_550 : i32
      %iota3A_552 = tpu.iota {dimensions = array<i32: 1>} : vector<256x512xi32>
      %add3A_553 = vector.broadcast %mul3A_551 : i32 to vector<256x512xi32>
      %add3A_554 = arith.addi %add3A_553, %iota3A_552 : vector<256x512xi32>
      %gt3A = vector.broadcast %broadcast_in_dim3A_30 : vector<256x1xf32> to vector<256x512xf32>
      %gt3A_555 = arith.cmpf ogt, %get3A_549, %gt3A : vector<256x512xf32>
      %eq3A_556 = vector.broadcast %broadcast_in_dim3A_30 : vector<256x1xf32> to vector<256x512xf32>
      %eq3A_557 = arith.cmpf oeq, %get3A_549, %eq3A_556 : vector<256x512xf32>
      %gt3A_558 = vector.broadcast %broadcast_in_dim3A_35 : vector<256x1xi32> to vector<256x512xi32>
      %gt3A_559 = arith.cmpi sgt, %add3A_554, %gt3A_558 : vector<256x512xi32>
      %and3A = arith.andi %eq3A_557, %gt3A_559 : vector<256x512xi1>
      %or3A = arith.ori %gt3A_555, %and3A : vector<256x512xi1>
      %broadcast_in_dim3A_560 = vector.broadcast %scan3A_49 : f32 to vector<256x512xf32>
      %select_n3A_561 = arith.select %or3A, %get3A_549, %broadcast_in_dim3A_560 : vector<256x512xi1>, vector<256x512xf32>
      %lt3A = arith.cmpf olt, %select_n3A_561, %scan3A_543 : vector<256x512xf32>
      %select_n3A_562 = arith.select %lt3A, %select_n3A_561, %scan3A_543 : vector<256x512xi1>, vector<256x512xf32>
      %select_n3A_563 = arith.select %lt3A, %add3A_554, %scan3A_544 : vector<256x512xi1>, vector<256x512xi32>
      scf.yield %select_n3A_562, %select_n3A_563 : vector<256x512xf32>, vector<256x512xi32>
    }
    %scan3A_55 = arith.constant 16 : i32
    %reduce_min3A_56 = arith.constant dense<0x7F800000> : vector<256xf32>
    %reduce_min3A_57 = vector.multi_reduction <minimumf>, %scan3A_54#0, %reduce_min3A_56 [1] : vector<256x512xf32> to vector<256xf32>
    %broadcast_in_dim3A_58 = vector.shape_cast %reduce_min3A_57 : vector<256xf32> to vector<256x1xf32>
    %eq3A_59 = vector.broadcast %broadcast_in_dim3A_58 : vector<256x1xf32> to vector<256x512xf32>
    %eq3A_60 = arith.cmpf oeq, %scan3A_54#0, %eq3A_59 : vector<256x512xf32>
    %jit3A_61 = arith.constant 8192 : i32
    %broadcast_in_dim3A_62 = vector.broadcast %jit3A_61 : i32 to vector<256x512xi32>
    %select_n3A_63 = arith.select %eq3A_60, %scan3A_54#1, %broadcast_in_dim3A_62 : vector<256x512xi1>, vector<256x512xi32>
    %reduce_min3A_64 = arith.constant dense<2147483647> : vector<256xi32>
    %reduce_min3A_65 = vector.multi_reduction <minsi>, %select_n3A_63, %reduce_min3A_64 [1] : vector<256x512xi32> to vector<256xi32>
    %broadcast_in_dim3A_66 = vector.shape_cast %reduce_min3A_65 : vector<256xi32> to vector<256x1xi32>
    %mul3A_67 = arith.constant 8192 : i32
    %mul3A_68 = arith.muli %arg0, %mul3A_67 : i32
    %add3A_69 = vector.broadcast %mul3A_68 : i32 to vector<256x1xi32>
    %add3A_70 = arith.addi %broadcast_in_dim3A_66, %add3A_69 : vector<256x1xi32>
    %swap3A_71 = arith.constant 0 : index
    %swap3A_72 = arith.constant 0 : index
    %swap3A_73 = arith.constant 1 : index
    %swap3A_74 = vector.load %arg6[%swap3A_71, %swap3A_72, %swap3A_73] : memref<1x256x16xi32, #tpu.memory_space<vmem>>, vector<1x256x1xi32>
    %swap3A_75 = vector.shape_cast %swap3A_74 : vector<1x256x1xi32> to vector<256x1xi32>
    %swap3A_76 = vector.shape_cast %add3A_70 : vector<256x1xi32> to vector<1x256x1xi32>
    tpu.vector_store %arg6[%swap3A_71, %swap3A_72, %swap3A_73], %swap3A_76 {strides = array<i32>} : memref<1x256x16xi32, #tpu.memory_space<vmem>>, vector<1x256x1xi32>,
    %broadcast_in_dim3A_77 = arith.constant 0x7F800000 : f32
    %broadcast_in_dim3A_78 = vector.broadcast %broadcast_in_dim3A_77 : f32 to vector<256x512xf32>
    %broadcast_in_dim3A_79 = arith.constant 8192 : i32
    %broadcast_in_dim3A_80 = vector.broadcast %broadcast_in_dim3A_79 : i32 to vector<256x512xi32>
    %scan3A_81 = arith.constant 0x7F800000 : f32
    %scan3A_82 = arith.constant 0 : i32
    %scan3A_83 = arith.constant 16 : i32
    %scan3A_84 = arith.addi %scan3A_82, %scan3A_83 : i32
    %scan3A_85 = arith.constant 1 : i32
    %scan3A_86:2 = scf.for %scan3A_542 = %scan3A_82 to %scan3A_84 step %scan3A_85 iter_args(%scan3A_543 = %broadcast_in_dim3A_78, %scan3A_544 = %broadcast_in_dim3A_80) -> (vector<256x512xf32>, vector<256x512xi32>)  : i32 {
      %get3A_545 = arith.index_cast %scan3A_542 : i32 to index
      %get3A_546 = arith.constant 0 : index
      %get3A_547 = arith.constant 0 : index
      %get3A_548 = vector.load %arg8[%get3A_545, %get3A_546, %get3A_547] : memref<16x256x512xf32, #tpu.memory_space<vmem>>, vector<1x256x512xf32>
      %get3A_549 = vector.shape_cast %get3A_548 : vector<1x256x512xf32> to vector<256x512xf32>
      %mul3A_550 = arith.constant 512 : i32
      %mul3A_551 = arith.muli %scan3A_542, %mul3A_550 : i32
      %iota3A_552 = tpu.iota {dimensions = array<i32: 1>} : vector<256x512xi32>
      %add3A_553 = vector.broadcast %mul3A_551 : i32 to vector<256x512xi32>
      %add3A_554 = arith.addi %add3A_553, %iota3A_552 : vector<256x512xi32>
      %gt3A = vector.broadcast %broadcast_in_dim3A_58 : vector<256x1xf32> to vector<256x512xf32>
      %gt3A_555 = arith.cmpf ogt, %get3A_549, %gt3A : vector<256x512xf32>
      %eq3A_556 = vector.broadcast %broadcast_in_dim3A_58 : vector<256x1xf32> to vector<256x512xf32>
      %eq3A_557 = arith.cmpf oeq, %get3A_549, %eq3A_556 : vector<256x512xf32>
      %gt3A_558 = vector.broadcast %broadcast_in_dim3A_66 : vector<256x1xi32> to vector<256x512xi32>
      %gt3A_559 = arith.cmpi sgt, %add3A_554, %gt3A_558 : vector<256x512xi32>
      %and3A = arith.andi %eq3A_557, %gt3A_559 : vector<256x512xi1>
      %or3A = arith.ori %gt3A_555, %and3A : vector<256x512xi1>
      %broadcast_in_dim3A_560 = vector.broadcast %scan3A_81 : f32 to vector<256x512xf32>
      %select_n3A_561 = arith.select %or3A, %get3A_549, %broadcast_in_dim3A_560 : vector<256x512xi1>, vector<256x512xf32>
      %lt3A = arith.cmpf olt, %select_n3A_561, %scan3A_543 : vector<256x512xf32>
      %select_n3A_562 = arith.select %lt3A, %select_n3A_561, %scan3A_543 : vector<256x512xi1>, vector<256x512xf32>
      %select_n3A_563 = arith.select %lt3A, %add3A_554, %scan3A_544 : vector<256x512xi1>, vector<256x512xi32>
      scf.yield %select_n3A_562, %select_n3A_563 : vector<256x512xf32>, vector<256x512xi32>
    }
    %scan3A_87 = arith.constant 16 : i32
    %reduce_min3A_88 = arith.constant dense<0x7F800000> : vector<256xf32>
    %reduce_min3A_89 = vector.multi_reduction <minimumf>, %scan3A_86#0, %reduce_min3A_88 [1] : vector<256x512xf32> to vector<256xf32>
    %broadcast_in_dim3A_90 = vector.shape_cast %reduce_min3A_89 : vector<256xf32> to vector<256x1xf32>
    %eq3A_91 = vector.broadcast %broadcast_in_dim3A_90 : vector<256x1xf32> to vector<256x512xf32>
    %eq3A_92 = arith.cmpf oeq, %scan3A_86#0, %eq3A_91 : vector<256x512xf32>
    %jit3A_93 = arith.constant 8192 : i32
    %broadcast_in_dim3A_94 = vector.broadcast %jit3A_93 : i32 to vector<256x512xi32>
    %select_n3A_95 = arith.select %eq3A_92, %scan3A_86#1, %broadcast_in_dim3A_94 : vector<256x512xi1>, vector<256x512xi32>
    %reduce_min3A_96 = arith.constant dense<2147483647> : vector<256xi32>
    %reduce_min3A_97 = vector.multi_reduction <minsi>, %select_n3A_95, %reduce_min3A_96 [1] : vector<256x512xi32> to vector<256xi32>
    %broadcast_in_dim3A_98 = vector.shape_cast %reduce_min3A_97 : vector<256xi32> to vector<256x1xi32>
    %mul3A_99 = arith.constant 8192 : i32
    %mul3A_100 = arith.muli %arg0, %mul3A_99 : i32
    %add3A_101 = vector.broadcast %mul3A_100 : i32 to vector<256x1xi32>
    %add3A_102 = arith.addi %broadcast_in_dim3A_98, %add3A_101 : vector<256x1xi32>
    %swap3A_103 = arith.constant 0 : index
    %swap3A_104 = arith.constant 0 : index
    %swap3A_105 = arith.constant 2 : index
    %swap3A_106 = vector.load %arg6[%swap3A_103, %swap3A_104, %swap3A_105] : memref<1x256x16xi32, #tpu.memory_space<vmem>>, vector<1x256x1xi32>
    %swap3A_107 = vector.shape_cast %swap3A_106 : vector<1x256x1xi32> to vector<256x1xi32>
    %swap3A_108 = vector.shape_cast %add3A_102 : vector<256x1xi32> to vector<1x256x1xi32>
    tpu.vector_store %arg6[%swap3A_103, %swap3A_104, %swap3A_105], %swap3A_108 {strides = array<i32>} : memref<1x256x16xi32, #tpu.memory_space<vmem>>, vector<1x256x1xi32>,
    %broadcast_in_dim3A_109 = arith.constant 0x7F800000 : f32
    %broadcast_in_dim3A_110 = vector.broadcast %broadcast_in_dim3A_109 : f32 to vector<256x512xf32>
    %broadcast_in_dim3A_111 = arith.constant 8192 : i32
    %broadcast_in_dim3A_112 = vector.broadcast %broadcast_in_dim3A_111 : i32 to vector<256x512xi32>
    %scan3A_113 = arith.constant 0x7F800000 : f32
    %scan3A_114 = arith.constant 0 : i32
    %scan3A_115 = arith.constant 16 : i32
    %scan3A_116 = arith.addi %scan3A_114, %scan3A_115 : i32
    %scan3A_117 = arith.constant 1 : i32
    %scan3A_118:2 = scf.for %scan3A_542 = %scan3A_114 to %scan3A_116 step %scan3A_117 iter_args(%scan3A_543 = %broadcast_in_dim3A_110, %scan3A_544 = %broadcast_in_dim3A_112) -> (vector<256x512xf32>, vector<256x512xi32>)  : i32 {
      %get3A_545 = arith.index_cast %scan3A_542 : i32 to index
      %get3A_546 = arith.constant 0 : index
      %get3A_547 = arith.constant 0 : index
      %get3A_548 = vector.load %arg8[%get3A_545, %get3A_546, %get3A_547] : memref<16x256x512xf32, #tpu.memory_space<vmem>>, vector<1x256x512xf32>
      %get3A_549 = vector.shape_cast %get3A_548 : vector<1x256x512xf32> to vector<256x512xf32>
      %mul3A_550 = arith.constant 512 : i32
      %mul3A_551 = arith.muli %scan3A_542, %mul3A_550 : i32
      %iota3A_552 = tpu.iota {dimensions = array<i32: 1>} : vector<256x512xi32>
      %add3A_553 = vector.broadcast %mul3A_551 : i32 to vector<256x512xi32>
      %add3A_554 = arith.addi %add3A_553, %iota3A_552 : vector<256x512xi32>
      %gt3A = vector.broadcast %broadcast_in_dim3A_90 : vector<256x1xf32> to vector<256x512xf32>
      %gt3A_555 = arith.cmpf ogt, %get3A_549, %gt3A : vector<256x512xf32>
      %eq3A_556 = vector.broadcast %broadcast_in_dim3A_90 : vector<256x1xf32> to vector<256x512xf32>
      %eq3A_557 = arith.cmpf oeq, %get3A_549, %eq3A_556 : vector<256x512xf32>
      %gt3A_558 = vector.broadcast %broadcast_in_dim3A_98 : vector<256x1xi32> to vector<256x512xi32>
      %gt3A_559 = arith.cmpi sgt, %add3A_554, %gt3A_558 : vector<256x512xi32>
      %and3A = arith.andi %eq3A_557, %gt3A_559 : vector<256x512xi1>
      %or3A = arith.ori %gt3A_555, %and3A : vector<256x512xi1>
      %broadcast_in_dim3A_560 = vector.broadcast %scan3A_113 : f32 to vector<256x512xf32>
      %select_n3A_561 = arith.select %or3A, %get3A_549, %broadcast_in_dim3A_560 : vector<256x512xi1>, vector<256x512xf32>
      %lt3A = arith.cmpf olt, %select_n3A_561, %scan3A_543 : vector<256x512xf32>
      %select_n3A_562 = arith.select %lt3A, %select_n3A_561, %scan3A_543 : vector<256x512xi1>, vector<256x512xf32>
      %select_n3A_563 = arith.select %lt3A, %add3A_554, %scan3A_544 : vector<256x512xi1>, vector<256x512xi32>
      scf.yield %select_n3A_562, %select_n3A_563 : vector<256x512xf32>, vector<256x512xi32>
    }
    %scan3A_119 = arith.constant 16 : i32
    %reduce_min3A_120 = arith.constant dense<0x7F800000> : vector<256xf32>
    %reduce_min3A_121 = vector.multi_reduction <minimumf>, %scan3A_118#0, %reduce_min3A_120 [1] : vector<256x512xf32> to vector<256xf32>
    %broadcast_in_dim3A_122 = vector.shape_cast %reduce_min3A_121 : vector<256xf32> to vector<256x1xf32>
    %eq3A_123 = vector.broadcast %broadcast_in_dim3A_122 : vector<256x1xf32> to vector<256x512xf32>
    %eq3A_124 = arith.cmpf oeq, %scan3A_118#0, %eq3A_123 : vector<256x512xf32>
    %jit3A_125 = arith.constant 8192 : i32
    %broadcast_in_dim3A_126 = vector.broadcast %jit3A_125 : i32 to vector<256x512xi32>
    %select_n3A_127 = arith.select %eq3A_124, %scan3A_118#1, %broadcast_in_dim3A_126 : vector<256x512xi1>, vector<256x512xi32>
    %reduce_min3A_128 = arith.constant dense<2147483647> : vector<256xi32>
    %reduce_min3A_129 = vector.multi_reduction <minsi>, %select_n3A_127, %reduce_min3A_128 [1] : vector<256x512xi32> to vector<256xi32>
    %broadcast_in_dim3A_130 = vector.shape_cast %reduce_min3A_129 : vector<256xi32> to vector<256x1xi32>
    %mul3A_131 = arith.constant 8192 : i32
    %mul3A_132 = arith.muli %arg0, %mul3A_131 : i32
    %add3A_133 = vector.broadcast %mul3A_132 : i32 to vector<256x1xi32>
    %add3A_134 = arith.addi %broadcast_in_dim3A_130, %add3A_133 : vector<256x1xi32>
    %swap3A_135 = arith.constant 0 : index
    %swap3A_136 = arith.constant 0 : index
    %swap3A_137 = arith.constant 3 : index
    %swap3A_138 = vector.load %arg6[%swap3A_135, %swap3A_136, %swap3A_137] : memref<1x256x16xi32, #tpu.memory_space<vmem>>, vector<1x256x1xi32>
    %swap3A_139 = vector.shape_cast %swap3A_138 : vector<1x256x1xi32> to vector<256x1xi32>
    %swap3A_140 = vector.shape_cast %add3A_134 : vector<256x1xi32> to vector<1x256x1xi32>
    tpu.vector_store %arg6[%swap3A_135, %swap3A_136, %swap3A_137], %swap3A_140 {strides = array<i32>} : memref<1x256x16xi32, #tpu.memory_space<vmem>>, vector<1x256x1xi32>,
    %broadcast_in_dim3A_141 = arith.constant 0x7F800000 : f32
    %broadcast_in_dim3A_142 = vector.broadcast %broadcast_in_dim3A_141 : f32 to vector<256x512xf32>
    %broadcast_in_dim3A_143 = arith.constant 8192 : i32
    %broadcast_in_dim3A_144 = vector.broadcast %broadcast_in_dim3A_143 : i32 to vector<256x512xi32>
    %scan3A_145 = arith.constant 0x7F800000 : f32
    %scan3A_146 = arith.constant 0 : i32
    %scan3A_147 = arith.constant 16 : i32
    %scan3A_148 = arith.addi %scan3A_146, %scan3A_147 : i32
    %scan3A_149 = arith.constant 1 : i32
    %scan3A_150:2 = scf.for %scan3A_542 = %scan3A_146 to %scan3A_148 step %scan3A_149 iter_args(%scan3A_543 = %broadcast_in_dim3A_142, %scan3A_544 = %broadcast_in_dim3A_144) -> (vector<256x512xf32>, vector<256x512xi32>)  : i32 {
      %get3A_545 = arith.index_cast %scan3A_542 : i32 to index
      %get3A_546 = arith.constant 0 : index
      %get3A_547 = arith.constant 0 : index
      %get3A_548 = vector.load %arg8[%get3A_545, %get3A_546, %get3A_547] : memref<16x256x512xf32, #tpu.memory_space<vmem>>, vector<1x256x512xf32>
      %get3A_549 = vector.shape_cast %get3A_548 : vector<1x256x512xf32> to vector<256x512xf32>
      %mul3A_550 = arith.constant 512 : i32
      %mul3A_551 = arith.muli %scan3A_542, %mul3A_550 : i32
      %iota3A_552 = tpu.iota {dimensions = array<i32: 1>} : vector<256x512xi32>
      %add3A_553 = vector.broadcast %mul3A_551 : i32 to vector<256x512xi32>
      %add3A_554 = arith.addi %add3A_553, %iota3A_552 : vector<256x512xi32>
      %gt3A = vector.broadcast %broadcast_in_dim3A_122 : vector<256x1xf32> to vector<256x512xf32>
      %gt3A_555 = arith.cmpf ogt, %get3A_549, %gt3A : vector<256x512xf32>
      %eq3A_556 = vector.broadcast %broadcast_in_dim3A_122 : vector<256x1xf32> to vector<256x512xf32>
      %eq3A_557 = arith.cmpf oeq, %get3A_549, %eq3A_556 : vector<256x512xf32>
      %gt3A_558 = vector.broadcast %broadcast_in_dim3A_130 : vector<256x1xi32> to vector<256x512xi32>
      %gt3A_559 = arith.cmpi sgt, %add3A_554, %gt3A_558 : vector<256x512xi32>
      %and3A = arith.andi %eq3A_557, %gt3A_559 : vector<256x512xi1>
      %or3A = arith.ori %gt3A_555, %and3A : vector<256x512xi1>
      %broadcast_in_dim3A_560 = vector.broadcast %scan3A_145 : f32 to vector<256x512xf32>
      %select_n3A_561 = arith.select %or3A, %get3A_549, %broadcast_in_dim3A_560 : vector<256x512xi1>, vector<256x512xf32>
      %lt3A = arith.cmpf olt, %select_n3A_561, %scan3A_543 : vector<256x512xf32>
      %select_n3A_562 = arith.select %lt3A, %select_n3A_561, %scan3A_543 : vector<256x512xi1>, vector<256x512xf32>
      %select_n3A_563 = arith.select %lt3A, %add3A_554, %scan3A_544 : vector<256x512xi1>, vector<256x512xi32>
      scf.yield %select_n3A_562, %select_n3A_563 : vector<256x512xf32>, vector<256x512xi32>
    }
    %scan3A_151 = arith.constant 16 : i32
    %reduce_min3A_152 = arith.constant dense<0x7F800000> : vector<256xf32>
    %reduce_min3A_153 = vector.multi_reduction <minimumf>, %scan3A_150#0, %reduce_min3A_152 [1] : vector<256x512xf32> to vector<256xf32>
    %broadcast_in_dim3A_154 = vector.shape_cast %reduce_min3A_153 : vector<256xf32> to vector<256x1xf32>
    %eq3A_155 = vector.broadcast %broadcast_in_dim3A_154 : vector<256x1xf32> to vector<256x512xf32>
    %eq3A_156 = arith.cmpf oeq, %scan3A_150#0, %eq3A_155 : vector<256x512xf32>
    %jit3A_157 = arith.constant 8192 : i32
    %broadcast_in_dim3A_158 = vector.broadcast %jit3A_157 : i32 to vector<256x512xi32>
    %select_n3A_159 = arith.select %eq3A_156, %scan3A_150#1, %broadcast_in_dim3A_158 : vector<256x512xi1>, vector<256x512xi32>
    %reduce_min3A_160 = arith.constant dense<2147483647> : vector<256xi32>
    %reduce_min3A_161 = vector.multi_reduction <minsi>, %select_n3A_159, %reduce_min3A_160 [1] : vector<256x512xi32> to vector<256xi32>
    %broadcast_in_dim3A_162 = vector.shape_cast %reduce_min3A_161 : vector<256xi32> to vector<256x1xi32>
    %mul3A_163 = arith.constant 8192 : i32
    %mul3A_164 = arith.muli %arg0, %mul3A_163 : i32
    %add3A_165 = vector.broadcast %mul3A_164 : i32 to vector<256x1xi32>
    %add3A_166 = arith.addi %broadcast_in_dim3A_162, %add3A_165 : vector<256x1xi32>
    %swap3A_167 = arith.constant 0 : index
    %swap3A_168 = arith.constant 0 : index
    %swap3A_169 = arith.constant 4 : index
    %swap3A_170 = vector.load %arg6[%swap3A_167, %swap3A_168, %swap3A_169] : memref<1x256x16xi32, #tpu.memory_space<vmem>>, vector<1x256x1xi32>
    %swap3A_171 = vector.shape_cast %swap3A_170 : vector<1x256x1xi32> to vector<256x1xi32>
    %swap3A_172 = vector.shape_cast %add3A_166 : vector<256x1xi32> to vector<1x256x1xi32>
    tpu.vector_store %arg6[%swap3A_167, %swap3A_168, %swap3A_169], %swap3A_172 {strides = array<i32>} : memref<1x256x16xi32, #tpu.memory_space<vmem>>, vector<1x256x1xi32>,
    %broadcast_in_dim3A_173 = arith.constant 0x7F800000 : f32
    %broadcast_in_dim3A_174 = vector.broadcast %broadcast_in_dim3A_173 : f32 to vector<256x512xf32>
    %broadcast_in_dim3A_175 = arith.constant 8192 : i32
    %broadcast_in_dim3A_176 = vector.broadcast %broadcast_in_dim3A_175 : i32 to vector<256x512xi32>
    %scan3A_177 = arith.constant 0x7F800000 : f32
    %scan3A_178 = arith.constant 0 : i32
    %scan3A_179 = arith.constant 16 : i32
    %scan3A_180 = arith.addi %scan3A_178, %scan3A_179 : i32
    %scan3A_181 = arith.constant 1 : i32
    %scan3A_182:2 = scf.for %scan3A_542 = %scan3A_178 to %scan3A_180 step %scan3A_181 iter_args(%scan3A_543 = %broadcast_in_dim3A_174, %scan3A_544 = %broadcast_in_dim3A_176) -> (vector<256x512xf32>, vector<256x512xi32>)  : i32 {
      %get3A_545 = arith.index_cast %scan3A_542 : i32 to index
      %get3A_546 = arith.constant 0 : index
      %get3A_547 = arith.constant 0 : index
      %get3A_548 = vector.load %arg8[%get3A_545, %get3A_546, %get3A_547] : memref<16x256x512xf32, #tpu.memory_space<vmem>>, vector<1x256x512xf32>
      %get3A_549 = vector.shape_cast %get3A_548 : vector<1x256x512xf32> to vector<256x512xf32>
      %mul3A_550 = arith.constant 512 : i32
      %mul3A_551 = arith.muli %scan3A_542, %mul3A_550 : i32
      %iota3A_552 = tpu.iota {dimensions = array<i32: 1>} : vector<256x512xi32>
      %add3A_553 = vector.broadcast %mul3A_551 : i32 to vector<256x512xi32>
      %add3A_554 = arith.addi %add3A_553, %iota3A_552 : vector<256x512xi32>
      %gt3A = vector.broadcast %broadcast_in_dim3A_154 : vector<256x1xf32> to vector<256x512xf32>
      %gt3A_555 = arith.cmpf ogt, %get3A_549, %gt3A : vector<256x512xf32>
      %eq3A_556 = vector.broadcast %broadcast_in_dim3A_154 : vector<256x1xf32> to vector<256x512xf32>
      %eq3A_557 = arith.cmpf oeq, %get3A_549, %eq3A_556 : vector<256x512xf32>
      %gt3A_558 = vector.broadcast %broadcast_in_dim3A_162 : vector<256x1xi32> to vector<256x512xi32>
      %gt3A_559 = arith.cmpi sgt, %add3A_554, %gt3A_558 : vector<256x512xi32>
      %and3A = arith.andi %eq3A_557, %gt3A_559 : vector<256x512xi1>
      %or3A = arith.ori %gt3A_555, %and3A : vector<256x512xi1>
      %broadcast_in_dim3A_560 = vector.broadcast %scan3A_177 : f32 to vector<256x512xf32>
      %select_n3A_561 = arith.select %or3A, %get3A_549, %broadcast_in_dim3A_560 : vector<256x512xi1>, vector<256x512xf32>
      %lt3A = arith.cmpf olt, %select_n3A_561, %scan3A_543 : vector<256x512xf32>
      %select_n3A_562 = arith.select %lt3A, %select_n3A_561, %scan3A_543 : vector<256x512xi1>, vector<256x512xf32>
      %select_n3A_563 = arith.select %lt3A, %add3A_554, %scan3A_544 : vector<256x512xi1>, vector<256x512xi32>
      scf.yield %select_n3A_562, %select_n3A_563 : vector<256x512xf32>, vector<256x512xi32>
    }
    %scan3A_183 = arith.constant 16 : i32
    %reduce_min3A_184 = arith.constant dense<0x7F800000> : vector<256xf32>
    %reduce_min3A_185 = vector.multi_reduction <minimumf>, %scan3A_182#0, %reduce_min3A_184 [1] : vector<256x512xf32> to vector<256xf32>
    %broadcast_in_dim3A_186 = vector.shape_cast %reduce_min3A_185 : vector<256xf32> to vector<256x1xf32>
    %eq3A_187 = vector.broadcast %broadcast_in_dim3A_186 : vector<256x1xf32> to vector<256x512xf32>
    %eq3A_188 = arith.cmpf oeq, %scan3A_182#0, %eq3A_187 : vector<256x512xf32>
    %jit3A_189 = arith.constant 8192 : i32
    %broadcast_in_dim3A_190 = vector.broadcast %jit3A_189 : i32 to vector<256x512xi32>
    %select_n3A_191 = arith.select %eq3A_188, %scan3A_182#1, %broadcast_in_dim3A_190 : vector<256x512xi1>, vector<256x512xi32>
    %reduce_min3A_192 = arith.constant dense<2147483647> : vector<256xi32>
    %reduce_min3A_193 = vector.multi_reduction <minsi>, %select_n3A_191, %reduce_min3A_192 [1] : vector<256x512xi32> to vector<256xi32>
    %broadcast_in_dim3A_194 = vector.shape_cast %reduce_min3A_193 : vector<256xi32> to vector<256x1xi32>
    %mul3A_195 = arith.constant 8192 : i32
    %mul3A_196 = arith.muli %arg0, %mul3A_195 : i32
    %add3A_197 = vector.broadcast %mul3A_196 : i32 to vector<256x1xi32>
    %add3A_198 = arith.addi %broadcast_in_dim3A_194, %add3A_197 : vector<256x1xi32>
    %swap3A_199 = arith.constant 0 : index
    %swap3A_200 = arith.constant 0 : index
    %swap3A_201 = arith.constant 5 : index
    %swap3A_202 = vector.load %arg6[%swap3A_199, %swap3A_200, %swap3A_201] : memref<1x256x16xi32, #tpu.memory_space<vmem>>, vector<1x256x1xi32>
    %swap3A_203 = vector.shape_cast %swap3A_202 : vector<1x256x1xi32> to vector<256x1xi32>
    %swap3A_204 = vector.shape_cast %add3A_198 : vector<256x1xi32> to vector<1x256x1xi32>
    tpu.vector_store %arg6[%swap3A_199, %swap3A_200, %swap3A_201], %swap3A_204 {strides = array<i32>} : memref<1x256x16xi32, #tpu.memory_space<vmem>>, vector<1x256x1xi32>,
    %broadcast_in_dim3A_205 = arith.constant 0x7F800000 : f32
    %broadcast_in_dim3A_206 = vector.broadcast %broadcast_in_dim3A_205 : f32 to vector<256x512xf32>
    %broadcast_in_dim3A_207 = arith.constant 8192 : i32
    %broadcast_in_dim3A_208 = vector.broadcast %broadcast_in_dim3A_207 : i32 to vector<256x512xi32>
    %scan3A_209 = arith.constant 0x7F800000 : f32
    %scan3A_210 = arith.constant 0 : i32
    %scan3A_211 = arith.constant 16 : i32
    %scan3A_212 = arith.addi %scan3A_210, %scan3A_211 : i32
    %scan3A_213 = arith.constant 1 : i32
    %scan3A_214:2 = scf.for %scan3A_542 = %scan3A_210 to %scan3A_212 step %scan3A_213 iter_args(%scan3A_543 = %broadcast_in_dim3A_206, %scan3A_544 = %broadcast_in_dim3A_208) -> (vector<256x512xf32>, vector<256x512xi32>)  : i32 {
      %get3A_545 = arith.index_cast %scan3A_542 : i32 to index
      %get3A_546 = arith.constant 0 : index
      %get3A_547 = arith.constant 0 : index
      %get3A_548 = vector.load %arg8[%get3A_545, %get3A_546, %get3A_547] : memref<16x256x512xf32, #tpu.memory_space<vmem>>, vector<1x256x512xf32>
      %get3A_549 = vector.shape_cast %get3A_548 : vector<1x256x512xf32> to vector<256x512xf32>
      %mul3A_550 = arith.constant 512 : i32
      %mul3A_551 = arith.muli %scan3A_542, %mul3A_550 : i32
      %iota3A_552 = tpu.iota {dimensions = array<i32: 1>} : vector<256x512xi32>
      %add3A_553 = vector.broadcast %mul3A_551 : i32 to vector<256x512xi32>
      %add3A_554 = arith.addi %add3A_553, %iota3A_552 : vector<256x512xi32>
      %gt3A = vector.broadcast %broadcast_in_dim3A_186 : vector<256x1xf32> to vector<256x512xf32>
      %gt3A_555 = arith.cmpf ogt, %get3A_549, %gt3A : vector<256x512xf32>
      %eq3A_556 = vector.broadcast %broadcast_in_dim3A_186 : vector<256x1xf32> to vector<256x512xf32>
      %eq3A_557 = arith.cmpf oeq, %get3A_549, %eq3A_556 : vector<256x512xf32>
      %gt3A_558 = vector.broadcast %broadcast_in_dim3A_194 : vector<256x1xi32> to vector<256x512xi32>
      %gt3A_559 = arith.cmpi sgt, %add3A_554, %gt3A_558 : vector<256x512xi32>
      %and3A = arith.andi %eq3A_557, %gt3A_559 : vector<256x512xi1>
      %or3A = arith.ori %gt3A_555, %and3A : vector<256x512xi1>
      %broadcast_in_dim3A_560 = vector.broadcast %scan3A_209 : f32 to vector<256x512xf32>
      %select_n3A_561 = arith.select %or3A, %get3A_549, %broadcast_in_dim3A_560 : vector<256x512xi1>, vector<256x512xf32>
      %lt3A = arith.cmpf olt, %select_n3A_561, %scan3A_543 : vector<256x512xf32>
      %select_n3A_562 = arith.select %lt3A, %select_n3A_561, %scan3A_543 : vector<256x512xi1>, vector<256x512xf32>
      %select_n3A_563 = arith.select %lt3A, %add3A_554, %scan3A_544 : vector<256x512xi1>, vector<256x512xi32>
      scf.yield %select_n3A_562, %select_n3A_563 : vector<256x512xf32>, vector<256x512xi32>
    }
    %scan3A_215 = arith.constant 16 : i32
    %reduce_min3A_216 = arith.constant dense<0x7F800000> : vector<256xf32>
    %reduce_min3A_217 = vector.multi_reduction <minimumf>, %scan3A_214#0, %reduce_min3A_216 [1] : vector<256x512xf32> to vector<256xf32>
    %broadcast_in_dim3A_218 = vector.shape_cast %reduce_min3A_217 : vector<256xf32> to vector<256x1xf32>
    %eq3A_219 = vector.broadcast %broadcast_in_dim3A_218 : vector<256x1xf32> to vector<256x512xf32>
    %eq3A_220 = arith.cmpf oeq, %scan3A_214#0, %eq3A_219 : vector<256x512xf32>
    %jit3A_221 = arith.constant 8192 : i32
    %broadcast_in_dim3A_222 = vector.broadcast %jit3A_221 : i32 to vector<256x512xi32>
    %select_n3A_223 = arith.select %eq3A_220, %scan3A_214#1, %broadcast_in_dim3A_222 : vector<256x512xi1>, vector<256x512xi32>
    %reduce_min3A_224 = arith.constant dense<2147483647> : vector<256xi32>
    %reduce_min3A_225 = vector.multi_reduction <minsi>, %select_n3A_223, %reduce_min3A_224 [1] : vector<256x512xi32> to vector<256xi32>
    %broadcast_in_dim3A_226 = vector.shape_cast %reduce_min3A_225 : vector<256xi32> to vector<256x1xi32>
    %mul3A_227 = arith.constant 8192 : i32
    %mul3A_228 = arith.muli %arg0, %mul3A_227 : i32
    %add3A_229 = vector.broadcast %mul3A_228 : i32 to vector<256x1xi32>
    %add3A_230 = arith.addi %broadcast_in_dim3A_226, %add3A_229 : vector<256x1xi32>
    %swap3A_231 = arith.constant 0 : index
    %swap3A_232 = arith.constant 0 : index
    %swap3A_233 = arith.constant 6 : index
    %swap3A_234 = vector.load %arg6[%swap3A_231, %swap3A_232, %swap3A_233] : memref<1x256x16xi32, #tpu.memory_space<vmem>>, vector<1x256x1xi32>
    %swap3A_235 = vector.shape_cast %swap3A_234 : vector<1x256x1xi32> to vector<256x1xi32>
    %swap3A_236 = vector.shape_cast %add3A_230 : vector<256x1xi32> to vector<1x256x1xi32>
    tpu.vector_store %arg6[%swap3A_231, %swap3A_232, %swap3A_233], %swap3A_236 {strides = array<i32>} : memref<1x256x16xi32, #tpu.memory_space<vmem>>, vector<1x256x1xi32>,
    %broadcast_in_dim3A_237 = arith.constant 0x7F800000 : f32
    %broadcast_in_dim3A_238 = vector.broadcast %broadcast_in_dim3A_237 : f32 to vector<256x512xf32>
    %broadcast_in_dim3A_239 = arith.constant 8192 : i32
    %broadcast_in_dim3A_240 = vector.broadcast %broadcast_in_dim3A_239 : i32 to vector<256x512xi32>
    %scan3A_241 = arith.constant 0x7F800000 : f32
    %scan3A_242 = arith.constant 0 : i32
    %scan3A_243 = arith.constant 16 : i32
    %scan3A_244 = arith.addi %scan3A_242, %scan3A_243 : i32
    %scan3A_245 = arith.constant 1 : i32
    %scan3A_246:2 = scf.for %scan3A_542 = %scan3A_242 to %scan3A_244 step %scan3A_245 iter_args(%scan3A_543 = %broadcast_in_dim3A_238, %scan3A_544 = %broadcast_in_dim3A_240) -> (vector<256x512xf32>, vector<256x512xi32>)  : i32 {
      %get3A_545 = arith.index_cast %scan3A_542 : i32 to index
      %get3A_546 = arith.constant 0 : index
      %get3A_547 = arith.constant 0 : index
      %get3A_548 = vector.load %arg8[%get3A_545, %get3A_546, %get3A_547] : memref<16x256x512xf32, #tpu.memory_space<vmem>>, vector<1x256x512xf32>
      %get3A_549 = vector.shape_cast %get3A_548 : vector<1x256x512xf32> to vector<256x512xf32>
      %mul3A_550 = arith.constant 512 : i32
      %mul3A_551 = arith.muli %scan3A_542, %mul3A_550 : i32
      %iota3A_552 = tpu.iota {dimensions = array<i32: 1>} : vector<256x512xi32>
      %add3A_553 = vector.broadcast %mul3A_551 : i32 to vector<256x512xi32>
      %add3A_554 = arith.addi %add3A_553, %iota3A_552 : vector<256x512xi32>
      %gt3A = vector.broadcast %broadcast_in_dim3A_218 : vector<256x1xf32> to vector<256x512xf32>
      %gt3A_555 = arith.cmpf ogt, %get3A_549, %gt3A : vector<256x512xf32>
      %eq3A_556 = vector.broadcast %broadcast_in_dim3A_218 : vector<256x1xf32> to vector<256x512xf32>
      %eq3A_557 = arith.cmpf oeq, %get3A_549, %eq3A_556 : vector<256x512xf32>
      %gt3A_558 = vector.broadcast %broadcast_in_dim3A_226 : vector<256x1xi32> to vector<256x512xi32>
      %gt3A_559 = arith.cmpi sgt, %add3A_554, %gt3A_558 : vector<256x512xi32>
      %and3A = arith.andi %eq3A_557, %gt3A_559 : vector<256x512xi1>
      %or3A = arith.ori %gt3A_555, %and3A : vector<256x512xi1>
      %broadcast_in_dim3A_560 = vector.broadcast %scan3A_241 : f32 to vector<256x512xf32>
      %select_n3A_561 = arith.select %or3A, %get3A_549, %broadcast_in_dim3A_560 : vector<256x512xi1>, vector<256x512xf32>
      %lt3A = arith.cmpf olt, %select_n3A_561, %scan3A_543 : vector<256x512xf32>
      %select_n3A_562 = arith.select %lt3A, %select_n3A_561, %scan3A_543 : vector<256x512xi1>, vector<256x512xf32>
      %select_n3A_563 = arith.select %lt3A, %add3A_554, %scan3A_544 : vector<256x512xi1>, vector<256x512xi32>
      scf.yield %select_n3A_562, %select_n3A_563 : vector<256x512xf32>, vector<256x512xi32>
    }
    %scan3A_247 = arith.constant 16 : i32
    %reduce_min3A_248 = arith.constant dense<0x7F800000> : vector<256xf32>
    %reduce_min3A_249 = vector.multi_reduction <minimumf>, %scan3A_246#0, %reduce_min3A_248 [1] : vector<256x512xf32> to vector<256xf32>
    %broadcast_in_dim3A_250 = vector.shape_cast %reduce_min3A_249 : vector<256xf32> to vector<256x1xf32>
    %eq3A_251 = vector.broadcast %broadcast_in_dim3A_250 : vector<256x1xf32> to vector<256x512xf32>
    %eq3A_252 = arith.cmpf oeq, %scan3A_246#0, %eq3A_251 : vector<256x512xf32>
    %jit3A_253 = arith.constant 8192 : i32
    %broadcast_in_dim3A_254 = vector.broadcast %jit3A_253 : i32 to vector<256x512xi32>
    %select_n3A_255 = arith.select %eq3A_252, %scan3A_246#1, %broadcast_in_dim3A_254 : vector<256x512xi1>, vector<256x512xi32>
    %reduce_min3A_256 = arith.constant dense<2147483647> : vector<256xi32>
    %reduce_min3A_257 = vector.multi_reduction <minsi>, %select_n3A_255, %reduce_min3A_256 [1] : vector<256x512xi32> to vector<256xi32>
    %broadcast_in_dim3A_258 = vector.shape_cast %reduce_min3A_257 : vector<256xi32> to vector<256x1xi32>
    %mul3A_259 = arith.constant 8192 : i32
    %mul3A_260 = arith.muli %arg0, %mul3A_259 : i32
    %add3A_261 = vector.broadcast %mul3A_260 : i32 to vector<256x1xi32>
    %add3A_262 = arith.addi %broadcast_in_dim3A_258, %add3A_261 : vector<256x1xi32>
    %swap3A_263 = arith.constant 0 : index
    %swap3A_264 = arith.constant 0 : index
    %swap3A_265 = arith.constant 7 : index
    %swap3A_266 = vector.load %arg6[%swap3A_263, %swap3A_264, %swap3A_265] : memref<1x256x16xi32, #tpu.memory_space<vmem>>, vector<1x256x1xi32>
    %swap3A_267 = vector.shape_cast %swap3A_266 : vector<1x256x1xi32> to vector<256x1xi32>
    %swap3A_268 = vector.shape_cast %add3A_262 : vector<256x1xi32> to vector<1x256x1xi32>
    tpu.vector_store %arg6[%swap3A_263, %swap3A_264, %swap3A_265], %swap3A_268 {strides = array<i32>} : memref<1x256x16xi32, #tpu.memory_space<vmem>>, vector<1x256x1xi32>,
    %broadcast_in_dim3A_269 = arith.constant 0x7F800000 : f32
    %broadcast_in_dim3A_270 = vector.broadcast %broadcast_in_dim3A_269 : f32 to vector<256x512xf32>
    %broadcast_in_dim3A_271 = arith.constant 8192 : i32
    %broadcast_in_dim3A_272 = vector.broadcast %broadcast_in_dim3A_271 : i32 to vector<256x512xi32>
    %scan3A_273 = arith.constant 0x7F800000 : f32
    %scan3A_274 = arith.constant 0 : i32
    %scan3A_275 = arith.constant 16 : i32
    %scan3A_276 = arith.addi %scan3A_274, %scan3A_275 : i32
    %scan3A_277 = arith.constant 1 : i32
    %scan3A_278:2 = scf.for %scan3A_542 = %scan3A_274 to %scan3A_276 step %scan3A_277 iter_args(%scan3A_543 = %broadcast_in_dim3A_270, %scan3A_544 = %broadcast_in_dim3A_272) -> (vector<256x512xf32>, vector<256x512xi32>)  : i32 {
      %get3A_545 = arith.index_cast %scan3A_542 : i32 to index
      %get3A_546 = arith.constant 0 : index
      %get3A_547 = arith.constant 0 : index
      %get3A_548 = vector.load %arg8[%get3A_545, %get3A_546, %get3A_547] : memref<16x256x512xf32, #tpu.memory_space<vmem>>, vector<1x256x512xf32>
      %get3A_549 = vector.shape_cast %get3A_548 : vector<1x256x512xf32> to vector<256x512xf32>
      %mul3A_550 = arith.constant 512 : i32
      %mul3A_551 = arith.muli %scan3A_542, %mul3A_550 : i32
      %iota3A_552 = tpu.iota {dimensions = array<i32: 1>} : vector<256x512xi32>
      %add3A_553 = vector.broadcast %mul3A_551 : i32 to vector<256x512xi32>
      %add3A_554 = arith.addi %add3A_553, %iota3A_552 : vector<256x512xi32>
      %gt3A = vector.broadcast %broadcast_in_dim3A_250 : vector<256x1xf32> to vector<256x512xf32>
      %gt3A_555 = arith.cmpf ogt, %get3A_549, %gt3A : vector<256x512xf32>
      %eq3A_556 = vector.broadcast %broadcast_in_dim3A_250 : vector<256x1xf32> to vector<256x512xf32>
      %eq3A_557 = arith.cmpf oeq, %get3A_549, %eq3A_556 : vector<256x512xf32>
      %gt3A_558 = vector.broadcast %broadcast_in_dim3A_258 : vector<256x1xi32> to vector<256x512xi32>
      %gt3A_559 = arith.cmpi sgt, %add3A_554, %gt3A_558 : vector<256x512xi32>
      %and3A = arith.andi %eq3A_557, %gt3A_559 : vector<256x512xi1>
      %or3A = arith.ori %gt3A_555, %and3A : vector<256x512xi1>
      %broadcast_in_dim3A_560 = vector.broadcast %scan3A_273 : f32 to vector<256x512xf32>
      %select_n3A_561 = arith.select %or3A, %get3A_549, %broadcast_in_dim3A_560 : vector<256x512xi1>, vector<256x512xf32>
      %lt3A = arith.cmpf olt, %select_n3A_561, %scan3A_543 : vector<256x512xf32>
      %select_n3A_562 = arith.select %lt3A, %select_n3A_561, %scan3A_543 : vector<256x512xi1>, vector<256x512xf32>
      %select_n3A_563 = arith.select %lt3A, %add3A_554, %scan3A_544 : vector<256x512xi1>, vector<256x512xi32>
      scf.yield %select_n3A_562, %select_n3A_563 : vector<256x512xf32>, vector<256x512xi32>
    }
    %scan3A_279 = arith.constant 16 : i32
    %reduce_min3A_280 = arith.constant dense<0x7F800000> : vector<256xf32>
    %reduce_min3A_281 = vector.multi_reduction <minimumf>, %scan3A_278#0, %reduce_min3A_280 [1] : vector<256x512xf32> to vector<256xf32>
    %broadcast_in_dim3A_282 = vector.shape_cast %reduce_min3A_281 : vector<256xf32> to vector<256x1xf32>
    %eq3A_283 = vector.broadcast %broadcast_in_dim3A_282 : vector<256x1xf32> to vector<256x512xf32>
    %eq3A_284 = arith.cmpf oeq, %scan3A_278#0, %eq3A_283 : vector<256x512xf32>
    %jit3A_285 = arith.constant 8192 : i32
    %broadcast_in_dim3A_286 = vector.broadcast %jit3A_285 : i32 to vector<256x512xi32>
    %select_n3A_287 = arith.select %eq3A_284, %scan3A_278#1, %broadcast_in_dim3A_286 : vector<256x512xi1>, vector<256x512xi32>
    %reduce_min3A_288 = arith.constant dense<2147483647> : vector<256xi32>
    %reduce_min3A_289 = vector.multi_reduction <minsi>, %select_n3A_287, %reduce_min3A_288 [1] : vector<256x512xi32> to vector<256xi32>
    %broadcast_in_dim3A_290 = vector.shape_cast %reduce_min3A_289 : vector<256xi32> to vector<256x1xi32>
    %mul3A_291 = arith.constant 8192 : i32
    %mul3A_292 = arith.muli %arg0, %mul3A_291 : i32
    %add3A_293 = vector.broadcast %mul3A_292 : i32 to vector<256x1xi32>
    %add3A_294 = arith.addi %broadcast_in_dim3A_290, %add3A_293 : vector<256x1xi32>
    %swap3A_295 = arith.constant 0 : index
    %swap3A_296 = arith.constant 0 : index
    %swap3A_297 = arith.constant 8 : index
    %swap3A_298 = vector.load %arg6[%swap3A_295, %swap3A_296, %swap3A_297] : memref<1x256x16xi32, #tpu.memory_space<vmem>>, vector<1x256x1xi32>
    %swap3A_299 = vector.shape_cast %swap3A_298 : vector<1x256x1xi32> to vector<256x1xi32>
    %swap3A_300 = vector.shape_cast %add3A_294 : vector<256x1xi32> to vector<1x256x1xi32>
    tpu.vector_store %arg6[%swap3A_295, %swap3A_296, %swap3A_297], %swap3A_300 {strides = array<i32>} : memref<1x256x16xi32, #tpu.memory_space<vmem>>, vector<1x256x1xi32>,
    %broadcast_in_dim3A_301 = arith.constant 0x7F800000 : f32
    %broadcast_in_dim3A_302 = vector.broadcast %broadcast_in_dim3A_301 : f32 to vector<256x512xf32>
    %broadcast_in_dim3A_303 = arith.constant 8192 : i32
    %broadcast_in_dim3A_304 = vector.broadcast %broadcast_in_dim3A_303 : i32 to vector<256x512xi32>
    %scan3A_305 = arith.constant 0x7F800000 : f32
    %scan3A_306 = arith.constant 0 : i32
    %scan3A_307 = arith.constant 16 : i32
    %scan3A_308 = arith.addi %scan3A_306, %scan3A_307 : i32
    %scan3A_309 = arith.constant 1 : i32
    %scan3A_310:2 = scf.for %scan3A_542 = %scan3A_306 to %scan3A_308 step %scan3A_309 iter_args(%scan3A_543 = %broadcast_in_dim3A_302, %scan3A_544 = %broadcast_in_dim3A_304) -> (vector<256x512xf32>, vector<256x512xi32>)  : i32 {
      %get3A_545 = arith.index_cast %scan3A_542 : i32 to index
      %get3A_546 = arith.constant 0 : index
      %get3A_547 = arith.constant 0 : index
      %get3A_548 = vector.load %arg8[%get3A_545, %get3A_546, %get3A_547] : memref<16x256x512xf32, #tpu.memory_space<vmem>>, vector<1x256x512xf32>
      %get3A_549 = vector.shape_cast %get3A_548 : vector<1x256x512xf32> to vector<256x512xf32>
      %mul3A_550 = arith.constant 512 : i32
      %mul3A_551 = arith.muli %scan3A_542, %mul3A_550 : i32
      %iota3A_552 = tpu.iota {dimensions = array<i32: 1>} : vector<256x512xi32>
      %add3A_553 = vector.broadcast %mul3A_551 : i32 to vector<256x512xi32>
      %add3A_554 = arith.addi %add3A_553, %iota3A_552 : vector<256x512xi32>
      %gt3A = vector.broadcast %broadcast_in_dim3A_282 : vector<256x1xf32> to vector<256x512xf32>
      %gt3A_555 = arith.cmpf ogt, %get3A_549, %gt3A : vector<256x512xf32>
      %eq3A_556 = vector.broadcast %broadcast_in_dim3A_282 : vector<256x1xf32> to vector<256x512xf32>
      %eq3A_557 = arith.cmpf oeq, %get3A_549, %eq3A_556 : vector<256x512xf32>
      %gt3A_558 = vector.broadcast %broadcast_in_dim3A_290 : vector<256x1xi32> to vector<256x512xi32>
      %gt3A_559 = arith.cmpi sgt, %add3A_554, %gt3A_558 : vector<256x512xi32>
      %and3A = arith.andi %eq3A_557, %gt3A_559 : vector<256x512xi1>
      %or3A = arith.ori %gt3A_555, %and3A : vector<256x512xi1>
      %broadcast_in_dim3A_560 = vector.broadcast %scan3A_305 : f32 to vector<256x512xf32>
      %select_n3A_561 = arith.select %or3A, %get3A_549, %broadcast_in_dim3A_560 : vector<256x512xi1>, vector<256x512xf32>
      %lt3A = arith.cmpf olt, %select_n3A_561, %scan3A_543 : vector<256x512xf32>
      %select_n3A_562 = arith.select %lt3A, %select_n3A_561, %scan3A_543 : vector<256x512xi1>, vector<256x512xf32>
      %select_n3A_563 = arith.select %lt3A, %add3A_554, %scan3A_544 : vector<256x512xi1>, vector<256x512xi32>
      scf.yield %select_n3A_562, %select_n3A_563 : vector<256x512xf32>, vector<256x512xi32>
    }
    %scan3A_311 = arith.constant 16 : i32
    %reduce_min3A_312 = arith.constant dense<0x7F800000> : vector<256xf32>
    %reduce_min3A_313 = vector.multi_reduction <minimumf>, %scan3A_310#0, %reduce_min3A_312 [1] : vector<256x512xf32> to vector<256xf32>
    %broadcast_in_dim3A_314 = vector.shape_cast %reduce_min3A_313 : vector<256xf32> to vector<256x1xf32>
    %eq3A_315 = vector.broadcast %broadcast_in_dim3A_314 : vector<256x1xf32> to vector<256x512xf32>
    %eq3A_316 = arith.cmpf oeq, %scan3A_310#0, %eq3A_315 : vector<256x512xf32>
    %jit3A_317 = arith.constant 8192 : i32
    %broadcast_in_dim3A_318 = vector.broadcast %jit3A_317 : i32 to vector<256x512xi32>
    %select_n3A_319 = arith.select %eq3A_316, %scan3A_310#1, %broadcast_in_dim3A_318 : vector<256x512xi1>, vector<256x512xi32>
    %reduce_min3A_320 = arith.constant dense<2147483647> : vector<256xi32>
    %reduce_min3A_321 = vector.multi_reduction <minsi>, %select_n3A_319, %reduce_min3A_320 [1] : vector<256x512xi32> to vector<256xi32>
    %broadcast_in_dim3A_322 = vector.shape_cast %reduce_min3A_321 : vector<256xi32> to vector<256x1xi32>
    %mul3A_323 = arith.constant 8192 : i32
    %mul3A_324 = arith.muli %arg0, %mul3A_323 : i32
    %add3A_325 = vector.broadcast %mul3A_324 : i32 to vector<256x1xi32>
    %add3A_326 = arith.addi %broadcast_in_dim3A_322, %add3A_325 : vector<256x1xi32>
    %swap3A_327 = arith.constant 0 : index
    %swap3A_328 = arith.constant 0 : index
    %swap3A_329 = arith.constant 9 : index
    %swap3A_330 = vector.load %arg6[%swap3A_327, %swap3A_328, %swap3A_329] : memref<1x256x16xi32, #tpu.memory_space<vmem>>, vector<1x256x1xi32>
    %swap3A_331 = vector.shape_cast %swap3A_330 : vector<1x256x1xi32> to vector<256x1xi32>
    %swap3A_332 = vector.shape_cast %add3A_326 : vector<256x1xi32> to vector<1x256x1xi32>
    tpu.vector_store %arg6[%swap3A_327, %swap3A_328, %swap3A_329], %swap3A_332 {strides = array<i32>} : memref<1x256x16xi32, #tpu.memory_space<vmem>>, vector<1x256x1xi32>,
    %broadcast_in_dim3A_333 = arith.constant 0x7F800000 : f32
    %broadcast_in_dim3A_334 = vector.broadcast %broadcast_in_dim3A_333 : f32 to vector<256x512xf32>
    %broadcast_in_dim3A_335 = arith.constant 8192 : i32
    %broadcast_in_dim3A_336 = vector.broadcast %broadcast_in_dim3A_335 : i32 to vector<256x512xi32>
    %scan3A_337 = arith.constant 0x7F800000 : f32
    %scan3A_338 = arith.constant 0 : i32
    %scan3A_339 = arith.constant 16 : i32
    %scan3A_340 = arith.addi %scan3A_338, %scan3A_339 : i32
    %scan3A_341 = arith.constant 1 : i32
    %scan3A_342:2 = scf.for %scan3A_542 = %scan3A_338 to %scan3A_340 step %scan3A_341 iter_args(%scan3A_543 = %broadcast_in_dim3A_334, %scan3A_544 = %broadcast_in_dim3A_336) -> (vector<256x512xf32>, vector<256x512xi32>)  : i32 {
      %get3A_545 = arith.index_cast %scan3A_542 : i32 to index
      %get3A_546 = arith.constant 0 : index
      %get3A_547 = arith.constant 0 : index
      %get3A_548 = vector.load %arg8[%get3A_545, %get3A_546, %get3A_547] : memref<16x256x512xf32, #tpu.memory_space<vmem>>, vector<1x256x512xf32>
      %get3A_549 = vector.shape_cast %get3A_548 : vector<1x256x512xf32> to vector<256x512xf32>
      %mul3A_550 = arith.constant 512 : i32
      %mul3A_551 = arith.muli %scan3A_542, %mul3A_550 : i32
      %iota3A_552 = tpu.iota {dimensions = array<i32: 1>} : vector<256x512xi32>
      %add3A_553 = vector.broadcast %mul3A_551 : i32 to vector<256x512xi32>
      %add3A_554 = arith.addi %add3A_553, %iota3A_552 : vector<256x512xi32>
      %gt3A = vector.broadcast %broadcast_in_dim3A_314 : vector<256x1xf32> to vector<256x512xf32>
      %gt3A_555 = arith.cmpf ogt, %get3A_549, %gt3A : vector<256x512xf32>
      %eq3A_556 = vector.broadcast %broadcast_in_dim3A_314 : vector<256x1xf32> to vector<256x512xf32>
      %eq3A_557 = arith.cmpf oeq, %get3A_549, %eq3A_556 : vector<256x512xf32>
      %gt3A_558 = vector.broadcast %broadcast_in_dim3A_322 : vector<256x1xi32> to vector<256x512xi32>
      %gt3A_559 = arith.cmpi sgt, %add3A_554, %gt3A_558 : vector<256x512xi32>
      %and3A = arith.andi %eq3A_557, %gt3A_559 : vector<256x512xi1>
      %or3A = arith.ori %gt3A_555, %and3A : vector<256x512xi1>
      %broadcast_in_dim3A_560 = vector.broadcast %scan3A_337 : f32 to vector<256x512xf32>
      %select_n3A_561 = arith.select %or3A, %get3A_549, %broadcast_in_dim3A_560 : vector<256x512xi1>, vector<256x512xf32>
      %lt3A = arith.cmpf olt, %select_n3A_561, %scan3A_543 : vector<256x512xf32>
      %select_n3A_562 = arith.select %lt3A, %select_n3A_561, %scan3A_543 : vector<256x512xi1>, vector<256x512xf32>
      %select_n3A_563 = arith.select %lt3A, %add3A_554, %scan3A_544 : vector<256x512xi1>, vector<256x512xi32>
      scf.yield %select_n3A_562, %select_n3A_563 : vector<256x512xf32>, vector<256x512xi32>
    }
    %scan3A_343 = arith.constant 16 : i32
    %reduce_min3A_344 = arith.constant dense<0x7F800000> : vector<256xf32>
    %reduce_min3A_345 = vector.multi_reduction <minimumf>, %scan3A_342#0, %reduce_min3A_344 [1] : vector<256x512xf32> to vector<256xf32>
    %broadcast_in_dim3A_346 = vector.shape_cast %reduce_min3A_345 : vector<256xf32> to vector<256x1xf32>
    %eq3A_347 = vector.broadcast %broadcast_in_dim3A_346 : vector<256x1xf32> to vector<256x512xf32>
    %eq3A_348 = arith.cmpf oeq, %scan3A_342#0, %eq3A_347 : vector<256x512xf32>
    %jit3A_349 = arith.constant 8192 : i32
    %broadcast_in_dim3A_350 = vector.broadcast %jit3A_349 : i32 to vector<256x512xi32>
    %select_n3A_351 = arith.select %eq3A_348, %scan3A_342#1, %broadcast_in_dim3A_350 : vector<256x512xi1>, vector<256x512xi32>
    %reduce_min3A_352 = arith.constant dense<2147483647> : vector<256xi32>
    %reduce_min3A_353 = vector.multi_reduction <minsi>, %select_n3A_351, %reduce_min3A_352 [1] : vector<256x512xi32> to vector<256xi32>
    %broadcast_in_dim3A_354 = vector.shape_cast %reduce_min3A_353 : vector<256xi32> to vector<256x1xi32>
    %mul3A_355 = arith.constant 8192 : i32
    %mul3A_356 = arith.muli %arg0, %mul3A_355 : i32
    %add3A_357 = vector.broadcast %mul3A_356 : i32 to vector<256x1xi32>
    %add3A_358 = arith.addi %broadcast_in_dim3A_354, %add3A_357 : vector<256x1xi32>
    %swap3A_359 = arith.constant 0 : index
    %swap3A_360 = arith.constant 0 : index
    %swap3A_361 = arith.constant 10 : index
    %swap3A_362 = vector.load %arg6[%swap3A_359, %swap3A_360, %swap3A_361] : memref<1x256x16xi32, #tpu.memory_space<vmem>>, vector<1x256x1xi32>
    %swap3A_363 = vector.shape_cast %swap3A_362 : vector<1x256x1xi32> to vector<256x1xi32>
    %swap3A_364 = vector.shape_cast %add3A_358 : vector<256x1xi32> to vector<1x256x1xi32>
    tpu.vector_store %arg6[%swap3A_359, %swap3A_360, %swap3A_361], %swap3A_364 {strides = array<i32>} : memref<1x256x16xi32, #tpu.memory_space<vmem>>, vector<1x256x1xi32>,
    %broadcast_in_dim3A_365 = arith.constant 0x7F800000 : f32
    %broadcast_in_dim3A_366 = vector.broadcast %broadcast_in_dim3A_365 : f32 to vector<256x512xf32>
    %broadcast_in_dim3A_367 = arith.constant 8192 : i32
    %broadcast_in_dim3A_368 = vector.broadcast %broadcast_in_dim3A_367 : i32 to vector<256x512xi32>
    %scan3A_369 = arith.constant 0x7F800000 : f32
    %scan3A_370 = arith.constant 0 : i32
    %scan3A_371 = arith.constant 16 : i32
    %scan3A_372 = arith.addi %scan3A_370, %scan3A_371 : i32
    %scan3A_373 = arith.constant 1 : i32
    %scan3A_374:2 = scf.for %scan3A_542 = %scan3A_370 to %scan3A_372 step %scan3A_373 iter_args(%scan3A_543 = %broadcast_in_dim3A_366, %scan3A_544 = %broadcast_in_dim3A_368) -> (vector<256x512xf32>, vector<256x512xi32>)  : i32 {
      %get3A_545 = arith.index_cast %scan3A_542 : i32 to index
      %get3A_546 = arith.constant 0 : index
      %get3A_547 = arith.constant 0 : index
      %get3A_548 = vector.load %arg8[%get3A_545, %get3A_546, %get3A_547] : memref<16x256x512xf32, #tpu.memory_space<vmem>>, vector<1x256x512xf32>
      %get3A_549 = vector.shape_cast %get3A_548 : vector<1x256x512xf32> to vector<256x512xf32>
      %mul3A_550 = arith.constant 512 : i32
      %mul3A_551 = arith.muli %scan3A_542, %mul3A_550 : i32
      %iota3A_552 = tpu.iota {dimensions = array<i32: 1>} : vector<256x512xi32>
      %add3A_553 = vector.broadcast %mul3A_551 : i32 to vector<256x512xi32>
      %add3A_554 = arith.addi %add3A_553, %iota3A_552 : vector<256x512xi32>
      %gt3A = vector.broadcast %broadcast_in_dim3A_346 : vector<256x1xf32> to vector<256x512xf32>
      %gt3A_555 = arith.cmpf ogt, %get3A_549, %gt3A : vector<256x512xf32>
      %eq3A_556 = vector.broadcast %broadcast_in_dim3A_346 : vector<256x1xf32> to vector<256x512xf32>
      %eq3A_557 = arith.cmpf oeq, %get3A_549, %eq3A_556 : vector<256x512xf32>
      %gt3A_558 = vector.broadcast %broadcast_in_dim3A_354 : vector<256x1xi32> to vector<256x512xi32>
      %gt3A_559 = arith.cmpi sgt, %add3A_554, %gt3A_558 : vector<256x512xi32>
      %and3A = arith.andi %eq3A_557, %gt3A_559 : vector<256x512xi1>
      %or3A = arith.ori %gt3A_555, %and3A : vector<256x512xi1>
      %broadcast_in_dim3A_560 = vector.broadcast %scan3A_369 : f32 to vector<256x512xf32>
      %select_n3A_561 = arith.select %or3A, %get3A_549, %broadcast_in_dim3A_560 : vector<256x512xi1>, vector<256x512xf32>
      %lt3A = arith.cmpf olt, %select_n3A_561, %scan3A_543 : vector<256x512xf32>
      %select_n3A_562 = arith.select %lt3A, %select_n3A_561, %scan3A_543 : vector<256x512xi1>, vector<256x512xf32>
      %select_n3A_563 = arith.select %lt3A, %add3A_554, %scan3A_544 : vector<256x512xi1>, vector<256x512xi32>
      scf.yield %select_n3A_562, %select_n3A_563 : vector<256x512xf32>, vector<256x512xi32>
    }
    %scan3A_375 = arith.constant 16 : i32
    %reduce_min3A_376 = arith.constant dense<0x7F800000> : vector<256xf32>
    %reduce_min3A_377 = vector.multi_reduction <minimumf>, %scan3A_374#0, %reduce_min3A_376 [1] : vector<256x512xf32> to vector<256xf32>
    %broadcast_in_dim3A_378 = vector.shape_cast %reduce_min3A_377 : vector<256xf32> to vector<256x1xf32>
    %eq3A_379 = vector.broadcast %broadcast_in_dim3A_378 : vector<256x1xf32> to vector<256x512xf32>
    %eq3A_380 = arith.cmpf oeq, %scan3A_374#0, %eq3A_379 : vector<256x512xf32>
    %jit3A_381 = arith.constant 8192 : i32
    %broadcast_in_dim3A_382 = vector.broadcast %jit3A_381 : i32 to vector<256x512xi32>
    %select_n3A_383 = arith.select %eq3A_380, %scan3A_374#1, %broadcast_in_dim3A_382 : vector<256x512xi1>, vector<256x512xi32>
    %reduce_min3A_384 = arith.constant dense<2147483647> : vector<256xi32>
    %reduce_min3A_385 = vector.multi_reduction <minsi>, %select_n3A_383, %reduce_min3A_384 [1] : vector<256x512xi32> to vector<256xi32>
    %broadcast_in_dim3A_386 = vector.shape_cast %reduce_min3A_385 : vector<256xi32> to vector<256x1xi32>
    %mul3A_387 = arith.constant 8192 : i32
    %mul3A_388 = arith.muli %arg0, %mul3A_387 : i32
    %add3A_389 = vector.broadcast %mul3A_388 : i32 to vector<256x1xi32>
    %add3A_390 = arith.addi %broadcast_in_dim3A_386, %add3A_389 : vector<256x1xi32>
    %swap3A_391 = arith.constant 0 : index
    %swap3A_392 = arith.constant 0 : index
    %swap3A_393 = arith.constant 11 : index
    %swap3A_394 = vector.load %arg6[%swap3A_391, %swap3A_392, %swap3A_393] : memref<1x256x16xi32, #tpu.memory_space<vmem>>, vector<1x256x1xi32>
    %swap3A_395 = vector.shape_cast %swap3A_394 : vector<1x256x1xi32> to vector<256x1xi32>
    %swap3A_396 = vector.shape_cast %add3A_390 : vector<256x1xi32> to vector<1x256x1xi32>
    tpu.vector_store %arg6[%swap3A_391, %swap3A_392, %swap3A_393], %swap3A_396 {strides = array<i32>} : memref<1x256x16xi32, #tpu.memory_space<vmem>>, vector<1x256x1xi32>,
    %broadcast_in_dim3A_397 = arith.constant 0x7F800000 : f32
    %broadcast_in_dim3A_398 = vector.broadcast %broadcast_in_dim3A_397 : f32 to vector<256x512xf32>
    %broadcast_in_dim3A_399 = arith.constant 8192 : i32
    %broadcast_in_dim3A_400 = vector.broadcast %broadcast_in_dim3A_399 : i32 to vector<256x512xi32>
    %scan3A_401 = arith.constant 0x7F800000 : f32
    %scan3A_402 = arith.constant 0 : i32
    %scan3A_403 = arith.constant 16 : i32
    %scan3A_404 = arith.addi %scan3A_402, %scan3A_403 : i32
    %scan3A_405 = arith.constant 1 : i32
    %scan3A_406:2 = scf.for %scan3A_542 = %scan3A_402 to %scan3A_404 step %scan3A_405 iter_args(%scan3A_543 = %broadcast_in_dim3A_398, %scan3A_544 = %broadcast_in_dim3A_400) -> (vector<256x512xf32>, vector<256x512xi32>)  : i32 {
      %get3A_545 = arith.index_cast %scan3A_542 : i32 to index
      %get3A_546 = arith.constant 0 : index
      %get3A_547 = arith.constant 0 : index
      %get3A_548 = vector.load %arg8[%get3A_545, %get3A_546, %get3A_547] : memref<16x256x512xf32, #tpu.memory_space<vmem>>, vector<1x256x512xf32>
      %get3A_549 = vector.shape_cast %get3A_548 : vector<1x256x512xf32> to vector<256x512xf32>
      %mul3A_550 = arith.constant 512 : i32
      %mul3A_551 = arith.muli %scan3A_542, %mul3A_550 : i32
      %iota3A_552 = tpu.iota {dimensions = array<i32: 1>} : vector<256x512xi32>
      %add3A_553 = vector.broadcast %mul3A_551 : i32 to vector<256x512xi32>
      %add3A_554 = arith.addi %add3A_553, %iota3A_552 : vector<256x512xi32>
      %gt3A = vector.broadcast %broadcast_in_dim3A_378 : vector<256x1xf32> to vector<256x512xf32>
      %gt3A_555 = arith.cmpf ogt, %get3A_549, %gt3A : vector<256x512xf32>
      %eq3A_556 = vector.broadcast %broadcast_in_dim3A_378 : vector<256x1xf32> to vector<256x512xf32>
      %eq3A_557 = arith.cmpf oeq, %get3A_549, %eq3A_556 : vector<256x512xf32>
      %gt3A_558 = vector.broadcast %broadcast_in_dim3A_386 : vector<256x1xi32> to vector<256x512xi32>
      %gt3A_559 = arith.cmpi sgt, %add3A_554, %gt3A_558 : vector<256x512xi32>
      %and3A = arith.andi %eq3A_557, %gt3A_559 : vector<256x512xi1>
      %or3A = arith.ori %gt3A_555, %and3A : vector<256x512xi1>
      %broadcast_in_dim3A_560 = vector.broadcast %scan3A_401 : f32 to vector<256x512xf32>
      %select_n3A_561 = arith.select %or3A, %get3A_549, %broadcast_in_dim3A_560 : vector<256x512xi1>, vector<256x512xf32>
      %lt3A = arith.cmpf olt, %select_n3A_561, %scan3A_543 : vector<256x512xf32>
      %select_n3A_562 = arith.select %lt3A, %select_n3A_561, %scan3A_543 : vector<256x512xi1>, vector<256x512xf32>
      %select_n3A_563 = arith.select %lt3A, %add3A_554, %scan3A_544 : vector<256x512xi1>, vector<256x512xi32>
      scf.yield %select_n3A_562, %select_n3A_563 : vector<256x512xf32>, vector<256x512xi32>
    }
    %scan3A_407 = arith.constant 16 : i32
    %reduce_min3A_408 = arith.constant dense<0x7F800000> : vector<256xf32>
    %reduce_min3A_409 = vector.multi_reduction <minimumf>, %scan3A_406#0, %reduce_min3A_408 [1] : vector<256x512xf32> to vector<256xf32>
    %broadcast_in_dim3A_410 = vector.shape_cast %reduce_min3A_409 : vector<256xf32> to vector<256x1xf32>
    %eq3A_411 = vector.broadcast %broadcast_in_dim3A_410 : vector<256x1xf32> to vector<256x512xf32>
    %eq3A_412 = arith.cmpf oeq, %scan3A_406#0, %eq3A_411 : vector<256x512xf32>
    %jit3A_413 = arith.constant 8192 : i32
    %broadcast_in_dim3A_414 = vector.broadcast %jit3A_413 : i32 to vector<256x512xi32>
    %select_n3A_415 = arith.select %eq3A_412, %scan3A_406#1, %broadcast_in_dim3A_414 : vector<256x512xi1>, vector<256x512xi32>
    %reduce_min3A_416 = arith.constant dense<2147483647> : vector<256xi32>
    %reduce_min3A_417 = vector.multi_reduction <minsi>, %select_n3A_415, %reduce_min3A_416 [1] : vector<256x512xi32> to vector<256xi32>
    %broadcast_in_dim3A_418 = vector.shape_cast %reduce_min3A_417 : vector<256xi32> to vector<256x1xi32>
    %mul3A_419 = arith.constant 8192 : i32
    %mul3A_420 = arith.muli %arg0, %mul3A_419 : i32
    %add3A_421 = vector.broadcast %mul3A_420 : i32 to vector<256x1xi32>
    %add3A_422 = arith.addi %broadcast_in_dim3A_418, %add3A_421 : vector<256x1xi32>
    %swap3A_423 = arith.constant 0 : index
    %swap3A_424 = arith.constant 0 : index
    %swap3A_425 = arith.constant 12 : index
    %swap3A_426 = vector.load %arg6[%swap3A_423, %swap3A_424, %swap3A_425] : memref<1x256x16xi32, #tpu.memory_space<vmem>>, vector<1x256x1xi32>
    %swap3A_427 = vector.shape_cast %swap3A_426 : vector<1x256x1xi32> to vector<256x1xi32>
    %swap3A_428 = vector.shape_cast %add3A_422 : vector<256x1xi32> to vector<1x256x1xi32>
    tpu.vector_store %arg6[%swap3A_423, %swap3A_424, %swap3A_425], %swap3A_428 {strides = array<i32>} : memref<1x256x16xi32, #tpu.memory_space<vmem>>, vector<1x256x1xi32>,
    %broadcast_in_dim3A_429 = arith.constant 0x7F800000 : f32
    %broadcast_in_dim3A_430 = vector.broadcast %broadcast_in_dim3A_429 : f32 to vector<256x512xf32>
    %broadcast_in_dim3A_431 = arith.constant 8192 : i32
    %broadcast_in_dim3A_432 = vector.broadcast %broadcast_in_dim3A_431 : i32 to vector<256x512xi32>
    %scan3A_433 = arith.constant 0x7F800000 : f32
    %scan3A_434 = arith.constant 0 : i32
    %scan3A_435 = arith.constant 16 : i32
    %scan3A_436 = arith.addi %scan3A_434, %scan3A_435 : i32
    %scan3A_437 = arith.constant 1 : i32
    %scan3A_438:2 = scf.for %scan3A_542 = %scan3A_434 to %scan3A_436 step %scan3A_437 iter_args(%scan3A_543 = %broadcast_in_dim3A_430, %scan3A_544 = %broadcast_in_dim3A_432) -> (vector<256x512xf32>, vector<256x512xi32>)  : i32 {
      %get3A_545 = arith.index_cast %scan3A_542 : i32 to index
      %get3A_546 = arith.constant 0 : index
      %get3A_547 = arith.constant 0 : index
      %get3A_548 = vector.load %arg8[%get3A_545, %get3A_546, %get3A_547] : memref<16x256x512xf32, #tpu.memory_space<vmem>>, vector<1x256x512xf32>
      %get3A_549 = vector.shape_cast %get3A_548 : vector<1x256x512xf32> to vector<256x512xf32>
      %mul3A_550 = arith.constant 512 : i32
      %mul3A_551 = arith.muli %scan3A_542, %mul3A_550 : i32
      %iota3A_552 = tpu.iota {dimensions = array<i32: 1>} : vector<256x512xi32>
      %add3A_553 = vector.broadcast %mul3A_551 : i32 to vector<256x512xi32>
      %add3A_554 = arith.addi %add3A_553, %iota3A_552 : vector<256x512xi32>
      %gt3A = vector.broadcast %broadcast_in_dim3A_410 : vector<256x1xf32> to vector<256x512xf32>
      %gt3A_555 = arith.cmpf ogt, %get3A_549, %gt3A : vector<256x512xf32>
      %eq3A_556 = vector.broadcast %broadcast_in_dim3A_410 : vector<256x1xf32> to vector<256x512xf32>
      %eq3A_557 = arith.cmpf oeq, %get3A_549, %eq3A_556 : vector<256x512xf32>
      %gt3A_558 = vector.broadcast %broadcast_in_dim3A_418 : vector<256x1xi32> to vector<256x512xi32>
      %gt3A_559 = arith.cmpi sgt, %add3A_554, %gt3A_558 : vector<256x512xi32>
      %and3A = arith.andi %eq3A_557, %gt3A_559 : vector<256x512xi1>
      %or3A = arith.ori %gt3A_555, %and3A : vector<256x512xi1>
      %broadcast_in_dim3A_560 = vector.broadcast %scan3A_433 : f32 to vector<256x512xf32>
      %select_n3A_561 = arith.select %or3A, %get3A_549, %broadcast_in_dim3A_560 : vector<256x512xi1>, vector<256x512xf32>
      %lt3A = arith.cmpf olt, %select_n3A_561, %scan3A_543 : vector<256x512xf32>
      %select_n3A_562 = arith.select %lt3A, %select_n3A_561, %scan3A_543 : vector<256x512xi1>, vector<256x512xf32>
      %select_n3A_563 = arith.select %lt3A, %add3A_554, %scan3A_544 : vector<256x512xi1>, vector<256x512xi32>
      scf.yield %select_n3A_562, %select_n3A_563 : vector<256x512xf32>, vector<256x512xi32>
    }
    %scan3A_439 = arith.constant 16 : i32
    %reduce_min3A_440 = arith.constant dense<0x7F800000> : vector<256xf32>
    %reduce_min3A_441 = vector.multi_reduction <minimumf>, %scan3A_438#0, %reduce_min3A_440 [1] : vector<256x512xf32> to vector<256xf32>
    %broadcast_in_dim3A_442 = vector.shape_cast %reduce_min3A_441 : vector<256xf32> to vector<256x1xf32>
    %eq3A_443 = vector.broadcast %broadcast_in_dim3A_442 : vector<256x1xf32> to vector<256x512xf32>
    %eq3A_444 = arith.cmpf oeq, %scan3A_438#0, %eq3A_443 : vector<256x512xf32>
    %jit3A_445 = arith.constant 8192 : i32
    %broadcast_in_dim3A_446 = vector.broadcast %jit3A_445 : i32 to vector<256x512xi32>
    %select_n3A_447 = arith.select %eq3A_444, %scan3A_438#1, %broadcast_in_dim3A_446 : vector<256x512xi1>, vector<256x512xi32>
    %reduce_min3A_448 = arith.constant dense<2147483647> : vector<256xi32>
    %reduce_min3A_449 = vector.multi_reduction <minsi>, %select_n3A_447, %reduce_min3A_448 [1] : vector<256x512xi32> to vector<256xi32>
    %broadcast_in_dim3A_450 = vector.shape_cast %reduce_min3A_449 : vector<256xi32> to vector<256x1xi32>
    %mul3A_451 = arith.constant 8192 : i32
    %mul3A_452 = arith.muli %arg0, %mul3A_451 : i32
    %add3A_453 = vector.broadcast %mul3A_452 : i32 to vector<256x1xi32>
    %add3A_454 = arith.addi %broadcast_in_dim3A_450, %add3A_453 : vector<256x1xi32>
    %swap3A_455 = arith.constant 0 : index
    %swap3A_456 = arith.constant 0 : index
    %swap3A_457 = arith.constant 13 : index
    %swap3A_458 = vector.load %arg6[%swap3A_455, %swap3A_456, %swap3A_457] : memref<1x256x16xi32, #tpu.memory_space<vmem>>, vector<1x256x1xi32>
    %swap3A_459 = vector.shape_cast %swap3A_458 : vector<1x256x1xi32> to vector<256x1xi32>
    %swap3A_460 = vector.shape_cast %add3A_454 : vector<256x1xi32> to vector<1x256x1xi32>
    tpu.vector_store %arg6[%swap3A_455, %swap3A_456, %swap3A_457], %swap3A_460 {strides = array<i32>} : memref<1x256x16xi32, #tpu.memory_space<vmem>>, vector<1x256x1xi32>,
    %broadcast_in_dim3A_461 = arith.constant 0x7F800000 : f32
    %broadcast_in_dim3A_462 = vector.broadcast %broadcast_in_dim3A_461 : f32 to vector<256x512xf32>
    %broadcast_in_dim3A_463 = arith.constant 8192 : i32
    %broadcast_in_dim3A_464 = vector.broadcast %broadcast_in_dim3A_463 : i32 to vector<256x512xi32>
    %scan3A_465 = arith.constant 0x7F800000 : f32
    %scan3A_466 = arith.constant 0 : i32
    %scan3A_467 = arith.constant 16 : i32
    %scan3A_468 = arith.addi %scan3A_466, %scan3A_467 : i32
    %scan3A_469 = arith.constant 1 : i32
    %scan3A_470:2 = scf.for %scan3A_542 = %scan3A_466 to %scan3A_468 step %scan3A_469 iter_args(%scan3A_543 = %broadcast_in_dim3A_462, %scan3A_544 = %broadcast_in_dim3A_464) -> (vector<256x512xf32>, vector<256x512xi32>)  : i32 {
      %get3A_545 = arith.index_cast %scan3A_542 : i32 to index
      %get3A_546 = arith.constant 0 : index
      %get3A_547 = arith.constant 0 : index
      %get3A_548 = vector.load %arg8[%get3A_545, %get3A_546, %get3A_547] : memref<16x256x512xf32, #tpu.memory_space<vmem>>, vector<1x256x512xf32>
      %get3A_549 = vector.shape_cast %get3A_548 : vector<1x256x512xf32> to vector<256x512xf32>
      %mul3A_550 = arith.constant 512 : i32
      %mul3A_551 = arith.muli %scan3A_542, %mul3A_550 : i32
      %iota3A_552 = tpu.iota {dimensions = array<i32: 1>} : vector<256x512xi32>
      %add3A_553 = vector.broadcast %mul3A_551 : i32 to vector<256x512xi32>
      %add3A_554 = arith.addi %add3A_553, %iota3A_552 : vector<256x512xi32>
      %gt3A = vector.broadcast %broadcast_in_dim3A_442 : vector<256x1xf32> to vector<256x512xf32>
      %gt3A_555 = arith.cmpf ogt, %get3A_549, %gt3A : vector<256x512xf32>
      %eq3A_556 = vector.broadcast %broadcast_in_dim3A_442 : vector<256x1xf32> to vector<256x512xf32>
      %eq3A_557 = arith.cmpf oeq, %get3A_549, %eq3A_556 : vector<256x512xf32>
      %gt3A_558 = vector.broadcast %broadcast_in_dim3A_450 : vector<256x1xi32> to vector<256x512xi32>
      %gt3A_559 = arith.cmpi sgt, %add3A_554, %gt3A_558 : vector<256x512xi32>
      %and3A = arith.andi %eq3A_557, %gt3A_559 : vector<256x512xi1>
      %or3A = arith.ori %gt3A_555, %and3A : vector<256x512xi1>
      %broadcast_in_dim3A_560 = vector.broadcast %scan3A_465 : f32 to vector<256x512xf32>
      %select_n3A_561 = arith.select %or3A, %get3A_549, %broadcast_in_dim3A_560 : vector<256x512xi1>, vector<256x512xf32>
      %lt3A = arith.cmpf olt, %select_n3A_561, %scan3A_543 : vector<256x512xf32>
      %select_n3A_562 = arith.select %lt3A, %select_n3A_561, %scan3A_543 : vector<256x512xi1>, vector<256x512xf32>
      %select_n3A_563 = arith.select %lt3A, %add3A_554, %scan3A_544 : vector<256x512xi1>, vector<256x512xi32>
      scf.yield %select_n3A_562, %select_n3A_563 : vector<256x512xf32>, vector<256x512xi32>
    }
    %scan3A_471 = arith.constant 16 : i32
    %reduce_min3A_472 = arith.constant dense<0x7F800000> : vector<256xf32>
    %reduce_min3A_473 = vector.multi_reduction <minimumf>, %scan3A_470#0, %reduce_min3A_472 [1] : vector<256x512xf32> to vector<256xf32>
    %broadcast_in_dim3A_474 = vector.shape_cast %reduce_min3A_473 : vector<256xf32> to vector<256x1xf32>
    %eq3A_475 = vector.broadcast %broadcast_in_dim3A_474 : vector<256x1xf32> to vector<256x512xf32>
    %eq3A_476 = arith.cmpf oeq, %scan3A_470#0, %eq3A_475 : vector<256x512xf32>
    %jit3A_477 = arith.constant 8192 : i32
    %broadcast_in_dim3A_478 = vector.broadcast %jit3A_477 : i32 to vector<256x512xi32>
    %select_n3A_479 = arith.select %eq3A_476, %scan3A_470#1, %broadcast_in_dim3A_478 : vector<256x512xi1>, vector<256x512xi32>
    %reduce_min3A_480 = arith.constant dense<2147483647> : vector<256xi32>
    %reduce_min3A_481 = vector.multi_reduction <minsi>, %select_n3A_479, %reduce_min3A_480 [1] : vector<256x512xi32> to vector<256xi32>
    %broadcast_in_dim3A_482 = vector.shape_cast %reduce_min3A_481 : vector<256xi32> to vector<256x1xi32>
    %mul3A_483 = arith.constant 8192 : i32
    %mul3A_484 = arith.muli %arg0, %mul3A_483 : i32
    %add3A_485 = vector.broadcast %mul3A_484 : i32 to vector<256x1xi32>
    %add3A_486 = arith.addi %broadcast_in_dim3A_482, %add3A_485 : vector<256x1xi32>
    %swap3A_487 = arith.constant 0 : index
    %swap3A_488 = arith.constant 0 : index
    %swap3A_489 = arith.constant 14 : index
    %swap3A_490 = vector.load %arg6[%swap3A_487, %swap3A_488, %swap3A_489] : memref<1x256x16xi32, #tpu.memory_space<vmem>>, vector<1x256x1xi32>
    %swap3A_491 = vector.shape_cast %swap3A_490 : vector<1x256x1xi32> to vector<256x1xi32>
    %swap3A_492 = vector.shape_cast %add3A_486 : vector<256x1xi32> to vector<1x256x1xi32>
    tpu.vector_store %arg6[%swap3A_487, %swap3A_488, %swap3A_489], %swap3A_492 {strides = array<i32>} : memref<1x256x16xi32, #tpu.memory_space<vmem>>, vector<1x256x1xi32>,
    %broadcast_in_dim3A_493 = arith.constant 0x7F800000 : f32
    %broadcast_in_dim3A_494 = vector.broadcast %broadcast_in_dim3A_493 : f32 to vector<256x512xf32>
    %broadcast_in_dim3A_495 = arith.constant 8192 : i32
    %broadcast_in_dim3A_496 = vector.broadcast %broadcast_in_dim3A_495 : i32 to vector<256x512xi32>
    %scan3A_497 = arith.constant 0x7F800000 : f32
    %scan3A_498 = arith.constant 0 : i32
    %scan3A_499 = arith.constant 16 : i32
    %scan3A_500 = arith.addi %scan3A_498, %scan3A_499 : i32
    %scan3A_501 = arith.constant 1 : i32
    %scan3A_502:2 = scf.for %scan3A_542 = %scan3A_498 to %scan3A_500 step %scan3A_501 iter_args(%scan3A_543 = %broadcast_in_dim3A_494, %scan3A_544 = %broadcast_in_dim3A_496) -> (vector<256x512xf32>, vector<256x512xi32>)  : i32 {
      %get3A_545 = arith.index_cast %scan3A_542 : i32 to index
      %get3A_546 = arith.constant 0 : index
      %get3A_547 = arith.constant 0 : index
      %get3A_548 = vector.load %arg8[%get3A_545, %get3A_546, %get3A_547] : memref<16x256x512xf32, #tpu.memory_space<vmem>>, vector<1x256x512xf32>
      %get3A_549 = vector.shape_cast %get3A_548 : vector<1x256x512xf32> to vector<256x512xf32>
      %mul3A_550 = arith.constant 512 : i32
      %mul3A_551 = arith.muli %scan3A_542, %mul3A_550 : i32
      %iota3A_552 = tpu.iota {dimensions = array<i32: 1>} : vector<256x512xi32>
      %add3A_553 = vector.broadcast %mul3A_551 : i32 to vector<256x512xi32>
      %add3A_554 = arith.addi %add3A_553, %iota3A_552 : vector<256x512xi32>
      %gt3A = vector.broadcast %broadcast_in_dim3A_474 : vector<256x1xf32> to vector<256x512xf32>
      %gt3A_555 = arith.cmpf ogt, %get3A_549, %gt3A : vector<256x512xf32>
      %eq3A_556 = vector.broadcast %broadcast_in_dim3A_474 : vector<256x1xf32> to vector<256x512xf32>
      %eq3A_557 = arith.cmpf oeq, %get3A_549, %eq3A_556 : vector<256x512xf32>
      %gt3A_558 = vector.broadcast %broadcast_in_dim3A_482 : vector<256x1xi32> to vector<256x512xi32>
      %gt3A_559 = arith.cmpi sgt, %add3A_554, %gt3A_558 : vector<256x512xi32>
      %and3A = arith.andi %eq3A_557, %gt3A_559 : vector<256x512xi1>
      %or3A = arith.ori %gt3A_555, %and3A : vector<256x512xi1>
      %broadcast_in_dim3A_560 = vector.broadcast %scan3A_497 : f32 to vector<256x512xf32>
      %select_n3A_561 = arith.select %or3A, %get3A_549, %broadcast_in_dim3A_560 : vector<256x512xi1>, vector<256x512xf32>
      %lt3A = arith.cmpf olt, %select_n3A_561, %scan3A_543 : vector<256x512xf32>
      %select_n3A_562 = arith.select %lt3A, %select_n3A_561, %scan3A_543 : vector<256x512xi1>, vector<256x512xf32>
      %select_n3A_563 = arith.select %lt3A, %add3A_554, %scan3A_544 : vector<256x512xi1>, vector<256x512xi32>
      scf.yield %select_n3A_562, %select_n3A_563 : vector<256x512xf32>, vector<256x512xi32>
    }
    %scan3A_503 = arith.constant 16 : i32
    %reduce_min3A_504 = arith.constant dense<0x7F800000> : vector<256xf32>
    %reduce_min3A_505 = vector.multi_reduction <minimumf>, %scan3A_502#0, %reduce_min3A_504 [1] : vector<256x512xf32> to vector<256xf32>
    %broadcast_in_dim3A_506 = vector.shape_cast %reduce_min3A_505 : vector<256xf32> to vector<256x1xf32>
    %eq3A_507 = vector.broadcast %broadcast_in_dim3A_506 : vector<256x1xf32> to vector<256x512xf32>
    %eq3A_508 = arith.cmpf oeq, %scan3A_502#0, %eq3A_507 : vector<256x512xf32>
    %jit3A_509 = arith.constant 8192 : i32
    %broadcast_in_dim3A_510 = vector.broadcast %jit3A_509 : i32 to vector<256x512xi32>
    %select_n3A_511 = arith.select %eq3A_508, %scan3A_502#1, %broadcast_in_dim3A_510 : vector<256x512xi1>, vector<256x512xi32>
    %reduce_min3A_512 = arith.constant dense<2147483647> : vector<256xi32>
    %reduce_min3A_513 = vector.multi_reduction <minsi>, %select_n3A_511, %reduce_min3A_512 [1] : vector<256x512xi32> to vector<256xi32>
    %broadcast_in_dim3A_514 = vector.shape_cast %reduce_min3A_513 : vector<256xi32> to vector<256x1xi32>
    %mul3A_515 = arith.constant 8192 : i32
    %mul3A_516 = arith.muli %arg0, %mul3A_515 : i32
    %add3A_517 = vector.broadcast %mul3A_516 : i32 to vector<256x1xi32>
    %add3A_518 = arith.addi %broadcast_in_dim3A_514, %add3A_517 : vector<256x1xi32>
    %swap3A_519 = arith.constant 0 : index
    %swap3A_520 = arith.constant 0 : index
    %swap3A_521 = arith.constant 15 : index
    %swap3A_522 = vector.load %arg6[%swap3A_519, %swap3A_520, %swap3A_521] : memref<1x256x16xi32, #tpu.memory_space<vmem>>, vector<1x256x1xi32>
    %swap3A_523 = vector.shape_cast %swap3A_522 : vector<1x256x1xi32> to vector<256x1xi32>
    %swap3A_524 = vector.shape_cast %add3A_518 : vector<256x1xi32> to vector<1x256x1xi32>
    tpu.vector_store %arg6[%swap3A_519, %swap3A_520, %swap3A_521], %swap3A_524 {strides = array<i32>} : memref<1x256x16xi32, #tpu.memory_space<vmem>>, vector<1x256x1xi32>,
    %get3A_525 = arith.constant 0 : index
    %get3A_526 = arith.constant 0 : index
    %get3A_527 = arith.constant 0 : index
    %get3A_528 = vector.load %arg4[%get3A_525, %get3A_526, %get3A_527] : memref<1x256x32xf32, #tpu.memory_space<vmem>>, vector<1x256x32xf32>
    %get3A_529 = vector.shape_cast %get3A_528 : vector<1x256x32xf32> to vector<256x32xf32>
    %get3A_530 = arith.constant 0 : index
    %get3A_531 = arith.constant 0 : index
    %get3A_532 = vector.load %arg5[%get3A_530, %get3A_531] : memref<32x16xf32, #tpu.memory_space<vmem>>, vector<32x16xf32>
    %dot_general3A = arith.constant dense<0.000000e+00> : vector<256x16xf32>
    %dot_general3A_533 = tpu.matmul %get3A_529, %get3A_532, %dot_general3A {dimension_numbers = #tpu.dot_dimension_numbers<[1], [0], [0], [1], [0, 0, 1, 1], [], []>, precision = #tpu.contract_precision<fp32>, transpose_lhs_hint = false} : vector<256x32xf32>, vector<32x16xf32>, vector<256x16xf32> -> vector<256x16xf32>
    %broadcast_in_dim3A_534 = arith.constant 0.000000e+00 : f32
    %broadcast_in_dim3A_535 = vector.broadcast %broadcast_in_dim3A_534 : f32 to vector<256x112xf32>
    %concatenate3A = tpu.concatenate %dot_general3A_533, %broadcast_in_dim3A_535 in 1 : vector<256x16xf32>, vector<256x112xf32> -> vector<256x128xf32>
    %swap3A_536 = arith.constant 0 : index
    %swap3A_537 = arith.constant 0 : index
    %swap3A_538 = arith.constant 0 : index
    %swap3A_539 = vector.load %arg7[%swap3A_536, %swap3A_537, %swap3A_538] : memref<1x256x128xf32, #tpu.memory_space<vmem>>, vector<1x256x128xf32>
    %swap3A_540 = vector.shape_cast %swap3A_539 : vector<1x256x128xf32> to vector<256x128xf32>
    %swap3A_541 = vector.shape_cast %concatenate3A : vector<256x128xf32> to vector<1x256x128xf32>
    tpu.vector_store %arg7[%swap3A_536, %swap3A_537, %swap3A_538], %swap3A_541 {strides = array<i32>} : memref<1x256x128xf32, #tpu.memory_space<vmem>>, vector<1x256x128xf32>,
    return
  }
  func.func @transform_0(%arg0: i32, %arg1: i32) -> (i32, i32, i32, i32) {
    %c0_i32 = arith.constant 0 : i32
    %c0_i32_0 = arith.constant 0 : i32
    %c0_i32_1 = arith.constant 0 : i32
    %c0_i32_2 = arith.constant 0 : i32
    return %arg0, %c0_i32, %c0_i32_0, %c0_i32_1 : i32, i32, i32, i32
  }
  func.func @transform_1(%arg0: i32, %arg1: i32) -> (i32, i32, i32) {
    %c0_i32 = arith.constant 0 : i32
    %c0_i32_0 = arith.constant 0 : i32
    return %arg0, %arg1, %c0_i32 : i32, i32, i32
  }
  func.func @transform_2(%arg0: i32, %arg1: i32) -> (i32, i32, i32) {
    %c0_i32 = arith.constant 0 : i32
    %c0_i32_0 = arith.constant 0 : i32
    return %arg0, %arg1, %c0_i32 : i32, i32, i32
  }
  func.func @transform_3(%arg0: i32, %arg1: i32) -> (i32, i32) {
    %c0_i32 = arith.constant 0 : i32
    %c0_i32_0 = arith.constant 0 : i32
    %c0_i32_1 = arith.constant 0 : i32
    return %c0_i32, %c0_i32_0 : i32, i32
  }
  func.func @transform_4(%arg0: i32, %arg1: i32) -> (i32, i32, i32) {
    %c0_i32 = arith.constant 0 : i32
    %c0_i32_0 = arith.constant 0 : i32
    return %arg0, %arg1, %c0_i32 : i32, i32, i32
  }
  func.func @transform_5(%arg0: i32, %arg1: i32) -> (i32, i32, i32) {
    %c0_i32 = arith.constant 0 : i32
    %c0_i32_0 = arith.constant 0 : i32
    return %arg0, %arg1, %c0_i32 : i32, i32, i32
  }
}

module attributes {stable_mosaic.version = 14 : i64} {
  func.func @_mlp_kernel(%arg0: i32, %arg1: i32, %arg2: memref<1x256x32xf32, #tpu.memory_space<vmem>>, %arg3: memref<1x16x256x128xf32, #tpu.memory_space<vmem>>, %arg4: memref<32x16xf32, #tpu.memory_space<vmem>>, %arg5: memref<1x16xf32, #tpu.memory_space<vmem>>, %arg6: memref<16x16xf32, #tpu.memory_space<vmem>>, %arg7: memref<32x16xf32, #tpu.memory_space<vmem>>, %arg8: memref<1x16xf32, #tpu.memory_space<vmem>>, %arg9: memref<16x16xf32, #tpu.memory_space<vmem>>, %arg10: memref<16x16xf32, #tpu.memory_space<vmem>>, %arg11: memref<32x16xf32, #tpu.memory_space<vmem>>, %arg12: memref<1x16xf32, #tpu.memory_space<vmem>>, %arg13: memref<1x256x80xf32, #tpu.memory_space<vmem>>) attributes {dimension_semantics = [#tpu.dimension_semantics<arbitrary>, #tpu.dimension_semantics<arbitrary>], iteration_bounds = array<i64: 2, 32>, scalar_prefetch = 0 : i64, scratch_operands = 0 : i64, tpu.core_type = #tpu.core_type<tc>, window_params = [{transform_indices = @transform_0, window_bounds = array<i64: 1, 256, 32>}, {transform_indices = @transform_1, window_bounds = array<i64: 1, 16, 256, 128>}, {pipeline_mode = #tpu.pipeline_mode<synchronous>, transform_indices = @transform_2, window_bounds = array<i64: 32, 16>}, {pipeline_mode = #tpu.pipeline_mode<synchronous>, transform_indices = @transform_3, window_bounds = array<i64: 1, 16>}, {pipeline_mode = #tpu.pipeline_mode<synchronous>, transform_indices = @transform_4, window_bounds = array<i64: 16, 16>}, {pipeline_mode = #tpu.pipeline_mode<synchronous>, transform_indices = @transform_5, window_bounds = array<i64: 32, 16>}, {pipeline_mode = #tpu.pipeline_mode<synchronous>, transform_indices = @transform_6, window_bounds = array<i64: 1, 16>}, {pipeline_mode = #tpu.pipeline_mode<synchronous>, transform_indices = @transform_7, window_bounds = array<i64: 16, 16>}, {pipeline_mode = #tpu.pipeline_mode<synchronous>, transform_indices = @transform_8, window_bounds = array<i64: 16, 16>}, {pipeline_mode = #tpu.pipeline_mode<synchronous>, transform_indices = @transform_9, window_bounds = array<i64: 32, 16>}, {pipeline_mode = #tpu.pipeline_mode<synchronous>, transform_indices = @transform_10, window_bounds = array<i64: 1, 16>}, {transform_indices = @transform_11, window_bounds = array<i64: 1, 256, 80>}]} {
    %get3A = arith.constant 0 : index
    %get3A_0 = arith.constant 0 : index
    %get3A_1 = arith.constant 0 : index
    %get3A_2 = vector.load %arg2[%get3A, %get3A_0, %get3A_1] : memref<1x256x32xf32, #tpu.memory_space<vmem>>, vector<1x256x32xf32>
    %get3A_3 = vector.shape_cast %get3A_2 : vector<1x256x32xf32> to vector<256x32xf32>
    %get3A_4 = arith.constant 0 : index
    %get3A_5 = arith.constant 0 : index
    %get3A_6 = vector.load %arg4[%get3A_4, %get3A_5] : memref<32x16xf32, #tpu.memory_space<vmem>>, vector<32x16xf32>
    %dot_general3A = arith.constant dense<0.000000e+00> : vector<256x16xf32>
    %dot_general3A_7 = tpu.matmul %get3A_3, %get3A_6, %dot_general3A {dimension_numbers = #tpu.dot_dimension_numbers<[1], [0], [0], [1], [0, 0, 1, 1], [], []>, precision = #tpu.contract_precision<fp32>, transpose_lhs_hint = false} : vector<256x32xf32>, vector<32x16xf32>, vector<256x16xf32> -> vector<256x16xf32>
    %get3A_8 = arith.constant 0 : index
    %get3A_9 = arith.constant 0 : index
    %get3A_10 = vector.load %arg5[%get3A_8, %get3A_9] : memref<1x16xf32, #tpu.memory_space<vmem>>, vector<1x16xf32>
    %add3A = vector.broadcast %get3A_10 : vector<1x16xf32> to vector<256x16xf32>
    %add3A_11 = arith.addf %dot_general3A_7, %add3A : vector<256x16xf32>
    %get3A_12 = arith.constant 0 : index
    %get3A_13 = arith.constant 0 : index
    %get3A_14 = vector.load %arg7[%get3A_12, %get3A_13] : memref<32x16xf32, #tpu.memory_space<vmem>>, vector<32x16xf32>
    %dot_general3A_15 = arith.constant dense<0.000000e+00> : vector<256x16xf32>
    %dot_general3A_16 = tpu.matmul %get3A_3, %get3A_14, %dot_general3A_15 {dimension_numbers = #tpu.dot_dimension_numbers<[1], [0], [0], [1], [0, 0, 1, 1], [], []>, precision = #tpu.contract_precision<fp32>, transpose_lhs_hint = false} : vector<256x32xf32>, vector<32x16xf32>, vector<256x16xf32> -> vector<256x16xf32>
    %get3A_17 = arith.constant 0 : index
    %get3A_18 = arith.constant 0 : index
    %get3A_19 = vector.load %arg8[%get3A_17, %get3A_18] : memref<1x16xf32, #tpu.memory_space<vmem>>, vector<1x16xf32>
    %add3A_20 = vector.broadcast %get3A_19 : vector<1x16xf32> to vector<256x16xf32>
    %add3A_21 = arith.addf %dot_general3A_16, %add3A_20 : vector<256x16xf32>
    %get3A_22 = arith.constant 0 : index
    %get3A_23 = arith.constant 0 : index
    %get3A_24 = vector.load %arg11[%get3A_22, %get3A_23] : memref<32x16xf32, #tpu.memory_space<vmem>>, vector<32x16xf32>
    %dot_general3A_25 = arith.constant dense<0.000000e+00> : vector<256x16xf32>
    %dot_general3A_26 = tpu.matmul %get3A_3, %get3A_24, %dot_general3A_25 {dimension_numbers = #tpu.dot_dimension_numbers<[1], [0], [0], [1], [0, 0, 1, 1], [], []>, precision = #tpu.contract_precision<fp32>, transpose_lhs_hint = false} : vector<256x32xf32>, vector<32x16xf32>, vector<256x16xf32> -> vector<256x16xf32>
    %get3A_27 = arith.constant 0 : index
    %get3A_28 = arith.constant 0 : index
    %get3A_29 = vector.load %arg12[%get3A_27, %get3A_28] : memref<1x16xf32, #tpu.memory_space<vmem>>, vector<1x16xf32>
    %add3A_30 = vector.broadcast %get3A_29 : vector<1x16xf32> to vector<256x16xf32>
    %add3A_31 = arith.addf %dot_general3A_26, %add3A_30 : vector<256x16xf32>
    %broadcast_in_dim3A = arith.constant 0xFF800000 : f32
    %broadcast_in_dim3A_32 = vector.broadcast %broadcast_in_dim3A : f32 to vector<256x16xf32>
    %broadcast_in_dim3A_33 = arith.constant 0xFF800000 : f32
    %broadcast_in_dim3A_34 = vector.broadcast %broadcast_in_dim3A_33 : f32 to vector<256x16xf32>
    %broadcast_in_dim3A_35 = arith.constant 0xFF800000 : f32
    %broadcast_in_dim3A_36 = vector.broadcast %broadcast_in_dim3A_35 : f32 to vector<256x16xf32>
    %get3A_37 = arith.constant 0 : index
    %get3A_38 = arith.constant 0 : index
    %get3A_39 = arith.constant 0 : index
    %get3A_40 = arith.constant 0 : index
    %get3A_41 = vector.load %arg3[%get3A_37, %get3A_38, %get3A_39, %get3A_40] : memref<1x16x256x128xf32, #tpu.memory_space<vmem>>, vector<1x1x256x128xf32>
    %get3A_42 = vector.shape_cast %get3A_41 : vector<1x1x256x128xf32> to vector<256x128xf32>
    %slice3A = vector.extract_strided_slice %get3A_42 {offsets = [0, 0], sizes = [256, 16], strides = [1, 1]} : vector<256x128xf32> to vector<256x16xf32>
    %add3A_43 = arith.addf %add3A_11, %slice3A : vector<256x16xf32>
    %max3A = arith.constant 0.000000e+00 : f32
    %max3A_44 = vector.broadcast %max3A : f32 to vector<256x16xf32>
    %max3A_45 = arith.maximumf %add3A_43, %max3A_44 : vector<256x16xf32>
    %get3A_46 = arith.constant 0 : index
    %get3A_47 = arith.constant 0 : index
    %get3A_48 = vector.load %arg6[%get3A_46, %get3A_47] : memref<16x16xf32, #tpu.memory_space<vmem>>, vector<16x16xf32>
    %dot_general3A_49 = arith.constant dense<0.000000e+00> : vector<256x16xf32>
    %dot_general3A_50 = tpu.matmul %max3A_45, %get3A_48, %dot_general3A_49 {dimension_numbers = #tpu.dot_dimension_numbers<[1], [0], [0], [1], [0, 0, 1, 1], [], []>, precision = #tpu.contract_precision<fp32>, transpose_lhs_hint = false} : vector<256x16xf32>, vector<16x16xf32>, vector<256x16xf32> -> vector<256x16xf32>
    %add3A_51 = arith.addf %dot_general3A_50, %add3A_21 : vector<256x16xf32>
    %max3A_52 = arith.constant 0.000000e+00 : f32
    %max3A_53 = vector.broadcast %max3A_52 : f32 to vector<256x16xf32>
    %max3A_54 = arith.maximumf %add3A_51, %max3A_53 : vector<256x16xf32>
    %get3A_55 = arith.constant 0 : index
    %get3A_56 = arith.constant 0 : index
    %get3A_57 = vector.load %arg9[%get3A_55, %get3A_56] : memref<16x16xf32, #tpu.memory_space<vmem>>, vector<16x16xf32>
    %dot_general3A_58 = arith.constant dense<0.000000e+00> : vector<256x16xf32>
    %dot_general3A_59 = tpu.matmul %max3A_54, %get3A_57, %dot_general3A_58 {dimension_numbers = #tpu.dot_dimension_numbers<[1], [0], [0], [1], [0, 0, 1, 1], [], []>, precision = #tpu.contract_precision<fp32>, transpose_lhs_hint = false} : vector<256x16xf32>, vector<16x16xf32>, vector<256x16xf32> -> vector<256x16xf32>
    %get3A_60 = arith.constant 0 : index
    %get3A_61 = arith.constant 0 : index
    %get3A_62 = vector.load %arg10[%get3A_60, %get3A_61] : memref<16x16xf32, #tpu.memory_space<vmem>>, vector<16x16xf32>
    %dot_general3A_63 = arith.constant dense<0.000000e+00> : vector<256x16xf32>
    %dot_general3A_64 = tpu.matmul %max3A_45, %get3A_62, %dot_general3A_63 {dimension_numbers = #tpu.dot_dimension_numbers<[1], [0], [0], [1], [0, 0, 1, 1], [], []>, precision = #tpu.contract_precision<fp32>, transpose_lhs_hint = false} : vector<256x16xf32>, vector<16x16xf32>, vector<256x16xf32> -> vector<256x16xf32>
    %add3A_65 = arith.addf %dot_general3A_59, %dot_general3A_64 : vector<256x16xf32>
    %add3A_66 = arith.addf %add3A_65, %add3A_31 : vector<256x16xf32>
    %max3A_67 = arith.maximumf %broadcast_in_dim3A_32, %max3A_45 : vector<256x16xf32>
    %max3A_68 = arith.maximumf %broadcast_in_dim3A_34, %max3A_54 : vector<256x16xf32>
    %max3A_69 = arith.maximumf %broadcast_in_dim3A_36, %add3A_66 : vector<256x16xf32>
    %get3A_70 = arith.constant 0 : index
    %get3A_71 = arith.constant 1 : index
    %get3A_72 = arith.constant 0 : index
    %get3A_73 = arith.constant 0 : index
    %get3A_74 = vector.load %arg3[%get3A_70, %get3A_71, %get3A_72, %get3A_73] : memref<1x16x256x128xf32, #tpu.memory_space<vmem>>, vector<1x1x256x128xf32>
    %get3A_75 = vector.shape_cast %get3A_74 : vector<1x1x256x128xf32> to vector<256x128xf32>
    %slice3A_76 = vector.extract_strided_slice %get3A_75 {offsets = [0, 0], sizes = [256, 16], strides = [1, 1]} : vector<256x128xf32> to vector<256x16xf32>
    %add3A_77 = arith.addf %add3A_11, %slice3A_76 : vector<256x16xf32>
    %max3A_78 = arith.constant 0.000000e+00 : f32
    %max3A_79 = vector.broadcast %max3A_78 : f32 to vector<256x16xf32>
    %max3A_80 = arith.maximumf %add3A_77, %max3A_79 : vector<256x16xf32>
    %get3A_81 = arith.constant 0 : index
    %get3A_82 = arith.constant 0 : index
    %get3A_83 = vector.load %arg6[%get3A_81, %get3A_82] : memref<16x16xf32, #tpu.memory_space<vmem>>, vector<16x16xf32>
    %dot_general3A_84 = arith.constant dense<0.000000e+00> : vector<256x16xf32>
    %dot_general3A_85 = tpu.matmul %max3A_80, %get3A_83, %dot_general3A_84 {dimension_numbers = #tpu.dot_dimension_numbers<[1], [0], [0], [1], [0, 0, 1, 1], [], []>, precision = #tpu.contract_precision<fp32>, transpose_lhs_hint = false} : vector<256x16xf32>, vector<16x16xf32>, vector<256x16xf32> -> vector<256x16xf32>
    %add3A_86 = arith.addf %dot_general3A_85, %add3A_21 : vector<256x16xf32>
    %max3A_87 = arith.constant 0.000000e+00 : f32
    %max3A_88 = vector.broadcast %max3A_87 : f32 to vector<256x16xf32>
    %max3A_89 = arith.maximumf %add3A_86, %max3A_88 : vector<256x16xf32>
    %get3A_90 = arith.constant 0 : index
    %get3A_91 = arith.constant 0 : index
    %get3A_92 = vector.load %arg9[%get3A_90, %get3A_91] : memref<16x16xf32, #tpu.memory_space<vmem>>, vector<16x16xf32>
    %dot_general3A_93 = arith.constant dense<0.000000e+00> : vector<256x16xf32>
    %dot_general3A_94 = tpu.matmul %max3A_89, %get3A_92, %dot_general3A_93 {dimension_numbers = #tpu.dot_dimension_numbers<[1], [0], [0], [1], [0, 0, 1, 1], [], []>, precision = #tpu.contract_precision<fp32>, transpose_lhs_hint = false} : vector<256x16xf32>, vector<16x16xf32>, vector<256x16xf32> -> vector<256x16xf32>
    %get3A_95 = arith.constant 0 : index
    %get3A_96 = arith.constant 0 : index
    %get3A_97 = vector.load %arg10[%get3A_95, %get3A_96] : memref<16x16xf32, #tpu.memory_space<vmem>>, vector<16x16xf32>
    %dot_general3A_98 = arith.constant dense<0.000000e+00> : vector<256x16xf32>
    %dot_general3A_99 = tpu.matmul %max3A_80, %get3A_97, %dot_general3A_98 {dimension_numbers = #tpu.dot_dimension_numbers<[1], [0], [0], [1], [0, 0, 1, 1], [], []>, precision = #tpu.contract_precision<fp32>, transpose_lhs_hint = false} : vector<256x16xf32>, vector<16x16xf32>, vector<256x16xf32> -> vector<256x16xf32>
    %add3A_100 = arith.addf %dot_general3A_94, %dot_general3A_99 : vector<256x16xf32>
    %add3A_101 = arith.addf %add3A_100, %add3A_31 : vector<256x16xf32>
    %max3A_102 = arith.maximumf %max3A_67, %max3A_80 : vector<256x16xf32>
    %max3A_103 = arith.maximumf %max3A_68, %max3A_89 : vector<256x16xf32>
    %max3A_104 = arith.maximumf %max3A_69, %add3A_101 : vector<256x16xf32>
    %get3A_105 = arith.constant 0 : index
    %get3A_106 = arith.constant 2 : index
    %get3A_107 = arith.constant 0 : index
    %get3A_108 = arith.constant 0 : index
    %get3A_109 = vector.load %arg3[%get3A_105, %get3A_106, %get3A_107, %get3A_108] : memref<1x16x256x128xf32, #tpu.memory_space<vmem>>, vector<1x1x256x128xf32>
    %get3A_110 = vector.shape_cast %get3A_109 : vector<1x1x256x128xf32> to vector<256x128xf32>
    %slice3A_111 = vector.extract_strided_slice %get3A_110 {offsets = [0, 0], sizes = [256, 16], strides = [1, 1]} : vector<256x128xf32> to vector<256x16xf32>
    %add3A_112 = arith.addf %add3A_11, %slice3A_111 : vector<256x16xf32>
    %max3A_113 = arith.constant 0.000000e+00 : f32
    %max3A_114 = vector.broadcast %max3A_113 : f32 to vector<256x16xf32>
    %max3A_115 = arith.maximumf %add3A_112, %max3A_114 : vector<256x16xf32>
    %get3A_116 = arith.constant 0 : index
    %get3A_117 = arith.constant 0 : index
    %get3A_118 = vector.load %arg6[%get3A_116, %get3A_117] : memref<16x16xf32, #tpu.memory_space<vmem>>, vector<16x16xf32>
    %dot_general3A_119 = arith.constant dense<0.000000e+00> : vector<256x16xf32>
    %dot_general3A_120 = tpu.matmul %max3A_115, %get3A_118, %dot_general3A_119 {dimension_numbers = #tpu.dot_dimension_numbers<[1], [0], [0], [1], [0, 0, 1, 1], [], []>, precision = #tpu.contract_precision<fp32>, transpose_lhs_hint = false} : vector<256x16xf32>, vector<16x16xf32>, vector<256x16xf32> -> vector<256x16xf32>
    %add3A_121 = arith.addf %dot_general3A_120, %add3A_21 : vector<256x16xf32>
    %max3A_122 = arith.constant 0.000000e+00 : f32
    %max3A_123 = vector.broadcast %max3A_122 : f32 to vector<256x16xf32>
    %max3A_124 = arith.maximumf %add3A_121, %max3A_123 : vector<256x16xf32>
    %get3A_125 = arith.constant 0 : index
    %get3A_126 = arith.constant 0 : index
    %get3A_127 = vector.load %arg9[%get3A_125, %get3A_126] : memref<16x16xf32, #tpu.memory_space<vmem>>, vector<16x16xf32>
    %dot_general3A_128 = arith.constant dense<0.000000e+00> : vector<256x16xf32>
    %dot_general3A_129 = tpu.matmul %max3A_124, %get3A_127, %dot_general3A_128 {dimension_numbers = #tpu.dot_dimension_numbers<[1], [0], [0], [1], [0, 0, 1, 1], [], []>, precision = #tpu.contract_precision<fp32>, transpose_lhs_hint = false} : vector<256x16xf32>, vector<16x16xf32>, vector<256x16xf32> -> vector<256x16xf32>
    %get3A_130 = arith.constant 0 : index
    %get3A_131 = arith.constant 0 : index
    %get3A_132 = vector.load %arg10[%get3A_130, %get3A_131] : memref<16x16xf32, #tpu.memory_space<vmem>>, vector<16x16xf32>
    %dot_general3A_133 = arith.constant dense<0.000000e+00> : vector<256x16xf32>
    %dot_general3A_134 = tpu.matmul %max3A_115, %get3A_132, %dot_general3A_133 {dimension_numbers = #tpu.dot_dimension_numbers<[1], [0], [0], [1], [0, 0, 1, 1], [], []>, precision = #tpu.contract_precision<fp32>, transpose_lhs_hint = false} : vector<256x16xf32>, vector<16x16xf32>, vector<256x16xf32> -> vector<256x16xf32>
    %add3A_135 = arith.addf %dot_general3A_129, %dot_general3A_134 : vector<256x16xf32>
    %add3A_136 = arith.addf %add3A_135, %add3A_31 : vector<256x16xf32>
    %max3A_137 = arith.maximumf %max3A_102, %max3A_115 : vector<256x16xf32>
    %max3A_138 = arith.maximumf %max3A_103, %max3A_124 : vector<256x16xf32>
    %max3A_139 = arith.maximumf %max3A_104, %add3A_136 : vector<256x16xf32>
    %get3A_140 = arith.constant 0 : index
    %get3A_141 = arith.constant 3 : index
    %get3A_142 = arith.constant 0 : index
    %get3A_143 = arith.constant 0 : index
    %get3A_144 = vector.load %arg3[%get3A_140, %get3A_141, %get3A_142, %get3A_143] : memref<1x16x256x128xf32, #tpu.memory_space<vmem>>, vector<1x1x256x128xf32>
    %get3A_145 = vector.shape_cast %get3A_144 : vector<1x1x256x128xf32> to vector<256x128xf32>
    %slice3A_146 = vector.extract_strided_slice %get3A_145 {offsets = [0, 0], sizes = [256, 16], strides = [1, 1]} : vector<256x128xf32> to vector<256x16xf32>
    %add3A_147 = arith.addf %add3A_11, %slice3A_146 : vector<256x16xf32>
    %max3A_148 = arith.constant 0.000000e+00 : f32
    %max3A_149 = vector.broadcast %max3A_148 : f32 to vector<256x16xf32>
    %max3A_150 = arith.maximumf %add3A_147, %max3A_149 : vector<256x16xf32>
    %get3A_151 = arith.constant 0 : index
    %get3A_152 = arith.constant 0 : index
    %get3A_153 = vector.load %arg6[%get3A_151, %get3A_152] : memref<16x16xf32, #tpu.memory_space<vmem>>, vector<16x16xf32>
    %dot_general3A_154 = arith.constant dense<0.000000e+00> : vector<256x16xf32>
    %dot_general3A_155 = tpu.matmul %max3A_150, %get3A_153, %dot_general3A_154 {dimension_numbers = #tpu.dot_dimension_numbers<[1], [0], [0], [1], [0, 0, 1, 1], [], []>, precision = #tpu.contract_precision<fp32>, transpose_lhs_hint = false} : vector<256x16xf32>, vector<16x16xf32>, vector<256x16xf32> -> vector<256x16xf32>
    %add3A_156 = arith.addf %dot_general3A_155, %add3A_21 : vector<256x16xf32>
    %max3A_157 = arith.constant 0.000000e+00 : f32
    %max3A_158 = vector.broadcast %max3A_157 : f32 to vector<256x16xf32>
    %max3A_159 = arith.maximumf %add3A_156, %max3A_158 : vector<256x16xf32>
    %get3A_160 = arith.constant 0 : index
    %get3A_161 = arith.constant 0 : index
    %get3A_162 = vector.load %arg9[%get3A_160, %get3A_161] : memref<16x16xf32, #tpu.memory_space<vmem>>, vector<16x16xf32>
    %dot_general3A_163 = arith.constant dense<0.000000e+00> : vector<256x16xf32>
    %dot_general3A_164 = tpu.matmul %max3A_159, %get3A_162, %dot_general3A_163 {dimension_numbers = #tpu.dot_dimension_numbers<[1], [0], [0], [1], [0, 0, 1, 1], [], []>, precision = #tpu.contract_precision<fp32>, transpose_lhs_hint = false} : vector<256x16xf32>, vector<16x16xf32>, vector<256x16xf32> -> vector<256x16xf32>
    %get3A_165 = arith.constant 0 : index
    %get3A_166 = arith.constant 0 : index
    %get3A_167 = vector.load %arg10[%get3A_165, %get3A_166] : memref<16x16xf32, #tpu.memory_space<vmem>>, vector<16x16xf32>
    %dot_general3A_168 = arith.constant dense<0.000000e+00> : vector<256x16xf32>
    %dot_general3A_169 = tpu.matmul %max3A_150, %get3A_167, %dot_general3A_168 {dimension_numbers = #tpu.dot_dimension_numbers<[1], [0], [0], [1], [0, 0, 1, 1], [], []>, precision = #tpu.contract_precision<fp32>, transpose_lhs_hint = false} : vector<256x16xf32>, vector<16x16xf32>, vector<256x16xf32> -> vector<256x16xf32>
    %add3A_170 = arith.addf %dot_general3A_164, %dot_general3A_169 : vector<256x16xf32>
    %add3A_171 = arith.addf %add3A_170, %add3A_31 : vector<256x16xf32>
    %max3A_172 = arith.maximumf %max3A_137, %max3A_150 : vector<256x16xf32>
    %max3A_173 = arith.maximumf %max3A_138, %max3A_159 : vector<256x16xf32>
    %max3A_174 = arith.maximumf %max3A_139, %add3A_171 : vector<256x16xf32>
    %get3A_175 = arith.constant 0 : index
    %get3A_176 = arith.constant 4 : index
    %get3A_177 = arith.constant 0 : index
    %get3A_178 = arith.constant 0 : index
    %get3A_179 = vector.load %arg3[%get3A_175, %get3A_176, %get3A_177, %get3A_178] : memref<1x16x256x128xf32, #tpu.memory_space<vmem>>, vector<1x1x256x128xf32>
    %get3A_180 = vector.shape_cast %get3A_179 : vector<1x1x256x128xf32> to vector<256x128xf32>
    %slice3A_181 = vector.extract_strided_slice %get3A_180 {offsets = [0, 0], sizes = [256, 16], strides = [1, 1]} : vector<256x128xf32> to vector<256x16xf32>
    %add3A_182 = arith.addf %add3A_11, %slice3A_181 : vector<256x16xf32>
    %max3A_183 = arith.constant 0.000000e+00 : f32
    %max3A_184 = vector.broadcast %max3A_183 : f32 to vector<256x16xf32>
    %max3A_185 = arith.maximumf %add3A_182, %max3A_184 : vector<256x16xf32>
    %get3A_186 = arith.constant 0 : index
    %get3A_187 = arith.constant 0 : index
    %get3A_188 = vector.load %arg6[%get3A_186, %get3A_187] : memref<16x16xf32, #tpu.memory_space<vmem>>, vector<16x16xf32>
    %dot_general3A_189 = arith.constant dense<0.000000e+00> : vector<256x16xf32>
    %dot_general3A_190 = tpu.matmul %max3A_185, %get3A_188, %dot_general3A_189 {dimension_numbers = #tpu.dot_dimension_numbers<[1], [0], [0], [1], [0, 0, 1, 1], [], []>, precision = #tpu.contract_precision<fp32>, transpose_lhs_hint = false} : vector<256x16xf32>, vector<16x16xf32>, vector<256x16xf32> -> vector<256x16xf32>
    %add3A_191 = arith.addf %dot_general3A_190, %add3A_21 : vector<256x16xf32>
    %max3A_192 = arith.constant 0.000000e+00 : f32
    %max3A_193 = vector.broadcast %max3A_192 : f32 to vector<256x16xf32>
    %max3A_194 = arith.maximumf %add3A_191, %max3A_193 : vector<256x16xf32>
    %get3A_195 = arith.constant 0 : index
    %get3A_196 = arith.constant 0 : index
    %get3A_197 = vector.load %arg9[%get3A_195, %get3A_196] : memref<16x16xf32, #tpu.memory_space<vmem>>, vector<16x16xf32>
    %dot_general3A_198 = arith.constant dense<0.000000e+00> : vector<256x16xf32>
    %dot_general3A_199 = tpu.matmul %max3A_194, %get3A_197, %dot_general3A_198 {dimension_numbers = #tpu.dot_dimension_numbers<[1], [0], [0], [1], [0, 0, 1, 1], [], []>, precision = #tpu.contract_precision<fp32>, transpose_lhs_hint = false} : vector<256x16xf32>, vector<16x16xf32>, vector<256x16xf32> -> vector<256x16xf32>
    %get3A_200 = arith.constant 0 : index
    %get3A_201 = arith.constant 0 : index
    %get3A_202 = vector.load %arg10[%get3A_200, %get3A_201] : memref<16x16xf32, #tpu.memory_space<vmem>>, vector<16x16xf32>
    %dot_general3A_203 = arith.constant dense<0.000000e+00> : vector<256x16xf32>
    %dot_general3A_204 = tpu.matmul %max3A_185, %get3A_202, %dot_general3A_203 {dimension_numbers = #tpu.dot_dimension_numbers<[1], [0], [0], [1], [0, 0, 1, 1], [], []>, precision = #tpu.contract_precision<fp32>, transpose_lhs_hint = false} : vector<256x16xf32>, vector<16x16xf32>, vector<256x16xf32> -> vector<256x16xf32>
    %add3A_205 = arith.addf %dot_general3A_199, %dot_general3A_204 : vector<256x16xf32>
    %add3A_206 = arith.addf %add3A_205, %add3A_31 : vector<256x16xf32>
    %max3A_207 = arith.maximumf %max3A_172, %max3A_185 : vector<256x16xf32>
    %max3A_208 = arith.maximumf %max3A_173, %max3A_194 : vector<256x16xf32>
    %max3A_209 = arith.maximumf %max3A_174, %add3A_206 : vector<256x16xf32>
    %get3A_210 = arith.constant 0 : index
    %get3A_211 = arith.constant 5 : index
    %get3A_212 = arith.constant 0 : index
    %get3A_213 = arith.constant 0 : index
    %get3A_214 = vector.load %arg3[%get3A_210, %get3A_211, %get3A_212, %get3A_213] : memref<1x16x256x128xf32, #tpu.memory_space<vmem>>, vector<1x1x256x128xf32>
    %get3A_215 = vector.shape_cast %get3A_214 : vector<1x1x256x128xf32> to vector<256x128xf32>
    %slice3A_216 = vector.extract_strided_slice %get3A_215 {offsets = [0, 0], sizes = [256, 16], strides = [1, 1]} : vector<256x128xf32> to vector<256x16xf32>
    %add3A_217 = arith.addf %add3A_11, %slice3A_216 : vector<256x16xf32>
    %max3A_218 = arith.constant 0.000000e+00 : f32
    %max3A_219 = vector.broadcast %max3A_218 : f32 to vector<256x16xf32>
    %max3A_220 = arith.maximumf %add3A_217, %max3A_219 : vector<256x16xf32>
    %get3A_221 = arith.constant 0 : index
    %get3A_222 = arith.constant 0 : index
    %get3A_223 = vector.load %arg6[%get3A_221, %get3A_222] : memref<16x16xf32, #tpu.memory_space<vmem>>, vector<16x16xf32>
    %dot_general3A_224 = arith.constant dense<0.000000e+00> : vector<256x16xf32>
    %dot_general3A_225 = tpu.matmul %max3A_220, %get3A_223, %dot_general3A_224 {dimension_numbers = #tpu.dot_dimension_numbers<[1], [0], [0], [1], [0, 0, 1, 1], [], []>, precision = #tpu.contract_precision<fp32>, transpose_lhs_hint = false} : vector<256x16xf32>, vector<16x16xf32>, vector<256x16xf32> -> vector<256x16xf32>
    %add3A_226 = arith.addf %dot_general3A_225, %add3A_21 : vector<256x16xf32>
    %max3A_227 = arith.constant 0.000000e+00 : f32
    %max3A_228 = vector.broadcast %max3A_227 : f32 to vector<256x16xf32>
    %max3A_229 = arith.maximumf %add3A_226, %max3A_228 : vector<256x16xf32>
    %get3A_230 = arith.constant 0 : index
    %get3A_231 = arith.constant 0 : index
    %get3A_232 = vector.load %arg9[%get3A_230, %get3A_231] : memref<16x16xf32, #tpu.memory_space<vmem>>, vector<16x16xf32>
    %dot_general3A_233 = arith.constant dense<0.000000e+00> : vector<256x16xf32>
    %dot_general3A_234 = tpu.matmul %max3A_229, %get3A_232, %dot_general3A_233 {dimension_numbers = #tpu.dot_dimension_numbers<[1], [0], [0], [1], [0, 0, 1, 1], [], []>, precision = #tpu.contract_precision<fp32>, transpose_lhs_hint = false} : vector<256x16xf32>, vector<16x16xf32>, vector<256x16xf32> -> vector<256x16xf32>
    %get3A_235 = arith.constant 0 : index
    %get3A_236 = arith.constant 0 : index
    %get3A_237 = vector.load %arg10[%get3A_235, %get3A_236] : memref<16x16xf32, #tpu.memory_space<vmem>>, vector<16x16xf32>
    %dot_general3A_238 = arith.constant dense<0.000000e+00> : vector<256x16xf32>
    %dot_general3A_239 = tpu.matmul %max3A_220, %get3A_237, %dot_general3A_238 {dimension_numbers = #tpu.dot_dimension_numbers<[1], [0], [0], [1], [0, 0, 1, 1], [], []>, precision = #tpu.contract_precision<fp32>, transpose_lhs_hint = false} : vector<256x16xf32>, vector<16x16xf32>, vector<256x16xf32> -> vector<256x16xf32>
    %add3A_240 = arith.addf %dot_general3A_234, %dot_general3A_239 : vector<256x16xf32>
    %add3A_241 = arith.addf %add3A_240, %add3A_31 : vector<256x16xf32>
    %max3A_242 = arith.maximumf %max3A_207, %max3A_220 : vector<256x16xf32>
    %max3A_243 = arith.maximumf %max3A_208, %max3A_229 : vector<256x16xf32>
    %max3A_244 = arith.maximumf %max3A_209, %add3A_241 : vector<256x16xf32>
    %get3A_245 = arith.constant 0 : index
    %get3A_246 = arith.constant 6 : index
    %get3A_247 = arith.constant 0 : index
    %get3A_248 = arith.constant 0 : index
    %get3A_249 = vector.load %arg3[%get3A_245, %get3A_246, %get3A_247, %get3A_248] : memref<1x16x256x128xf32, #tpu.memory_space<vmem>>, vector<1x1x256x128xf32>
    %get3A_250 = vector.shape_cast %get3A_249 : vector<1x1x256x128xf32> to vector<256x128xf32>
    %slice3A_251 = vector.extract_strided_slice %get3A_250 {offsets = [0, 0], sizes = [256, 16], strides = [1, 1]} : vector<256x128xf32> to vector<256x16xf32>
    %add3A_252 = arith.addf %add3A_11, %slice3A_251 : vector<256x16xf32>
    %max3A_253 = arith.constant 0.000000e+00 : f32
    %max3A_254 = vector.broadcast %max3A_253 : f32 to vector<256x16xf32>
    %max3A_255 = arith.maximumf %add3A_252, %max3A_254 : vector<256x16xf32>
    %get3A_256 = arith.constant 0 : index
    %get3A_257 = arith.constant 0 : index
    %get3A_258 = vector.load %arg6[%get3A_256, %get3A_257] : memref<16x16xf32, #tpu.memory_space<vmem>>, vector<16x16xf32>
    %dot_general3A_259 = arith.constant dense<0.000000e+00> : vector<256x16xf32>
    %dot_general3A_260 = tpu.matmul %max3A_255, %get3A_258, %dot_general3A_259 {dimension_numbers = #tpu.dot_dimension_numbers<[1], [0], [0], [1], [0, 0, 1, 1], [], []>, precision = #tpu.contract_precision<fp32>, transpose_lhs_hint = false} : vector<256x16xf32>, vector<16x16xf32>, vector<256x16xf32> -> vector<256x16xf32>
    %add3A_261 = arith.addf %dot_general3A_260, %add3A_21 : vector<256x16xf32>
    %max3A_262 = arith.constant 0.000000e+00 : f32
    %max3A_263 = vector.broadcast %max3A_262 : f32 to vector<256x16xf32>
    %max3A_264 = arith.maximumf %add3A_261, %max3A_263 : vector<256x16xf32>
    %get3A_265 = arith.constant 0 : index
    %get3A_266 = arith.constant 0 : index
    %get3A_267 = vector.load %arg9[%get3A_265, %get3A_266] : memref<16x16xf32, #tpu.memory_space<vmem>>, vector<16x16xf32>
    %dot_general3A_268 = arith.constant dense<0.000000e+00> : vector<256x16xf32>
    %dot_general3A_269 = tpu.matmul %max3A_264, %get3A_267, %dot_general3A_268 {dimension_numbers = #tpu.dot_dimension_numbers<[1], [0], [0], [1], [0, 0, 1, 1], [], []>, precision = #tpu.contract_precision<fp32>, transpose_lhs_hint = false} : vector<256x16xf32>, vector<16x16xf32>, vector<256x16xf32> -> vector<256x16xf32>
    %get3A_270 = arith.constant 0 : index
    %get3A_271 = arith.constant 0 : index
    %get3A_272 = vector.load %arg10[%get3A_270, %get3A_271] : memref<16x16xf32, #tpu.memory_space<vmem>>, vector<16x16xf32>
    %dot_general3A_273 = arith.constant dense<0.000000e+00> : vector<256x16xf32>
    %dot_general3A_274 = tpu.matmul %max3A_255, %get3A_272, %dot_general3A_273 {dimension_numbers = #tpu.dot_dimension_numbers<[1], [0], [0], [1], [0, 0, 1, 1], [], []>, precision = #tpu.contract_precision<fp32>, transpose_lhs_hint = false} : vector<256x16xf32>, vector<16x16xf32>, vector<256x16xf32> -> vector<256x16xf32>
    %add3A_275 = arith.addf %dot_general3A_269, %dot_general3A_274 : vector<256x16xf32>
    %add3A_276 = arith.addf %add3A_275, %add3A_31 : vector<256x16xf32>
    %max3A_277 = arith.maximumf %max3A_242, %max3A_255 : vector<256x16xf32>
    %max3A_278 = arith.maximumf %max3A_243, %max3A_264 : vector<256x16xf32>
    %max3A_279 = arith.maximumf %max3A_244, %add3A_276 : vector<256x16xf32>
    %get3A_280 = arith.constant 0 : index
    %get3A_281 = arith.constant 7 : index
    %get3A_282 = arith.constant 0 : index
    %get3A_283 = arith.constant 0 : index
    %get3A_284 = vector.load %arg3[%get3A_280, %get3A_281, %get3A_282, %get3A_283] : memref<1x16x256x128xf32, #tpu.memory_space<vmem>>, vector<1x1x256x128xf32>
    %get3A_285 = vector.shape_cast %get3A_284 : vector<1x1x256x128xf32> to vector<256x128xf32>
    %slice3A_286 = vector.extract_strided_slice %get3A_285 {offsets = [0, 0], sizes = [256, 16], strides = [1, 1]} : vector<256x128xf32> to vector<256x16xf32>
    %add3A_287 = arith.addf %add3A_11, %slice3A_286 : vector<256x16xf32>
    %max3A_288 = arith.constant 0.000000e+00 : f32
    %max3A_289 = vector.broadcast %max3A_288 : f32 to vector<256x16xf32>
    %max3A_290 = arith.maximumf %add3A_287, %max3A_289 : vector<256x16xf32>
    %get3A_291 = arith.constant 0 : index
    %get3A_292 = arith.constant 0 : index
    %get3A_293 = vector.load %arg6[%get3A_291, %get3A_292] : memref<16x16xf32, #tpu.memory_space<vmem>>, vector<16x16xf32>
    %dot_general3A_294 = arith.constant dense<0.000000e+00> : vector<256x16xf32>
    %dot_general3A_295 = tpu.matmul %max3A_290, %get3A_293, %dot_general3A_294 {dimension_numbers = #tpu.dot_dimension_numbers<[1], [0], [0], [1], [0, 0, 1, 1], [], []>, precision = #tpu.contract_precision<fp32>, transpose_lhs_hint = false} : vector<256x16xf32>, vector<16x16xf32>, vector<256x16xf32> -> vector<256x16xf32>
    %add3A_296 = arith.addf %dot_general3A_295, %add3A_21 : vector<256x16xf32>
    %max3A_297 = arith.constant 0.000000e+00 : f32
    %max3A_298 = vector.broadcast %max3A_297 : f32 to vector<256x16xf32>
    %max3A_299 = arith.maximumf %add3A_296, %max3A_298 : vector<256x16xf32>
    %get3A_300 = arith.constant 0 : index
    %get3A_301 = arith.constant 0 : index
    %get3A_302 = vector.load %arg9[%get3A_300, %get3A_301] : memref<16x16xf32, #tpu.memory_space<vmem>>, vector<16x16xf32>
    %dot_general3A_303 = arith.constant dense<0.000000e+00> : vector<256x16xf32>
    %dot_general3A_304 = tpu.matmul %max3A_299, %get3A_302, %dot_general3A_303 {dimension_numbers = #tpu.dot_dimension_numbers<[1], [0], [0], [1], [0, 0, 1, 1], [], []>, precision = #tpu.contract_precision<fp32>, transpose_lhs_hint = false} : vector<256x16xf32>, vector<16x16xf32>, vector<256x16xf32> -> vector<256x16xf32>
    %get3A_305 = arith.constant 0 : index
    %get3A_306 = arith.constant 0 : index
    %get3A_307 = vector.load %arg10[%get3A_305, %get3A_306] : memref<16x16xf32, #tpu.memory_space<vmem>>, vector<16x16xf32>
    %dot_general3A_308 = arith.constant dense<0.000000e+00> : vector<256x16xf32>
    %dot_general3A_309 = tpu.matmul %max3A_290, %get3A_307, %dot_general3A_308 {dimension_numbers = #tpu.dot_dimension_numbers<[1], [0], [0], [1], [0, 0, 1, 1], [], []>, precision = #tpu.contract_precision<fp32>, transpose_lhs_hint = false} : vector<256x16xf32>, vector<16x16xf32>, vector<256x16xf32> -> vector<256x16xf32>
    %add3A_310 = arith.addf %dot_general3A_304, %dot_general3A_309 : vector<256x16xf32>
    %add3A_311 = arith.addf %add3A_310, %add3A_31 : vector<256x16xf32>
    %max3A_312 = arith.maximumf %max3A_277, %max3A_290 : vector<256x16xf32>
    %max3A_313 = arith.maximumf %max3A_278, %max3A_299 : vector<256x16xf32>
    %max3A_314 = arith.maximumf %max3A_279, %add3A_311 : vector<256x16xf32>
    %get3A_315 = arith.constant 0 : index
    %get3A_316 = arith.constant 8 : index
    %get3A_317 = arith.constant 0 : index
    %get3A_318 = arith.constant 0 : index
    %get3A_319 = vector.load %arg3[%get3A_315, %get3A_316, %get3A_317, %get3A_318] : memref<1x16x256x128xf32, #tpu.memory_space<vmem>>, vector<1x1x256x128xf32>
    %get3A_320 = vector.shape_cast %get3A_319 : vector<1x1x256x128xf32> to vector<256x128xf32>
    %slice3A_321 = vector.extract_strided_slice %get3A_320 {offsets = [0, 0], sizes = [256, 16], strides = [1, 1]} : vector<256x128xf32> to vector<256x16xf32>
    %add3A_322 = arith.addf %add3A_11, %slice3A_321 : vector<256x16xf32>
    %max3A_323 = arith.constant 0.000000e+00 : f32
    %max3A_324 = vector.broadcast %max3A_323 : f32 to vector<256x16xf32>
    %max3A_325 = arith.maximumf %add3A_322, %max3A_324 : vector<256x16xf32>
    %get3A_326 = arith.constant 0 : index
    %get3A_327 = arith.constant 0 : index
    %get3A_328 = vector.load %arg6[%get3A_326, %get3A_327] : memref<16x16xf32, #tpu.memory_space<vmem>>, vector<16x16xf32>
    %dot_general3A_329 = arith.constant dense<0.000000e+00> : vector<256x16xf32>
    %dot_general3A_330 = tpu.matmul %max3A_325, %get3A_328, %dot_general3A_329 {dimension_numbers = #tpu.dot_dimension_numbers<[1], [0], [0], [1], [0, 0, 1, 1], [], []>, precision = #tpu.contract_precision<fp32>, transpose_lhs_hint = false} : vector<256x16xf32>, vector<16x16xf32>, vector<256x16xf32> -> vector<256x16xf32>
    %add3A_331 = arith.addf %dot_general3A_330, %add3A_21 : vector<256x16xf32>
    %max3A_332 = arith.constant 0.000000e+00 : f32
    %max3A_333 = vector.broadcast %max3A_332 : f32 to vector<256x16xf32>
    %max3A_334 = arith.maximumf %add3A_331, %max3A_333 : vector<256x16xf32>
    %get3A_335 = arith.constant 0 : index
    %get3A_336 = arith.constant 0 : index
    %get3A_337 = vector.load %arg9[%get3A_335, %get3A_336] : memref<16x16xf32, #tpu.memory_space<vmem>>, vector<16x16xf32>
    %dot_general3A_338 = arith.constant dense<0.000000e+00> : vector<256x16xf32>
    %dot_general3A_339 = tpu.matmul %max3A_334, %get3A_337, %dot_general3A_338 {dimension_numbers = #tpu.dot_dimension_numbers<[1], [0], [0], [1], [0, 0, 1, 1], [], []>, precision = #tpu.contract_precision<fp32>, transpose_lhs_hint = false} : vector<256x16xf32>, vector<16x16xf32>, vector<256x16xf32> -> vector<256x16xf32>
    %get3A_340 = arith.constant 0 : index
    %get3A_341 = arith.constant 0 : index
    %get3A_342 = vector.load %arg10[%get3A_340, %get3A_341] : memref<16x16xf32, #tpu.memory_space<vmem>>, vector<16x16xf32>
    %dot_general3A_343 = arith.constant dense<0.000000e+00> : vector<256x16xf32>
    %dot_general3A_344 = tpu.matmul %max3A_325, %get3A_342, %dot_general3A_343 {dimension_numbers = #tpu.dot_dimension_numbers<[1], [0], [0], [1], [0, 0, 1, 1], [], []>, precision = #tpu.contract_precision<fp32>, transpose_lhs_hint = false} : vector<256x16xf32>, vector<16x16xf32>, vector<256x16xf32> -> vector<256x16xf32>
    %add3A_345 = arith.addf %dot_general3A_339, %dot_general3A_344 : vector<256x16xf32>
    %add3A_346 = arith.addf %add3A_345, %add3A_31 : vector<256x16xf32>
    %max3A_347 = arith.maximumf %max3A_312, %max3A_325 : vector<256x16xf32>
    %max3A_348 = arith.maximumf %max3A_313, %max3A_334 : vector<256x16xf32>
    %max3A_349 = arith.maximumf %max3A_314, %add3A_346 : vector<256x16xf32>
    %get3A_350 = arith.constant 0 : index
    %get3A_351 = arith.constant 9 : index
    %get3A_352 = arith.constant 0 : index
    %get3A_353 = arith.constant 0 : index
    %get3A_354 = vector.load %arg3[%get3A_350, %get3A_351, %get3A_352, %get3A_353] : memref<1x16x256x128xf32, #tpu.memory_space<vmem>>, vector<1x1x256x128xf32>
    %get3A_355 = vector.shape_cast %get3A_354 : vector<1x1x256x128xf32> to vector<256x128xf32>
    %slice3A_356 = vector.extract_strided_slice %get3A_355 {offsets = [0, 0], sizes = [256, 16], strides = [1, 1]} : vector<256x128xf32> to vector<256x16xf32>
    %add3A_357 = arith.addf %add3A_11, %slice3A_356 : vector<256x16xf32>
    %max3A_358 = arith.constant 0.000000e+00 : f32
    %max3A_359 = vector.broadcast %max3A_358 : f32 to vector<256x16xf32>
    %max3A_360 = arith.maximumf %add3A_357, %max3A_359 : vector<256x16xf32>
    %get3A_361 = arith.constant 0 : index
    %get3A_362 = arith.constant 0 : index
    %get3A_363 = vector.load %arg6[%get3A_361, %get3A_362] : memref<16x16xf32, #tpu.memory_space<vmem>>, vector<16x16xf32>
    %dot_general3A_364 = arith.constant dense<0.000000e+00> : vector<256x16xf32>
    %dot_general3A_365 = tpu.matmul %max3A_360, %get3A_363, %dot_general3A_364 {dimension_numbers = #tpu.dot_dimension_numbers<[1], [0], [0], [1], [0, 0, 1, 1], [], []>, precision = #tpu.contract_precision<fp32>, transpose_lhs_hint = false} : vector<256x16xf32>, vector<16x16xf32>, vector<256x16xf32> -> vector<256x16xf32>
    %add3A_366 = arith.addf %dot_general3A_365, %add3A_21 : vector<256x16xf32>
    %max3A_367 = arith.constant 0.000000e+00 : f32
    %max3A_368 = vector.broadcast %max3A_367 : f32 to vector<256x16xf32>
    %max3A_369 = arith.maximumf %add3A_366, %max3A_368 : vector<256x16xf32>
    %get3A_370 = arith.constant 0 : index
    %get3A_371 = arith.constant 0 : index
    %get3A_372 = vector.load %arg9[%get3A_370, %get3A_371] : memref<16x16xf32, #tpu.memory_space<vmem>>, vector<16x16xf32>
    %dot_general3A_373 = arith.constant dense<0.000000e+00> : vector<256x16xf32>
    %dot_general3A_374 = tpu.matmul %max3A_369, %get3A_372, %dot_general3A_373 {dimension_numbers = #tpu.dot_dimension_numbers<[1], [0], [0], [1], [0, 0, 1, 1], [], []>, precision = #tpu.contract_precision<fp32>, transpose_lhs_hint = false} : vector<256x16xf32>, vector<16x16xf32>, vector<256x16xf32> -> vector<256x16xf32>
    %get3A_375 = arith.constant 0 : index
    %get3A_376 = arith.constant 0 : index
    %get3A_377 = vector.load %arg10[%get3A_375, %get3A_376] : memref<16x16xf32, #tpu.memory_space<vmem>>, vector<16x16xf32>
    %dot_general3A_378 = arith.constant dense<0.000000e+00> : vector<256x16xf32>
    %dot_general3A_379 = tpu.matmul %max3A_360, %get3A_377, %dot_general3A_378 {dimension_numbers = #tpu.dot_dimension_numbers<[1], [0], [0], [1], [0, 0, 1, 1], [], []>, precision = #tpu.contract_precision<fp32>, transpose_lhs_hint = false} : vector<256x16xf32>, vector<16x16xf32>, vector<256x16xf32> -> vector<256x16xf32>
    %add3A_380 = arith.addf %dot_general3A_374, %dot_general3A_379 : vector<256x16xf32>
    %add3A_381 = arith.addf %add3A_380, %add3A_31 : vector<256x16xf32>
    %max3A_382 = arith.maximumf %max3A_347, %max3A_360 : vector<256x16xf32>
    %max3A_383 = arith.maximumf %max3A_348, %max3A_369 : vector<256x16xf32>
    %max3A_384 = arith.maximumf %max3A_349, %add3A_381 : vector<256x16xf32>
    %get3A_385 = arith.constant 0 : index
    %get3A_386 = arith.constant 10 : index
    %get3A_387 = arith.constant 0 : index
    %get3A_388 = arith.constant 0 : index
    %get3A_389 = vector.load %arg3[%get3A_385, %get3A_386, %get3A_387, %get3A_388] : memref<1x16x256x128xf32, #tpu.memory_space<vmem>>, vector<1x1x256x128xf32>
    %get3A_390 = vector.shape_cast %get3A_389 : vector<1x1x256x128xf32> to vector<256x128xf32>
    %slice3A_391 = vector.extract_strided_slice %get3A_390 {offsets = [0, 0], sizes = [256, 16], strides = [1, 1]} : vector<256x128xf32> to vector<256x16xf32>
    %add3A_392 = arith.addf %add3A_11, %slice3A_391 : vector<256x16xf32>
    %max3A_393 = arith.constant 0.000000e+00 : f32
    %max3A_394 = vector.broadcast %max3A_393 : f32 to vector<256x16xf32>
    %max3A_395 = arith.maximumf %add3A_392, %max3A_394 : vector<256x16xf32>
    %get3A_396 = arith.constant 0 : index
    %get3A_397 = arith.constant 0 : index
    %get3A_398 = vector.load %arg6[%get3A_396, %get3A_397] : memref<16x16xf32, #tpu.memory_space<vmem>>, vector<16x16xf32>
    %dot_general3A_399 = arith.constant dense<0.000000e+00> : vector<256x16xf32>
    %dot_general3A_400 = tpu.matmul %max3A_395, %get3A_398, %dot_general3A_399 {dimension_numbers = #tpu.dot_dimension_numbers<[1], [0], [0], [1], [0, 0, 1, 1], [], []>, precision = #tpu.contract_precision<fp32>, transpose_lhs_hint = false} : vector<256x16xf32>, vector<16x16xf32>, vector<256x16xf32> -> vector<256x16xf32>
    %add3A_401 = arith.addf %dot_general3A_400, %add3A_21 : vector<256x16xf32>
    %max3A_402 = arith.constant 0.000000e+00 : f32
    %max3A_403 = vector.broadcast %max3A_402 : f32 to vector<256x16xf32>
    %max3A_404 = arith.maximumf %add3A_401, %max3A_403 : vector<256x16xf32>
    %get3A_405 = arith.constant 0 : index
    %get3A_406 = arith.constant 0 : index
    %get3A_407 = vector.load %arg9[%get3A_405, %get3A_406] : memref<16x16xf32, #tpu.memory_space<vmem>>, vector<16x16xf32>
    %dot_general3A_408 = arith.constant dense<0.000000e+00> : vector<256x16xf32>
    %dot_general3A_409 = tpu.matmul %max3A_404, %get3A_407, %dot_general3A_408 {dimension_numbers = #tpu.dot_dimension_numbers<[1], [0], [0], [1], [0, 0, 1, 1], [], []>, precision = #tpu.contract_precision<fp32>, transpose_lhs_hint = false} : vector<256x16xf32>, vector<16x16xf32>, vector<256x16xf32> -> vector<256x16xf32>
    %get3A_410 = arith.constant 0 : index
    %get3A_411 = arith.constant 0 : index
    %get3A_412 = vector.load %arg10[%get3A_410, %get3A_411] : memref<16x16xf32, #tpu.memory_space<vmem>>, vector<16x16xf32>
    %dot_general3A_413 = arith.constant dense<0.000000e+00> : vector<256x16xf32>
    %dot_general3A_414 = tpu.matmul %max3A_395, %get3A_412, %dot_general3A_413 {dimension_numbers = #tpu.dot_dimension_numbers<[1], [0], [0], [1], [0, 0, 1, 1], [], []>, precision = #tpu.contract_precision<fp32>, transpose_lhs_hint = false} : vector<256x16xf32>, vector<16x16xf32>, vector<256x16xf32> -> vector<256x16xf32>
    %add3A_415 = arith.addf %dot_general3A_409, %dot_general3A_414 : vector<256x16xf32>
    %add3A_416 = arith.addf %add3A_415, %add3A_31 : vector<256x16xf32>
    %max3A_417 = arith.maximumf %max3A_382, %max3A_395 : vector<256x16xf32>
    %max3A_418 = arith.maximumf %max3A_383, %max3A_404 : vector<256x16xf32>
    %max3A_419 = arith.maximumf %max3A_384, %add3A_416 : vector<256x16xf32>
    %get3A_420 = arith.constant 0 : index
    %get3A_421 = arith.constant 11 : index
    %get3A_422 = arith.constant 0 : index
    %get3A_423 = arith.constant 0 : index
    %get3A_424 = vector.load %arg3[%get3A_420, %get3A_421, %get3A_422, %get3A_423] : memref<1x16x256x128xf32, #tpu.memory_space<vmem>>, vector<1x1x256x128xf32>
    %get3A_425 = vector.shape_cast %get3A_424 : vector<1x1x256x128xf32> to vector<256x128xf32>
    %slice3A_426 = vector.extract_strided_slice %get3A_425 {offsets = [0, 0], sizes = [256, 16], strides = [1, 1]} : vector<256x128xf32> to vector<256x16xf32>
    %add3A_427 = arith.addf %add3A_11, %slice3A_426 : vector<256x16xf32>
    %max3A_428 = arith.constant 0.000000e+00 : f32
    %max3A_429 = vector.broadcast %max3A_428 : f32 to vector<256x16xf32>
    %max3A_430 = arith.maximumf %add3A_427, %max3A_429 : vector<256x16xf32>
    %get3A_431 = arith.constant 0 : index
    %get3A_432 = arith.constant 0 : index
    %get3A_433 = vector.load %arg6[%get3A_431, %get3A_432] : memref<16x16xf32, #tpu.memory_space<vmem>>, vector<16x16xf32>
    %dot_general3A_434 = arith.constant dense<0.000000e+00> : vector<256x16xf32>
    %dot_general3A_435 = tpu.matmul %max3A_430, %get3A_433, %dot_general3A_434 {dimension_numbers = #tpu.dot_dimension_numbers<[1], [0], [0], [1], [0, 0, 1, 1], [], []>, precision = #tpu.contract_precision<fp32>, transpose_lhs_hint = false} : vector<256x16xf32>, vector<16x16xf32>, vector<256x16xf32> -> vector<256x16xf32>
    %add3A_436 = arith.addf %dot_general3A_435, %add3A_21 : vector<256x16xf32>
    %max3A_437 = arith.constant 0.000000e+00 : f32
    %max3A_438 = vector.broadcast %max3A_437 : f32 to vector<256x16xf32>
    %max3A_439 = arith.maximumf %add3A_436, %max3A_438 : vector<256x16xf32>
    %get3A_440 = arith.constant 0 : index
    %get3A_441 = arith.constant 0 : index
    %get3A_442 = vector.load %arg9[%get3A_440, %get3A_441] : memref<16x16xf32, #tpu.memory_space<vmem>>, vector<16x16xf32>
    %dot_general3A_443 = arith.constant dense<0.000000e+00> : vector<256x16xf32>
    %dot_general3A_444 = tpu.matmul %max3A_439, %get3A_442, %dot_general3A_443 {dimension_numbers = #tpu.dot_dimension_numbers<[1], [0], [0], [1], [0, 0, 1, 1], [], []>, precision = #tpu.contract_precision<fp32>, transpose_lhs_hint = false} : vector<256x16xf32>, vector<16x16xf32>, vector<256x16xf32> -> vector<256x16xf32>
    %get3A_445 = arith.constant 0 : index
    %get3A_446 = arith.constant 0 : index
    %get3A_447 = vector.load %arg10[%get3A_445, %get3A_446] : memref<16x16xf32, #tpu.memory_space<vmem>>, vector<16x16xf32>
    %dot_general3A_448 = arith.constant dense<0.000000e+00> : vector<256x16xf32>
    %dot_general3A_449 = tpu.matmul %max3A_430, %get3A_447, %dot_general3A_448 {dimension_numbers = #tpu.dot_dimension_numbers<[1], [0], [0], [1], [0, 0, 1, 1], [], []>, precision = #tpu.contract_precision<fp32>, transpose_lhs_hint = false} : vector<256x16xf32>, vector<16x16xf32>, vector<256x16xf32> -> vector<256x16xf32>
    %add3A_450 = arith.addf %dot_general3A_444, %dot_general3A_449 : vector<256x16xf32>
    %add3A_451 = arith.addf %add3A_450, %add3A_31 : vector<256x16xf32>
    %max3A_452 = arith.maximumf %max3A_417, %max3A_430 : vector<256x16xf32>
    %max3A_453 = arith.maximumf %max3A_418, %max3A_439 : vector<256x16xf32>
    %max3A_454 = arith.maximumf %max3A_419, %add3A_451 : vector<256x16xf32>
    %get3A_455 = arith.constant 0 : index
    %get3A_456 = arith.constant 12 : index
    %get3A_457 = arith.constant 0 : index
    %get3A_458 = arith.constant 0 : index
    %get3A_459 = vector.load %arg3[%get3A_455, %get3A_456, %get3A_457, %get3A_458] : memref<1x16x256x128xf32, #tpu.memory_space<vmem>>, vector<1x1x256x128xf32>
    %get3A_460 = vector.shape_cast %get3A_459 : vector<1x1x256x128xf32> to vector<256x128xf32>
    %slice3A_461 = vector.extract_strided_slice %get3A_460 {offsets = [0, 0], sizes = [256, 16], strides = [1, 1]} : vector<256x128xf32> to vector<256x16xf32>
    %add3A_462 = arith.addf %add3A_11, %slice3A_461 : vector<256x16xf32>
    %max3A_463 = arith.constant 0.000000e+00 : f32
    %max3A_464 = vector.broadcast %max3A_463 : f32 to vector<256x16xf32>
    %max3A_465 = arith.maximumf %add3A_462, %max3A_464 : vector<256x16xf32>
    %get3A_466 = arith.constant 0 : index
    %get3A_467 = arith.constant 0 : index
    %get3A_468 = vector.load %arg6[%get3A_466, %get3A_467] : memref<16x16xf32, #tpu.memory_space<vmem>>, vector<16x16xf32>
    %dot_general3A_469 = arith.constant dense<0.000000e+00> : vector<256x16xf32>
    %dot_general3A_470 = tpu.matmul %max3A_465, %get3A_468, %dot_general3A_469 {dimension_numbers = #tpu.dot_dimension_numbers<[1], [0], [0], [1], [0, 0, 1, 1], [], []>, precision = #tpu.contract_precision<fp32>, transpose_lhs_hint = false} : vector<256x16xf32>, vector<16x16xf32>, vector<256x16xf32> -> vector<256x16xf32>
    %add3A_471 = arith.addf %dot_general3A_470, %add3A_21 : vector<256x16xf32>
    %max3A_472 = arith.constant 0.000000e+00 : f32
    %max3A_473 = vector.broadcast %max3A_472 : f32 to vector<256x16xf32>
    %max3A_474 = arith.maximumf %add3A_471, %max3A_473 : vector<256x16xf32>
    %get3A_475 = arith.constant 0 : index
    %get3A_476 = arith.constant 0 : index
    %get3A_477 = vector.load %arg9[%get3A_475, %get3A_476] : memref<16x16xf32, #tpu.memory_space<vmem>>, vector<16x16xf32>
    %dot_general3A_478 = arith.constant dense<0.000000e+00> : vector<256x16xf32>
    %dot_general3A_479 = tpu.matmul %max3A_474, %get3A_477, %dot_general3A_478 {dimension_numbers = #tpu.dot_dimension_numbers<[1], [0], [0], [1], [0, 0, 1, 1], [], []>, precision = #tpu.contract_precision<fp32>, transpose_lhs_hint = false} : vector<256x16xf32>, vector<16x16xf32>, vector<256x16xf32> -> vector<256x16xf32>
    %get3A_480 = arith.constant 0 : index
    %get3A_481 = arith.constant 0 : index
    %get3A_482 = vector.load %arg10[%get3A_480, %get3A_481] : memref<16x16xf32, #tpu.memory_space<vmem>>, vector<16x16xf32>
    %dot_general3A_483 = arith.constant dense<0.000000e+00> : vector<256x16xf32>
    %dot_general3A_484 = tpu.matmul %max3A_465, %get3A_482, %dot_general3A_483 {dimension_numbers = #tpu.dot_dimension_numbers<[1], [0], [0], [1], [0, 0, 1, 1], [], []>, precision = #tpu.contract_precision<fp32>, transpose_lhs_hint = false} : vector<256x16xf32>, vector<16x16xf32>, vector<256x16xf32> -> vector<256x16xf32>
    %add3A_485 = arith.addf %dot_general3A_479, %dot_general3A_484 : vector<256x16xf32>
    %add3A_486 = arith.addf %add3A_485, %add3A_31 : vector<256x16xf32>
    %max3A_487 = arith.maximumf %max3A_452, %max3A_465 : vector<256x16xf32>
    %max3A_488 = arith.maximumf %max3A_453, %max3A_474 : vector<256x16xf32>
    %max3A_489 = arith.maximumf %max3A_454, %add3A_486 : vector<256x16xf32>
    %get3A_490 = arith.constant 0 : index
    %get3A_491 = arith.constant 13 : index
    %get3A_492 = arith.constant 0 : index
    %get3A_493 = arith.constant 0 : index
    %get3A_494 = vector.load %arg3[%get3A_490, %get3A_491, %get3A_492, %get3A_493] : memref<1x16x256x128xf32, #tpu.memory_space<vmem>>, vector<1x1x256x128xf32>
    %get3A_495 = vector.shape_cast %get3A_494 : vector<1x1x256x128xf32> to vector<256x128xf32>
    %slice3A_496 = vector.extract_strided_slice %get3A_495 {offsets = [0, 0], sizes = [256, 16], strides = [1, 1]} : vector<256x128xf32> to vector<256x16xf32>
    %add3A_497 = arith.addf %add3A_11, %slice3A_496 : vector<256x16xf32>
    %max3A_498 = arith.constant 0.000000e+00 : f32
    %max3A_499 = vector.broadcast %max3A_498 : f32 to vector<256x16xf32>
    %max3A_500 = arith.maximumf %add3A_497, %max3A_499 : vector<256x16xf32>
    %get3A_501 = arith.constant 0 : index
    %get3A_502 = arith.constant 0 : index
    %get3A_503 = vector.load %arg6[%get3A_501, %get3A_502] : memref<16x16xf32, #tpu.memory_space<vmem>>, vector<16x16xf32>
    %dot_general3A_504 = arith.constant dense<0.000000e+00> : vector<256x16xf32>
    %dot_general3A_505 = tpu.matmul %max3A_500, %get3A_503, %dot_general3A_504 {dimension_numbers = #tpu.dot_dimension_numbers<[1], [0], [0], [1], [0, 0, 1, 1], [], []>, precision = #tpu.contract_precision<fp32>, transpose_lhs_hint = false} : vector<256x16xf32>, vector<16x16xf32>, vector<256x16xf32> -> vector<256x16xf32>
    %add3A_506 = arith.addf %dot_general3A_505, %add3A_21 : vector<256x16xf32>
    %max3A_507 = arith.constant 0.000000e+00 : f32
    %max3A_508 = vector.broadcast %max3A_507 : f32 to vector<256x16xf32>
    %max3A_509 = arith.maximumf %add3A_506, %max3A_508 : vector<256x16xf32>
    %get3A_510 = arith.constant 0 : index
    %get3A_511 = arith.constant 0 : index
    %get3A_512 = vector.load %arg9[%get3A_510, %get3A_511] : memref<16x16xf32, #tpu.memory_space<vmem>>, vector<16x16xf32>
    %dot_general3A_513 = arith.constant dense<0.000000e+00> : vector<256x16xf32>
    %dot_general3A_514 = tpu.matmul %max3A_509, %get3A_512, %dot_general3A_513 {dimension_numbers = #tpu.dot_dimension_numbers<[1], [0], [0], [1], [0, 0, 1, 1], [], []>, precision = #tpu.contract_precision<fp32>, transpose_lhs_hint = false} : vector<256x16xf32>, vector<16x16xf32>, vector<256x16xf32> -> vector<256x16xf32>
    %get3A_515 = arith.constant 0 : index
    %get3A_516 = arith.constant 0 : index
    %get3A_517 = vector.load %arg10[%get3A_515, %get3A_516] : memref<16x16xf32, #tpu.memory_space<vmem>>, vector<16x16xf32>
    %dot_general3A_518 = arith.constant dense<0.000000e+00> : vector<256x16xf32>
    %dot_general3A_519 = tpu.matmul %max3A_500, %get3A_517, %dot_general3A_518 {dimension_numbers = #tpu.dot_dimension_numbers<[1], [0], [0], [1], [0, 0, 1, 1], [], []>, precision = #tpu.contract_precision<fp32>, transpose_lhs_hint = false} : vector<256x16xf32>, vector<16x16xf32>, vector<256x16xf32> -> vector<256x16xf32>
    %add3A_520 = arith.addf %dot_general3A_514, %dot_general3A_519 : vector<256x16xf32>
    %add3A_521 = arith.addf %add3A_520, %add3A_31 : vector<256x16xf32>
    %max3A_522 = arith.maximumf %max3A_487, %max3A_500 : vector<256x16xf32>
    %max3A_523 = arith.maximumf %max3A_488, %max3A_509 : vector<256x16xf32>
    %max3A_524 = arith.maximumf %max3A_489, %add3A_521 : vector<256x16xf32>
    %get3A_525 = arith.constant 0 : index
    %get3A_526 = arith.constant 14 : index
    %get3A_527 = arith.constant 0 : index
    %get3A_528 = arith.constant 0 : index
    %get3A_529 = vector.load %arg3[%get3A_525, %get3A_526, %get3A_527, %get3A_528] : memref<1x16x256x128xf32, #tpu.memory_space<vmem>>, vector<1x1x256x128xf32>
    %get3A_530 = vector.shape_cast %get3A_529 : vector<1x1x256x128xf32> to vector<256x128xf32>
    %slice3A_531 = vector.extract_strided_slice %get3A_530 {offsets = [0, 0], sizes = [256, 16], strides = [1, 1]} : vector<256x128xf32> to vector<256x16xf32>
    %add3A_532 = arith.addf %add3A_11, %slice3A_531 : vector<256x16xf32>
    %max3A_533 = arith.constant 0.000000e+00 : f32
    %max3A_534 = vector.broadcast %max3A_533 : f32 to vector<256x16xf32>
    %max3A_535 = arith.maximumf %add3A_532, %max3A_534 : vector<256x16xf32>
    %get3A_536 = arith.constant 0 : index
    %get3A_537 = arith.constant 0 : index
    %get3A_538 = vector.load %arg6[%get3A_536, %get3A_537] : memref<16x16xf32, #tpu.memory_space<vmem>>, vector<16x16xf32>
    %dot_general3A_539 = arith.constant dense<0.000000e+00> : vector<256x16xf32>
    %dot_general3A_540 = tpu.matmul %max3A_535, %get3A_538, %dot_general3A_539 {dimension_numbers = #tpu.dot_dimension_numbers<[1], [0], [0], [1], [0, 0, 1, 1], [], []>, precision = #tpu.contract_precision<fp32>, transpose_lhs_hint = false} : vector<256x16xf32>, vector<16x16xf32>, vector<256x16xf32> -> vector<256x16xf32>
    %add3A_541 = arith.addf %dot_general3A_540, %add3A_21 : vector<256x16xf32>
    %max3A_542 = arith.constant 0.000000e+00 : f32
    %max3A_543 = vector.broadcast %max3A_542 : f32 to vector<256x16xf32>
    %max3A_544 = arith.maximumf %add3A_541, %max3A_543 : vector<256x16xf32>
    %get3A_545 = arith.constant 0 : index
    %get3A_546 = arith.constant 0 : index
    %get3A_547 = vector.load %arg9[%get3A_545, %get3A_546] : memref<16x16xf32, #tpu.memory_space<vmem>>, vector<16x16xf32>
    %dot_general3A_548 = arith.constant dense<0.000000e+00> : vector<256x16xf32>
    %dot_general3A_549 = tpu.matmul %max3A_544, %get3A_547, %dot_general3A_548 {dimension_numbers = #tpu.dot_dimension_numbers<[1], [0], [0], [1], [0, 0, 1, 1], [], []>, precision = #tpu.contract_precision<fp32>, transpose_lhs_hint = false} : vector<256x16xf32>, vector<16x16xf32>, vector<256x16xf32> -> vector<256x16xf32>
    %get3A_550 = arith.constant 0 : index
    %get3A_551 = arith.constant 0 : index
    %get3A_552 = vector.load %arg10[%get3A_550, %get3A_551] : memref<16x16xf32, #tpu.memory_space<vmem>>, vector<16x16xf32>
    %dot_general3A_553 = arith.constant dense<0.000000e+00> : vector<256x16xf32>
    %dot_general3A_554 = tpu.matmul %max3A_535, %get3A_552, %dot_general3A_553 {dimension_numbers = #tpu.dot_dimension_numbers<[1], [0], [0], [1], [0, 0, 1, 1], [], []>, precision = #tpu.contract_precision<fp32>, transpose_lhs_hint = false} : vector<256x16xf32>, vector<16x16xf32>, vector<256x16xf32> -> vector<256x16xf32>
    %add3A_555 = arith.addf %dot_general3A_549, %dot_general3A_554 : vector<256x16xf32>
    %add3A_556 = arith.addf %add3A_555, %add3A_31 : vector<256x16xf32>
    %max3A_557 = arith.maximumf %max3A_522, %max3A_535 : vector<256x16xf32>
    %max3A_558 = arith.maximumf %max3A_523, %max3A_544 : vector<256x16xf32>
    %max3A_559 = arith.maximumf %max3A_524, %add3A_556 : vector<256x16xf32>
    %get3A_560 = arith.constant 0 : index
    %get3A_561 = arith.constant 15 : index
    %get3A_562 = arith.constant 0 : index
    %get3A_563 = arith.constant 0 : index
    %get3A_564 = vector.load %arg3[%get3A_560, %get3A_561, %get3A_562, %get3A_563] : memref<1x16x256x128xf32, #tpu.memory_space<vmem>>, vector<1x1x256x128xf32>
    %get3A_565 = vector.shape_cast %get3A_564 : vector<1x1x256x128xf32> to vector<256x128xf32>
    %slice3A_566 = vector.extract_strided_slice %get3A_565 {offsets = [0, 0], sizes = [256, 16], strides = [1, 1]} : vector<256x128xf32> to vector<256x16xf32>
    %add3A_567 = arith.addf %add3A_11, %slice3A_566 : vector<256x16xf32>
    %max3A_568 = arith.constant 0.000000e+00 : f32
    %max3A_569 = vector.broadcast %max3A_568 : f32 to vector<256x16xf32>
    %max3A_570 = arith.maximumf %add3A_567, %max3A_569 : vector<256x16xf32>
    %get3A_571 = arith.constant 0 : index
    %get3A_572 = arith.constant 0 : index
    %get3A_573 = vector.load %arg6[%get3A_571, %get3A_572] : memref<16x16xf32, #tpu.memory_space<vmem>>, vector<16x16xf32>
    %dot_general3A_574 = arith.constant dense<0.000000e+00> : vector<256x16xf32>
    %dot_general3A_575 = tpu.matmul %max3A_570, %get3A_573, %dot_general3A_574 {dimension_numbers = #tpu.dot_dimension_numbers<[1], [0], [0], [1], [0, 0, 1, 1], [], []>, precision = #tpu.contract_precision<fp32>, transpose_lhs_hint = false} : vector<256x16xf32>, vector<16x16xf32>, vector<256x16xf32> -> vector<256x16xf32>
    %add3A_576 = arith.addf %dot_general3A_575, %add3A_21 : vector<256x16xf32>
    %max3A_577 = arith.constant 0.000000e+00 : f32
    %max3A_578 = vector.broadcast %max3A_577 : f32 to vector<256x16xf32>
    %max3A_579 = arith.maximumf %add3A_576, %max3A_578 : vector<256x16xf32>
    %get3A_580 = arith.constant 0 : index
    %get3A_581 = arith.constant 0 : index
    %get3A_582 = vector.load %arg9[%get3A_580, %get3A_581] : memref<16x16xf32, #tpu.memory_space<vmem>>, vector<16x16xf32>
    %dot_general3A_583 = arith.constant dense<0.000000e+00> : vector<256x16xf32>
    %dot_general3A_584 = tpu.matmul %max3A_579, %get3A_582, %dot_general3A_583 {dimension_numbers = #tpu.dot_dimension_numbers<[1], [0], [0], [1], [0, 0, 1, 1], [], []>, precision = #tpu.contract_precision<fp32>, transpose_lhs_hint = false} : vector<256x16xf32>, vector<16x16xf32>, vector<256x16xf32> -> vector<256x16xf32>
    %get3A_585 = arith.constant 0 : index
    %get3A_586 = arith.constant 0 : index
    %get3A_587 = vector.load %arg10[%get3A_585, %get3A_586] : memref<16x16xf32, #tpu.memory_space<vmem>>, vector<16x16xf32>
    %dot_general3A_588 = arith.constant dense<0.000000e+00> : vector<256x16xf32>
    %dot_general3A_589 = tpu.matmul %max3A_570, %get3A_587, %dot_general3A_588 {dimension_numbers = #tpu.dot_dimension_numbers<[1], [0], [0], [1], [0, 0, 1, 1], [], []>, precision = #tpu.contract_precision<fp32>, transpose_lhs_hint = false} : vector<256x16xf32>, vector<16x16xf32>, vector<256x16xf32> -> vector<256x16xf32>
    %add3A_590 = arith.addf %dot_general3A_584, %dot_general3A_589 : vector<256x16xf32>
    %add3A_591 = arith.addf %add3A_590, %add3A_31 : vector<256x16xf32>
    %max3A_592 = arith.maximumf %max3A_557, %max3A_570 : vector<256x16xf32>
    %max3A_593 = arith.maximumf %max3A_558, %max3A_579 : vector<256x16xf32>
    %max3A_594 = arith.maximumf %max3A_559, %add3A_591 : vector<256x16xf32>
    %concatenate3A = tpu.concatenate %max3A_594, %max3A_593, %max3A_592, %get3A_3 in 1 : vector<256x16xf32>, vector<256x16xf32>, vector<256x16xf32>, vector<256x32xf32> -> vector<256x80xf32>
    %swap3A = arith.constant 0 : index
    %swap3A_595 = arith.constant 0 : index
    %swap3A_596 = arith.constant 0 : index
    %swap3A_597 = vector.load %arg13[%swap3A, %swap3A_595, %swap3A_596] : memref<1x256x80xf32, #tpu.memory_space<vmem>>, vector<1x256x80xf32>
    %swap3A_598 = vector.shape_cast %swap3A_597 : vector<1x256x80xf32> to vector<256x80xf32>
    %swap3A_599 = vector.shape_cast %concatenate3A : vector<256x80xf32> to vector<1x256x80xf32>
    tpu.vector_store %arg13[%swap3A, %swap3A_595, %swap3A_596], %swap3A_599 {strides = array<i32>} : memref<1x256x80xf32, #tpu.memory_space<vmem>>, vector<1x256x80xf32>,
    return
  }
  func.func @transform_0(%arg0: i32, %arg1: i32) -> (i32, i32, i32) {
    %c0_i32 = arith.constant 0 : i32
    %c0_i32_0 = arith.constant 0 : i32
    return %arg0, %arg1, %c0_i32 : i32, i32, i32
  }
  func.func @transform_1(%arg0: i32, %arg1: i32) -> (i32, i32, i32, i32) {
    %c0_i32 = arith.constant 0 : i32
    %c0_i32_0 = arith.constant 0 : i32
    %c0_i32_1 = arith.constant 0 : i32
    return %arg0, %c0_i32, %arg1, %c0_i32_0 : i32, i32, i32, i32
  }
  func.func @transform_2(%arg0: i32, %arg1: i32) -> (i32, i32) {
    %c0_i32 = arith.constant 0 : i32
    %c0_i32_0 = arith.constant 0 : i32
    %c0_i32_1 = arith.constant 0 : i32
    return %c0_i32, %c0_i32_0 : i32, i32
  }
  func.func @transform_3(%arg0: i32, %arg1: i32) -> (i32, i32) {
    %c0_i32 = arith.constant 0 : i32
    %c0_i32_0 = arith.constant 0 : i32
    %c0_i32_1 = arith.constant 0 : i32
    return %c0_i32, %c0_i32_0 : i32, i32
  }
  func.func @transform_4(%arg0: i32, %arg1: i32) -> (i32, i32) {
    %c0_i32 = arith.constant 0 : i32
    %c0_i32_0 = arith.constant 0 : i32
    %c0_i32_1 = arith.constant 0 : i32
    return %c0_i32, %c0_i32_0 : i32, i32
  }
  func.func @transform_5(%arg0: i32, %arg1: i32) -> (i32, i32) {
    %c0_i32 = arith.constant 0 : i32
    %c0_i32_0 = arith.constant 0 : i32
    %c0_i32_1 = arith.constant 0 : i32
    return %c0_i32, %c0_i32_0 : i32, i32
  }
  func.func @transform_6(%arg0: i32, %arg1: i32) -> (i32, i32) {
    %c0_i32 = arith.constant 0 : i32
    %c0_i32_0 = arith.constant 0 : i32
    %c0_i32_1 = arith.constant 0 : i32
    return %c0_i32, %c0_i32_0 : i32, i32
  }
  func.func @transform_7(%arg0: i32, %arg1: i32) -> (i32, i32) {
    %c0_i32 = arith.constant 0 : i32
    %c0_i32_0 = arith.constant 0 : i32
    %c0_i32_1 = arith.constant 0 : i32
    return %c0_i32, %c0_i32_0 : i32, i32
  }
  func.func @transform_8(%arg0: i32, %arg1: i32) -> (i32, i32) {
    %c0_i32 = arith.constant 0 : i32
    %c0_i32_0 = arith.constant 0 : i32
    %c0_i32_1 = arith.constant 0 : i32
    return %c0_i32, %c0_i32_0 : i32, i32
  }
  func.func @transform_9(%arg0: i32, %arg1: i32) -> (i32, i32) {
    %c0_i32 = arith.constant 0 : i32
    %c0_i32_0 = arith.constant 0 : i32
    %c0_i32_1 = arith.constant 0 : i32
    return %c0_i32, %c0_i32_0 : i32, i32
  }
  func.func @transform_10(%arg0: i32, %arg1: i32) -> (i32, i32) {
    %c0_i32 = arith.constant 0 : i32
    %c0_i32_0 = arith.constant 0 : i32
    %c0_i32_1 = arith.constant 0 : i32
    return %c0_i32, %c0_i32_0 : i32, i32
  }
  func.func @transform_11(%arg0: i32, %arg1: i32) -> (i32, i32, i32) {
    %c0_i32 = arith.constant 0 : i32
    %c0_i32_0 = arith.constant 0 : i32
    return %arg0, %arg1, %c0_i32 : i32, i32, i32
  }
}

</mosaic_0001>

<sc_bundles>
// kernel: kernel.5.cloned.1.call-start
scs
__scs_entry_jumppad:
0x0: {  	(pc) =	sbr.rel $0x88, $3  }
0x1: {  	(tag) =	ssettag $0x0;
	lr =	simm.s32 $0x1  }
0x2: {  	[smem:$0x3F99] =	sst lr;
	_ =	strace $0xD0000000  }
0x3: {  	_ = 	snop  }
0x4: {  	_ = 	snop  }
0x5: {  	_ = 	snop  }
0x6: {  	_ = 	snop  }
0x7: {  	_ = 	snop  }
__scs_overlays_trampoline_lowered:
0x8: {  	[smem:$0x3FA8] =	sst s0  }
0x9: {  	[smem:$0x3FA9] =	sst s1  }
0xa: {  	[smem:$0x3FAA] =	sst s2  }
0xb: {  	[smem:$0x3FAB] =	sst s3  }
0xc: {  	[smem:$0x3FAC] =	sst s4  }
0xd: {  	[smem:$0x3FAD] =	sst s5  }
0xe: {  	[smem:$0x3FAE] =	sst s6  }
0xf: {  	[smem:$0x3FAF] =	sst s7  }
0x10: {  	[smem:$0x3FB0] =	sst s8  }
0x11: {  	[smem:$0x3FB1] =	sst s9;
	s0 =	simm.s32 @!p0 $0x0  }
0x12: {  	s1 =	sld [smem:$0x3F97];
	s0 =	simm.s32 @p0 $0x1  }
0x13: {  	[smem:$0x3FB2] =	sst s0;
	s0 =	simm.s32 @!p1 $0x0  }
0x14: {  	s2 =	sld [smem:$0x3F96];
	s0 =	simm.s32 @p1 $0x1  }
0x15: {  	[smem:$0x3FB3] =	sst s0;
	s0 =	simm.s32 @!p2 $0x0  }
0x16: {  	s3 =	sld [smem:$0x3FDB];
	s0 =	simm.s32 @p2 $0x1  }
0x17: {  	s4 =	simm.s32 $0x1BF5;
	[smem:$0x3FB5] =	sst s0  }
0x18: {  	s0 =	sld [smem:$0x3F98];
	_ =	swait.ge [sflag:s4], $0x0  }
0x19: {  	s7 =	sld [smem:$0x3F99]  }
0x1a: {  	s8 =	sadd.s32 $0xFFFFE003, lr  }
0x1b: {  	s9 =	sadd.s32 $0xFFFFFEF7, lr;
	s5 =	simm.s32 $0xFFFFFFFF;
	p2 =	slt.u32 s8, $0xFFFFF086  }
0x1c: {  	p1 =	slt.u32 s9, $0xF7A;
	s5 =	simm.s32 @!p2 $0x0  }
0x1d: {  	s5 =	simm.s32 @p1 $0x1;
	p0 =	seq.s32 s7, s2  }
0x1e: {  	s7 =	smul.u32 @!p0 $0xF7A, s2;
	p2 =	seq.s32 @!p0 s5, $0x0  }
0x1f: {  	s9 =	smul.u32 $0xF7A, s1;
	s8 =	simm.s32 @!p0 $0x1BF5;
	p2 =	por !p2, p0  }
0x20: {  	[sflag:s8] =	ssyncset.s32 @!p0 $0xFFFFF086;
	s6 =	sadd.s32 @!p0 s3, s7;
	s7 =	simm.s32 @!p0 $0x108  }
0x21: {  	s3 =	sadd.s32 s3, s9;
	s6 =	sadd.s32 @!p0 $0x88, s6;
	s7 =	simm.s32 @p2 $0x1082  }
0x22: {  	[simem:s7], [sflag:s8] =	dma.local @!p0 [hbm:s6], $0xF7A  }
0x23: {  	s9 =	sor.u32 $0xD0000000, s2;
	s6 =	simm.s32 $0x108;
	_ =	swait.ge @!p0 [sflag:s8], $0x0  }
0x24: {  	s3 =	sadd.s32 $0x88, s3;
	s6 =	simm.s32 @!p1 $0x1082;
	[sflag:s4] =	ssyncset.s32 $0xFFFFF086  }
0x25: {  	[simem:s6], [sflag:s4] =	dma.local [hbm:s3], $0xF7A  }
0x26: {  	[smem:$0x3F99] =	sst s1;
	(tag) =	ssettag s2;
	_ =	strace s9  }
0x27: {  	s1 =	sld [smem:$0x3FA9]  }
0x28: {  	s2 =	sld [smem:$0x3FAA]  }
0x29: {  	s4 =	sld [smem:$0x3FAC]  }
0x2a: {  	p0 =	seq.s32 s5, $0x0;
	s5 =	sld [smem:$0x3FAD]  }
0x2b: {  	s6 =	sld [smem:$0x3FAE]  }
0x2c: {  	s7 =	sld [smem:$0x3FAF]  }
0x2d: {  	s3 =	simm.s32 $0x108;
	s8 =	sld [smem:$0x3FB0]  }
0x2e: {  	s3 =	simm.s32 @!p0 $0x1082;
	s9 =	sld [smem:$0x3FB1]  }
0x2f: {  	lr =	sadd.s32 s0, s3;
	s0 =	sld [smem:$0x3FA8]  }
0x30: {  	s3 =	sld [smem:$0x3FAB]  }
0x31: {  	[smem:$0x3FB4] =	sst s10  }
0x32: {  	s10 =	sld [smem:$0x3FB2];
	_ =	sdelay $0x3  }
0x33: {  	p0 =	seq.s32 s10, $0x1;
	s10 =	sld [smem:$0x3FB4];
	_ =	sdelay $0x3  }
0x34: {  	[smem:$0x3FB4] =	sst s10  }
0x35: {  	s10 =	sld [smem:$0x3FB3];
	_ =	sdelay $0x3  }
0x36: {  	p1 =	seq.s32 s10, $0x1;
	s10 =	sld [smem:$0x3FB4];
	_ =	sdelay $0x3  }
0x37: {  	[smem:$0x3FB4] =	sst s10  }
0x38: {  	s10 =	sld [smem:$0x3FB5]  }
0x39: {  	_ = 	snop;
	(pc) =	sbr.ind lr, $3  }
0x3a: {  	_ = 	snop  }
0x3b: {  	_ = 	snop  }
0x3c: {  	p2 =	seq.s32 s10, $0x1;
	s10 =	sld [smem:$0x3FB4]  }
0x3d: {  	_ =	shalt  }
0x3e: {  	_ =	shalt  }
0x3f: {  	_ =	shalt  }
0x40: {  	_ =	shalt  }
0x41: {  	_ =	shalt  }
0x42: {  	_ =	shalt  }
0x43: {  	_ =	shalt  }
0x44: {  	_ =	shalt  }
0x45: {  	_ =	shalt  }
0x46: {  	_ =	shalt  }
0x47: {  	_ =	shalt  }
0x48: {  	_ =	shalt  }
0x49: {  	_ =	shalt  }
0x4a: {  	_ =	shalt  }
0x4b: {  	_ =	shalt  }
0x4c: {  	_ =	shalt  }
0x4d: {  	_ =	shalt  }
0x4e: {  	_ =	shalt  }
0x4f: {  	_ =	shalt  }
0x50: {  	_ =	shalt  }
0x51: {  	_ =	shalt  }
0x52: {  	_ =	shalt  }
0x53: {  	_ =	shalt  }
0x54: {  	_ =	shalt  }
0x55: {  	_ =	shalt  }
0x56: {  	_ =	shalt  }
0x57: {  	_ =	shalt  }
0x58: {  	_ =	shalt  }
0x59: {  	_ =	shalt  }
0x5a: {  	_ =	shalt  }
0x5b: {  	_ =	shalt  }
0x5c: {  	_ =	shalt  }
0x5d: {  	_ =	shalt  }
0x5e: {  	_ =	shalt  }
0x5f: {  	_ =	shalt  }
0x60: {  	_ =	shalt  }
0x61: {  	_ =	shalt  }
0x62: {  	_ =	shalt  }
0x63: {  	_ =	shalt  }
0x64: {  	_ =	shalt  }
0x65: {  	_ =	shalt  }
0x66: {  	_ =	shalt  }
0x67: {  	_ =	shalt  }
0x68: {  	_ =	shalt  }
0x69: {  	_ =	shalt  }
0x6a: {  	_ =	shalt  }
0x6b: {  	_ =	shalt  }
0x6c: {  	_ =	shalt  }
0x6d: {  	_ =	shalt  }
0x6e: {  	_ =	shalt  }
0x6f: {  	_ =	shalt  }
0x70: {  	_ =	shalt  }
0x71: {  	_ =	shalt  }
0x72: {  	_ =	shalt  }
0x73: {  	_ =	shalt  }
0x74: {  	_ =	shalt  }
0x75: {  	_ =	shalt  }
0x76: {  	_ =	shalt  }
0x77: {  	_ =	shalt  }
0x78: {  	_ =	shalt  }
0x79: {  	_ =	shalt  }
0x7a: {  	_ =	shalt  }
0x7b: {  	_ =	shalt  }
0x7c: {  	_ =	shalt  }
0x7d: {  	_ =	shalt  }
0x7e: {  	_ =	shalt  }
0x7f: {  	_ =	shalt  }
0x80: {  	_ =	shalt  }
0x81: {  	_ =	shalt  }
0x82: {  	_ =	shalt  }
0x83: {  	_ =	shalt  }
0x84: {  	_ =	shalt  }
0x85: {  	_ =	shalt  }
0x86: {  	_ =	shalt  }
0x87: {  	_ =	shalt  }
.Lfunc_end0:
.L_simem_size_0:
called_computation_lowered:
.L_overlay_start_0:
0x88: {  	s2 =	sld [smem:$0x3FD9]  }
0x89: {  	s3 =	sld [smem:$0x3FFE];
	_ =	sdelay $0x1  }
0x8a: {  	s1 =	srdreg.scid  }
0x8b: {  	s0 =	sand.u32 $0x1, s1  }
0x8c: {  	s17 =	sshll.u32 s0, $0xA;
	s2 =	sadd.s32 s3, s2  }
0x8d: {  	s2 =	sadd.s32 s2, s17  }
0x8e: {  	[smem:$0x3FC0] =	sst s2  }
0x8f: {  	_ = 	snop  }
0x90: {  	s2 =	sld [smem:$0x3FD0];
	(tm) =	ssettm $0x1  }
0x91: {  	s18 =	sld [smem:$0x3FFB];
	_ =	sdelay $0x3  }
0x92: {  	_ =	strace s18  }
0x93: {  	s3 =	sld [smem:$0x3FFC];
	_ =	sdelay $0x3  }
0x94: {  	_ =	strace s3  }
0x95: {  	s3 =	sld [smem:$0x3FFD];
	_ =	sdelay $0x3  }
0x96: {  	_ =	strace s3  }
0x97: {  	_ =	strace $0x8FFFFFFF  }
0x98: {  	s19 =	sld [smem:$0x3FDB];
	_ =	sdelay $0x1  }
0x99: {  	s4 =	simm.s32 $_scs_section_size  }
0x9a: {  	s5 =	simm.s32 $_size__tile_overlayer_lowered;
	s6 =	simm.s32 $_tile_overlayer_lowered  }
0x9b: {  	s22 =	simm.s32 $0x1BFF;
	s21 =	sshll.u32 s6, $0x1;
	s3 =	sadd.s32 s4, s19  }
0x9c: {  	s7 =	simm.s32 $0x0;
	s20 =	sshll.u32 s5, $0x1;
	s5 =	sadd.s32 s21, s3  }
0x9d: {  	[timem:s7], [sflag:s22] =	dma.local [hbm:s5], s20  }
0x9e: {  	_ =	swait.ge [sflag:s22], s20  }
0x9f: {  	s4 =	ssub.s32 $0x0, s20;
	[sflag:s22] =	ssyncset.done $0x0  }
0xa0: {  	[sflag:s22] =	ssyncadd.s32 s4;
	_ =	sdelay $0x1  }
0xa1: {  	s23 =	simm.s32 $0x1B8B  }
0xa2: {  	_ =	swait.ge [sflag:s23], $0x1  }
0xa3: {  	[sflag:s23] =	ssyncset.done $0x0  }
0xa4: {  	s25 =	simm.s32 $0x1B8E;
	s24 =	sld [smem:$0x3FFE];
	[sflag:s23] =	ssyncadd.s32 $0xFFFFFFFF  }
0xa5: {  	s26 =	simm.s32 $execute0_lowered;
	[smem:$0x3FD2] =	sst s25  }
0xa6: {  	s5 =	sshll.u32 s26, $0x1;
	_ =	strace $0x80000046;
	[dreg:$0x1] =	wrdreg $0xFFFFFFFF  }
0xa7: {  	s28 =	simm.s32 $_size_execute0_lowered;
	s3 =	sadd.s32 s3, s5;
	[dreg:$0x0] =	wrdreg $0x0  }
0xa8: {  	s5 =	sshll.u32 s28, $0x1;
	[dreg:$0x2] =	wrdreg s3  }
0xa9: {  	[dreg:$0x3] =	wrdreg s5  }
0xaa: {  	[dreg:$0x4] =	wrdreg $0xC0  }
0xab: {  	_ =	task [dreg:s7], $0x5FFFF  }
0xac: {  	[dreg:$0x1] =	wrdreg $0xFFFFFFFF  }
0xad: {  	[dreg:$0x0] =	wrdreg $0x60  }
0xae: {  	[dreg:$0x2] =	wrdreg s24  }
0xaf: {  	[dreg:$0x3] =	wrdreg s2  }
0xb0: {  	[dreg:$0x4] =	wrdreg $0x9  }
0xb1: {  	_ =	task.clear_ibuf [dreg:s7], $0x5FFFF;
	_ =	strace $0x90000046  }
0xb2: {  	s29 =	simm.s32 $0x9;
	_ =	strace $0x80000048  }
0xb3: {  	_ =	swait.ge [sflag:s29], $0x1  }
0xb4: {  	[sflag:s29] =	ssyncadd.s32 $0xFFFFFFFF  }
0xb5: {  	_ =	strace $0x90000048  }
0xb6: {  	_ =	sfence  }
0xb7: {  	s30 =	sld [smem:$0x0];
	_ =	sdelay $0x2  }
0xb8: {  	s31 =	sshll.u32 s1, $0xD;
	s1 =	sshrl.u32 s1, $0x2  }
0xb9: {  	s3 =	sand.u32 $0x4000, s31;
	s1 =	sadd.s32 s1, s30  }
0xba: {  	s0 =	sor.u32 s3, s0;
	s1 =	sshll.u32 s1, $0x11  }
0xbb: {  	s0 =	sor.u32 s1, s0  }
0xbc: {  	s0 =	sadd.s32 $0x8F2B, s0  }
0xbd: {  	[sflag:s0] =	ssyncadd.remote.s32 $0x1  }
0xbe: {  	_ =	sfence.sel $0xFFFF  }
0xbf: {  	[dreg:$0x0] =	wrdreg $0xFFFFFFFF;
	(pc) =	sbr.abs _section_cstart, $3  }
0xc0: {  	[dreg:$0x1] =	wrdreg $0xFFFFFFFF  }
0xc1: {  	_ =	task.clear_ibuf [dreg:s7], $0x2FFFF;
	_ =	strace $0x9FFFFFFF  }
0xc2: {  	(tm) =	ssettm $0x7FFFFFFF  }
0xc3: {  	_ =	shalt  }
tec
execute0_lowered:
.L_overlay_start_1:
0x0: {  	(tag) =	ssettag $0x1  }
0x1: {  	s4 =	rddreg [dreg:$0x0]  }
0x2: {  	s30 =	rddreg [dreg:$0x1];
	s0 =	srdreg.scid;
	s2 =	simm.s32 $0x0  }
0x3: {  	s1 =	stileid.u32;
	s3 =	sand.u32 $0x1, s0;
	[smem:$0x7FF] =	sst s2  }
0x4: {  	s5 =	sshll.u32 s1, $0xE;
	[dreg:$0xb] =	wrdreg s3;
	s6 =	sshll.u32 s3, $0xD  }
0x5: {  	s0 =	sadd.s32 $0x82000, s4;
	s1 =	sor.u32 s6, s5;
	_ =	strace $0x80000047  }
0x6: {  	[dreg:$0xc] =	wrdreg s0;
	s7 =	sshrl.u32 s1, $0x3;
	s5 =	sshll.u32 s1, $0x4  }
0x7: {  	s9 =	sor.u32 $0x200, s1;
	s6 =	sor.u32 $0x400, s1;
	s3 =	sadd.s32 s30, s7  }
0x8: {  	s8 =	sadd.s32 s0, s5;
	s10 =	sshrl.u32 s9, $0x3;
	[dreg:$0x3] =	wrdreg s3  }
0x9: {  	s5 =	sshll.u32 s9, $0x4;
	[dreg:$0x4] =	wrdreg s8;
	s3 =	sadd.s32 s30, s10  }
0xa: {  	s12 =	sshrl.u32 s6, $0x3;
	s11 =	sadd.s32 s0, s5;
	[dreg:$0x5] =	wrdreg s3  }
0xb: {  	s14 =	sshll.u32 s6, $0x4;
	s13 =	sadd.s32 s30, s12;
	[dreg:$0x6] =	wrdreg s11  }
0xc: {  	s16 =	sor.u32 $0x600, s1;
	s15 =	sadd.s32 s0, s14;
	[dreg:$0x7] =	wrdreg s13  }
0xd: {  	s17 =	sshrl.u32 s16, $0x3;
	[dreg:$0x8] =	wrdreg s15  }
0xe: {  	s5 =	sshll.u32 s16, $0x4;
	s3 =	sadd.s32 s30, s17;
	s18 =	rddreg [dreg:$0x3]  }
0xf: {  	s19 =	sadd.s32 s0, s5;
	[dreg:$0x9] =	wrdreg s3  }
0x10: {  	[dreg:$0xa] =	wrdreg s19;
	s3 =	simm.s32 $0x2  }
0x11: {  	[tilespmem:s2], [sflag:$0x2] =	stream.linear.gather [hbm4b:s18+s2], $0x200, $0x38;
	[tilespmem:$0x10200] =	vst v63  }
0x12: {  	_ =	swait.ge [sflag:s3], $0x200  }
0x13: {  	s4 =	sadd.s32 $0x41E00, s4;
	[sflag:s3] =	ssyncset.done $0x0  }
0x14: {  	s6 =	simm.s32 $0x1;
	s5 =	simm.s32 $0x200;
	[sflag:s3] =	ssyncadd.s32 $0xFFFFFE00  }
0x15: {  	[tilespmem:s5], [sflag:$0x1] =	stream.indirect.gather [hbm4b:s4+s5], $0x80, s2, s5, $0xb8;
	[tilespmem:$0x10200] =	vst v63  }
0x16: {  	_ =	swait.ge [sflag:s6], $0x10000  }
0x17: {  	[sflag:s6] =	ssyncset.done $0x0  }
0x18: {  	s7 =	rddreg [dreg:$0x4];
	[sflag:s6] =	ssyncadd.s32 $0xFFFF0000  }
0x19: {  	[hbm4b:s7+s2] =	stream.linear.scatter [tilespmem:s5], [sflag:$0x2], $0x10000, $0x38;
	[tilespmem:$0x10200] =	vst v63  }
0x1a: {  	_ =	swait.ge [sflag:s3], $0x10000  }
0x1b: {  	[sflag:s3] =	ssyncset.done $0x0  }
0x1c: {  	s20 =	rddreg [dreg:$0x5];
	[sflag:s3] =	ssyncadd.s32 $0xFFFF0000  }
0x1d: {  	[tilespmem:s2], [sflag:$0x2] =	stream.linear.gather [hbm4b:s20+s2], $0x200, $0x38;
	[tilespmem:$0x10200] =	vst v63  }
0x1e: {  	_ =	swait.ge [sflag:s3], $0x200  }
0x1f: {  	[sflag:s3] =	ssyncset.done $0x0  }
0x20: {  	[sflag:s3] =	ssyncadd.s32 $0xFFFFFE00  }
0x21: {  	[tilespmem:s5], [sflag:$0x1] =	stream.indirect.gather [hbm4b:s4+s5], $0x80, s2, s5, $0xb8;
	[tilespmem:$0x10200] =	vst v63  }
0x22: {  	_ =	swait.ge [sflag:s6], $0x10000  }
0x23: {  	[sflag:s6] =	ssyncset.done $0x0  }
0x24: {  	s21 =	rddreg [dreg:$0x6];
	[sflag:s6] =	ssyncadd.s32 $0xFFFF0000  }
0x25: {  	[hbm4b:s21+s2] =	stream.linear.scatter [tilespmem:s5], [sflag:$0x2], $0x10000, $0x38;
	[tilespmem:$0x10200] =	vst v63  }
0x26: {  	_ =	swait.ge [sflag:s3], $0x10000  }
0x27: {  	[sflag:s3] =	ssyncset.done $0x0  }
0x28: {  	s22 =	rddreg [dreg:$0x7];
	[sflag:s3] =	ssyncadd.s32 $0xFFFF0000  }
0x29: {  	[tilespmem:s2], [sflag:$0x2] =	stream.linear.gather [hbm4b:s22+s2], $0x200, $0x38;
	[tilespmem:$0x10200] =	vst v63  }
0x2a: {  	_ =	swait.ge [sflag:s3], $0x200  }
0x2b: {  	[sflag:s3] =	ssyncset.done $0x0  }
0x2c: {  	[sflag:s3] =	ssyncadd.s32 $0xFFFFFE00  }
0x2d: {  	[tilespmem:s5], [sflag:$0x1] =	stream.indirect.gather [hbm4b:s4+s5], $0x80, s2, s5, $0xb8;
	[tilespmem:$0x10200] =	vst v63  }
0x2e: {  	_ =	swait.ge [sflag:s6], $0x10000  }
0x2f: {  	[sflag:s6] =	ssyncset.done $0x0  }
0x30: {  	s23 =	rddreg [dreg:$0x8];
	[sflag:s6] =	ssyncadd.s32 $0xFFFF0000  }
0x31: {  	[hbm4b:s23+s2] =	stream.linear.scatter [tilespmem:s5], [sflag:$0x2], $0x10000, $0x38;
	[tilespmem:$0x10200] =	vst v63  }
0x32: {  	_ =	swait.ge [sflag:s3], $0x10000  }
0x33: {  	[sflag:s3] =	ssyncset.done $0x0  }
0x34: {  	s24 =	rddreg [dreg:$0x9];
	[sflag:s3] =	ssyncadd.s32 $0xFFFF0000  }
0x35: {  	[tilespmem:s2], [sflag:$0x2] =	stream.linear.gather [hbm4b:s24+s2], $0x200, $0x38;
	[tilespmem:$0x10200] =	vst v63  }
0x36: {  	_ =	swait.ge [sflag:s3], $0x200  }
0x37: {  	[sflag:s3] =	ssyncset.done $0x0  }
0x38: {  	[sflag:s3] =	ssyncadd.s32 $0xFFFFFE00  }
0x39: {  	[tilespmem:s5], [sflag:$0x1] =	stream.indirect.gather [hbm4b:s4+s5], $0x80, s2, s5, $0xb8;
	[tilespmem:$0x10200] =	vst v63  }
0x3a: {  	_ =	swait.ge [sflag:s6], $0x10000  }
0x3b: {  	[sflag:s6] =	ssyncset.done $0x0  }
0x3c: {  	s25 =	rddreg [dreg:$0xa];
	[sflag:s6] =	ssyncadd.s32 $0xFFFF0000  }
0x3d: {  	[hbm4b:s25+s2] =	stream.linear.scatter [tilespmem:s5], [sflag:$0x2], $0x10000, $0x38;
	[tilespmem:$0x10200] =	vst v63  }
0x3e: {  	s8 =	sor.u32 $0x800, s1;
	_ =	swait.ge [sflag:s3], $0x10000  }
0x3f: {  	s26 =	sshrl.u32 s8, $0x3;
	[sflag:s3] =	ssyncset.done $0x0  }
0x40: {  	s7 =	sadd.s32 s30, s26;
	[sflag:s3] =	ssyncadd.s32 $0xFFFF0000  }
0x41: {  	[tilespmem:s2], [sflag:$0x2] =	stream.linear.gather [hbm4b:s7+s2], $0x200, $0x38;
	[tilespmem:$0x10200] =	vst v63  }
0x42: {  	_ =	swait.ge [sflag:s3], $0x200  }
0x43: {  	[sflag:s3] =	ssyncset.done $0x0  }
0x44: {  	[sflag:s3] =	ssyncadd.s32 $0xFFFFFE00  }
0x45: {  	[tilespmem:s5], [sflag:$0x1] =	stream.indirect.gather [hbm4b:s4+s5], $0x80, s2, s5, $0xb8;
	[tilespmem:$0x10200] =	vst v63  }
0x46: {  	_ =	swait.ge [sflag:s6], $0x10000  }
0x47: {  	s8 =	sshll.u32 s8, $0x4;
	[sflag:s6] =	ssyncset.done $0x0  }
0x48: {  	s8 =	sadd.s32 s0, s8;
	[sflag:s6] =	ssyncadd.s32 $0xFFFF0000  }
0x49: {  	[hbm4b:s8+s2] =	stream.linear.scatter [tilespmem:s5], [sflag:$0x2], $0x10000, $0x38;
	[tilespmem:$0x10200] =	vst v63  }
0x4a: {  	s10 =	sor.u32 $0xA00, s1;
	_ =	swait.ge [sflag:s3], $0x10000  }
0x4b: {  	s9 =	sshrl.u32 s10, $0x3;
	[sflag:s3] =	ssyncset.done $0x0  }
0x4c: {  	s9 =	sadd.s32 s30, s9;
	[sflag:s3] =	ssyncadd.s32 $0xFFFF0000  }
0x4d: {  	[tilespmem:s2], [sflag:$0x2] =	stream.linear.gather [hbm4b:s9+s2], $0x200, $0x38;
	[tilespmem:$0x10200] =	vst v63  }
0x4e: {  	_ =	swait.ge [sflag:s3], $0x200  }
0x4f: {  	[sflag:s3] =	ssyncset.done $0x0  }
0x50: {  	[sflag:s3] =	ssyncadd.s32 $0xFFFFFE00  }
0x51: {  	[tilespmem:s5], [sflag:$0x1] =	stream.indirect.gather [hbm4b:s4+s5], $0x80, s2, s5, $0xb8;
	[tilespmem:$0x10200] =	vst v63  }
0x52: {  	_ =	swait.ge [sflag:s6], $0x10000  }
0x53: {  	s10 =	sshll.u32 s10, $0x4;
	[sflag:s6] =	ssyncset.done $0x0  }
0x54: {  	s10 =	sadd.s32 s0, s10;
	[sflag:s6] =	ssyncadd.s32 $0xFFFF0000  }
0x55: {  	[hbm4b:s10+s2] =	stream.linear.scatter [tilespmem:s5], [sflag:$0x2], $0x10000, $0x38;
	[tilespmem:$0x10200] =	vst v63  }
0x56: {  	s12 =	sor.u32 $0xC00, s1;
	_ =	swait.ge [sflag:s3], $0x10000  }
0x57: {  	s11 =	sshrl.u32 s12, $0x3;
	[sflag:s3] =	ssyncset.done $0x0  }
0x58: {  	s11 =	sadd.s32 s30, s11;
	[sflag:s3] =	ssyncadd.s32 $0xFFFF0000  }
0x59: {  	[tilespmem:s2], [sflag:$0x2] =	stream.linear.gather [hbm4b:s11+s2], $0x200, $0x38;
	[tilespmem:$0x10200] =	vst v63  }
0x5a: {  	_ =	swait.ge [sflag:s3], $0x200  }
0x5b: {  	[sflag:s3] =	ssyncset.done $0x0  }
0x5c: {  	[sflag:s3] =	ssyncadd.s32 $0xFFFFFE00  }
0x5d: {  	[tilespmem:s5], [sflag:$0x1] =	stream.indirect.gather [hbm4b:s4+s5], $0x80, s2, s5, $0xb8;
	[tilespmem:$0x10200] =	vst v63  }
0x5e: {  	_ =	swait.ge [sflag:s6], $0x10000  }
0x5f: {  	s12 =	sshll.u32 s12, $0x4;
	[sflag:s6] =	ssyncset.done $0x0  }
0x60: {  	s12 =	sadd.s32 s0, s12;
	[sflag:s6] =	ssyncadd.s32 $0xFFFF0000  }
0x61: {  	[hbm4b:s12+s2] =	stream.linear.scatter [tilespmem:s5], [sflag:$0x2], $0x10000, $0x38;
	[tilespmem:$0x10200] =	vst v63  }
0x62: {  	s14 =	sor.u32 $0xE00, s1;
	_ =	swait.ge [sflag:s3], $0x10000  }
0x63: {  	s13 =	sshrl.u32 s14, $0x3;
	[sflag:s3] =	ssyncset.done $0x0  }
0x64: {  	s13 =	sadd.s32 s30, s13;
	[sflag:s3] =	ssyncadd.s32 $0xFFFF0000  }
0x65: {  	[tilespmem:s2], [sflag:$0x2] =	stream.linear.gather [hbm4b:s13+s2], $0x200, $0x38;
	[tilespmem:$0x10200] =	vst v63  }
0x66: {  	_ =	swait.ge [sflag:s3], $0x200  }
0x67: {  	[sflag:s3] =	ssyncset.done $0x0  }
0x68: {  	[sflag:s3] =	ssyncadd.s32 $0xFFFFFE00  }
0x69: {  	[tilespmem:s5], [sflag:$0x1] =	stream.indirect.gather [hbm4b:s4+s5], $0x80, s2, s5, $0xb8;
	[tilespmem:$0x10200] =	vst v63  }
0x6a: {  	_ =	swait.ge [sflag:s6], $0x10000  }
0x6b: {  	s14 =	sshll.u32 s14, $0x4;
	[sflag:s6] =	ssyncset.done $0x0  }
0x6c: {  	s14 =	sadd.s32 s0, s14;
	[sflag:s6] =	ssyncadd.s32 $0xFFFF0000  }
0x6d: {  	[hbm4b:s14+s2] =	stream.linear.scatter [tilespmem:s5], [sflag:$0x2], $0x10000, $0x38;
	[tilespmem:$0x10200] =	vst v63  }
0x6e: {  	s16 =	sor.u32 $0x1000, s1;
	_ =	swait.ge [sflag:s3], $0x10000  }
0x6f: {  	s15 =	sshrl.u32 s16, $0x3;
	[sflag:s3] =	ssyncset.done $0x0  }
0x70: {  	s15 =	sadd.s32 s30, s15;
	[sflag:s3] =	ssyncadd.s32 $0xFFFF0000  }
0x71: {  	[tilespmem:s2], [sflag:$0x2] =	stream.linear.gather [hbm4b:s15+s2], $0x200, $0x38;
	[tilespmem:$0x10200] =	vst v63  }
0x72: {  	_ =	swait.ge [sflag:s3], $0x200  }
0x73: {  	[sflag:s3] =	ssyncset.done $0x0  }
0x74: {  	[sflag:s3] =	ssyncadd.s32 $0xFFFFFE00  }
0x75: {  	[tilespmem:s5], [sflag:$0x1] =	stream.indirect.gather [hbm4b:s4+s5], $0x80, s2, s5, $0xb8;
	[tilespmem:$0x10200] =	vst v63  }
0x76: {  	_ =	swait.ge [sflag:s6], $0x10000  }
0x77: {  	s16 =	sshll.u32 s16, $0x4;
	[sflag:s6] =	ssyncset.done $0x0  }
0x78: {  	s16 =	sadd.s32 s0, s16;
	[sflag:s6] =	ssyncadd.s32 $0xFFFF0000  }
0x79: {  	[hbm4b:s16+s2] =	stream.linear.scatter [tilespmem:s5], [sflag:$0x2], $0x10000, $0x38;
	[tilespmem:$0x10200] =	vst v63  }
0x7a: {  	s18 =	sor.u32 $0x1200, s1;
	_ =	swait.ge [sflag:s3], $0x10000  }
0x7b: {  	s17 =	sshrl.u32 s18, $0x3;
	[sflag:s3] =	ssyncset.done $0x0  }
0x7c: {  	s17 =	sadd.s32 s30, s17;
	[sflag:s3] =	ssyncadd.s32 $0xFFFF0000  }
0x7d: {  	[tilespmem:s2], [sflag:$0x2] =	stream.linear.gather [hbm4b:s17+s2], $0x200, $0x38;
	[tilespmem:$0x10200] =	vst v63  }
0x7e: {  	_ =	swait.ge [sflag:s3], $0x200  }
0x7f: {  	[sflag:s3] =	ssyncset.done $0x0  }
0x80: {  	[sflag:s3] =	ssyncadd.s32 $0xFFFFFE00  }
0x81: {  	[tilespmem:s5], [sflag:$0x1] =	stream.indirect.gather [hbm4b:s4+s5], $0x80, s2, s5, $0xb8;
	[tilespmem:$0x10200] =	vst v63  }
0x82: {  	_ =	swait.ge [sflag:s6], $0x10000  }
0x83: {  	s18 =	sshll.u32 s18, $0x4;
	[sflag:s6] =	ssyncset.done $0x0  }
0x84: {  	s18 =	sadd.s32 s0, s18;
	[sflag:s6] =	ssyncadd.s32 $0xFFFF0000  }
0x85: {  	[hbm4b:s18+s2] =	stream.linear.scatter [tilespmem:s5], [sflag:$0x2], $0x10000, $0x38;
	[tilespmem:$0x10200] =	vst v63  }
0x86: {  	s20 =	sor.u32 $0x1400, s1;
	_ =	swait.ge [sflag:s3], $0x10000  }
0x87: {  	s19 =	sshrl.u32 s20, $0x3;
	[sflag:s3] =	ssyncset.done $0x0  }
0x88: {  	s19 =	sadd.s32 s30, s19;
	[sflag:s3] =	ssyncadd.s32 $0xFFFF0000  }
0x89: {  	[tilespmem:s2], [sflag:$0x2] =	stream.linear.gather [hbm4b:s19+s2], $0x200, $0x38;
	[tilespmem:$0x10200] =	vst v63  }
0x8a: {  	_ =	swait.ge [sflag:s3], $0x200  }
0x8b: {  	[sflag:s3] =	ssyncset.done $0x0  }
0x8c: {  	[sflag:s3] =	ssyncadd.s32 $0xFFFFFE00  }
0x8d: {  	[tilespmem:s5], [sflag:$0x1] =	stream.indirect.gather [hbm4b:s4+s5], $0x80, s2, s5, $0xb8;
	[tilespmem:$0x10200] =	vst v63  }
0x8e: {  	_ =	swait.ge [sflag:s6], $0x10000  }
0x8f: {  	s20 =	sshll.u32 s20, $0x4;
	[sflag:s6] =	ssyncset.done $0x0  }
0x90: {  	s20 =	sadd.s32 s0, s20;
	[sflag:s6] =	ssyncadd.s32 $0xFFFF0000  }
0x91: {  	[hbm4b:s20+s2] =	stream.linear.scatter [tilespmem:s5], [sflag:$0x2], $0x10000, $0x38;
	[tilespmem:$0x10200] =	vst v63  }
0x92: {  	s22 =	sor.u32 $0x1600, s1;
	_ =	swait.ge [sflag:s3], $0x10000  }
0x93: {  	s21 =	sshrl.u32 s22, $0x3;
	[sflag:s3] =	ssyncset.done $0x0  }
0x94: {  	s21 =	sadd.s32 s30, s21;
	[sflag:s3] =	ssyncadd.s32 $0xFFFF0000  }
0x95: {  	[tilespmem:s2], [sflag:$0x2] =	stream.linear.gather [hbm4b:s21+s2], $0x200, $0x38;
	[tilespmem:$0x10200] =	vst v63  }
0x96: {  	_ =	swait.ge [sflag:s3], $0x200  }
0x97: {  	[sflag:s3] =	ssyncset.done $0x0  }
0x98: {  	[sflag:s3] =	ssyncadd.s32 $0xFFFFFE00  }
0x99: {  	[tilespmem:s5], [sflag:$0x1] =	stream.indirect.gather [hbm4b:s4+s5], $0x80, s2, s5, $0xb8;
	[tilespmem:$0x10200] =	vst v63  }
0x9a: {  	_ =	swait.ge [sflag:s6], $0x10000  }
0x9b: {  	s22 =	sshll.u32 s22, $0x4;
	[sflag:s6] =	ssyncset.done $0x0  }
0x9c: {  	s22 =	sadd.s32 s0, s22;
	[sflag:s6] =	ssyncadd.s32 $0xFFFF0000  }
0x9d: {  	[hbm4b:s22+s2] =	stream.linear.scatter [tilespmem:s5], [sflag:$0x2], $0x10000, $0x38;
	[tilespmem:$0x10200] =	vst v63  }
0x9e: {  	s24 =	sor.u32 $0x1800, s1;
	_ =	swait.ge [sflag:s3], $0x10000  }
0x9f: {  	s23 =	sshrl.u32 s24, $0x3;
	[sflag:s3] =	ssyncset.done $0x0  }
0xa0: {  	s23 =	sadd.s32 s30, s23;
	[sflag:s3] =	ssyncadd.s32 $0xFFFF0000  }
0xa1: {  	[tilespmem:s2], [sflag:$0x2] =	stream.linear.gather [hbm4b:s23+s2], $0x200, $0x38;
	[tilespmem:$0x10200] =	vst v63  }
0xa2: {  	_ =	swait.ge [sflag:s3], $0x200  }
0xa3: {  	[sflag:s3] =	ssyncset.done $0x0  }
0xa4: {  	[sflag:s3] =	ssyncadd.s32 $0xFFFFFE00  }
0xa5: {  	[tilespmem:s5], [sflag:$0x1] =	stream.indirect.gather [hbm4b:s4+s5], $0x80, s2, s5, $0xb8;
	[tilespmem:$0x10200] =	vst v63  }
0xa6: {  	_ =	swait.ge [sflag:s6], $0x10000  }
0xa7: {  	s24 =	sshll.u32 s24, $0x4;
	[sflag:s6] =	ssyncset.done $0x0  }
0xa8: {  	s24 =	sadd.s32 s0, s24;
	[sflag:s6] =	ssyncadd.s32 $0xFFFF0000  }
0xa9: {  	[hbm4b:s24+s2] =	stream.linear.scatter [tilespmem:s5], [sflag:$0x2], $0x10000, $0x38;
	[tilespmem:$0x10200] =	vst v63  }
0xaa: {  	s26 =	sor.u32 $0x1A00, s1;
	_ =	swait.ge [sflag:s3], $0x10000  }
0xab: {  	s25 =	sshrl.u32 s26, $0x3;
	[sflag:s3] =	ssyncset.done $0x0  }
0xac: {  	s25 =	sadd.s32 s30, s25;
	[sflag:s3] =	ssyncadd.s32 $0xFFFF0000  }
0xad: {  	[tilespmem:s2], [sflag:$0x2] =	stream.linear.gather [hbm4b:s25+s2], $0x200, $0x38;
	[tilespmem:$0x10200] =	vst v63  }
0xae: {  	_ =	swait.ge [sflag:s3], $0x200  }
0xaf: {  	[sflag:s3] =	ssyncset.done $0x0  }
0xb0: {  	[sflag:s3] =	ssyncadd.s32 $0xFFFFFE00  }
0xb1: {  	[tilespmem:s5], [sflag:$0x1] =	stream.indirect.gather [hbm4b:s4+s5], $0x80, s2, s5, $0xb8;
	[tilespmem:$0x10200] =	vst v63  }
0xb2: {  	_ =	swait.ge [sflag:s6], $0x10000  }
0xb3: {  	s26 =	sshll.u32 s26, $0x4;
	[sflag:s6] =	ssyncset.done $0x0  }
0xb4: {  	s26 =	sadd.s32 s0, s26;
	[sflag:s6] =	ssyncadd.s32 $0xFFFF0000  }
0xb5: {  	[hbm4b:s26+s2] =	stream.linear.scatter [tilespmem:s5], [sflag:$0x2], $0x10000, $0x38;
	[tilespmem:$0x10200] =	vst v63  }
0xb6: {  	s29 =	sor.u32 $0x1C00, s1;
	_ =	swait.ge [sflag:s3], $0x10000  }
0xb7: {  	s28 =	sshrl.u32 s29, $0x3;
	[sflag:s3] =	ssyncset.done $0x0  }
0xb8: {  	s28 =	sadd.s32 s30, s28;
	[sflag:s3] =	ssyncadd.s32 $0xFFFF0000  }
0xb9: {  	[tilespmem:s2], [sflag:$0x2] =	stream.linear.gather [hbm4b:s28+s2], $0x200, $0x38;
	[tilespmem:$0x10200] =	vst v63  }
0xba: {  	_ =	swait.ge [sflag:s3], $0x200  }
0xbb: {  	[sflag:s3] =	ssyncset.done $0x0  }
0xbc: {  	[sflag:s3] =	ssyncadd.s32 $0xFFFFFE00  }
0xbd: {  	[tilespmem:s5], [sflag:$0x1] =	stream.indirect.gather [hbm4b:s4+s5], $0x80, s2, s5, $0xb8;
	[tilespmem:$0x10200] =	vst v63  }
0xbe: {  	_ =	swait.ge [sflag:s6], $0x10000  }
0xbf: {  	s29 =	sshll.u32 s29, $0x4;
	[sflag:s6] =	ssyncset.done $0x0  }
0xc0: {  	s29 =	sadd.s32 s0, s29;
	[sflag:s6] =	ssyncadd.s32 $0xFFFF0000  }
0xc1: {  	[hbm4b:s29+s2] =	stream.linear.scatter [tilespmem:s5], [sflag:$0x2], $0x10000, $0x38;
	[tilespmem:$0x10200] =	vst v63  }
0xc2: {  	s1 =	sor.u32 $0x1E00, s1;
	_ =	swait.ge [sflag:s3], $0x10000  }
0xc3: {  	s31 =	sshrl.u32 s1, $0x3;
	[sflag:s3] =	ssyncset.done $0x0  }
0xc4: {  	s30 =	sadd.s32 s30, s31;
	[sflag:s3] =	ssyncadd.s32 $0xFFFF0000  }
0xc5: {  	[tilespmem:s2], [sflag:$0x2] =	stream.linear.gather [hbm4b:s30+s2], $0x200, $0x38;
	[tilespmem:$0x10200] =	vst v63  }
0xc6: {  	_ =	swait.ge [sflag:s3], $0x200  }
0xc7: {  	[sflag:s3] =	ssyncset.done $0x0;
	s0 =	rddreg [dreg:$0xb]  }
0xc8: {  	s31 =	ssub.s32 $0x2, s0;
	[sflag:s3] =	ssyncadd.s32 $0xFFFFFE00  }
0xc9: {  	[tilespmem:s5], [sflag:$0x1] =	stream.indirect.gather [hbm4b:s4+s5], $0x80, s2, s5, $0xb8;
	[tilespmem:$0x10200] =	vst v63  }
0xca: {  	s0 =	sshrl.u32 s31, $0x1  }
0xcb: {  	s0 =	ssub.s32 s31, s0  }
0xcc: {  	s0 =	smax.u32 s0, $0x1  }
0xcd: {  	p0 =	sne.s32 s0, $0x1  }
.Ltmp0:
0xce: {  	_ =	swait.ge [sflag:s6], $0x10000;
	(pc) =	sbr.rel @!p0 .LBB2_2-.Ltmp0, $4  }
0xcf: {  	s1 =	sshll.u32 s1, $0x4;
	[sflag:s6] =	ssyncset.done $0x0;
	s31 =	rddreg [dreg:$0xc]  }
0xd0: {  	s31 =	sadd.s32 s31, s1;
	[sflag:s6] =	ssyncadd.s32 $0xFFFF0000  }
0xd1: {  	[hbm4b:s31+s2] =	stream.linear.scatter [tilespmem:s5], [sflag:$0x2], $0x10000, $0x38;
	[tilespmem:$0x10200] =	vst v63  }
0xd2: {  	s0 =	sadd.s32 $0xFFFFFFFF, s0;
	_ =	swait.ge [sflag:s3], $0x10000  }
.LBB2_1:
0xd3: {  	[sflag:s3] =	ssyncset.done $0x0  }
0xd4: {  	s1 =	rddreg [dreg:$0x3];
	[sflag:s3] =	ssyncadd.s32 $0xFFFF0000  }
0xd5: {  	[tilespmem:s2], [sflag:$0x2] =	stream.linear.gather [hbm4b:s1+s2], $0x200, $0x38;
	[tilespmem:$0x10200] =	vst v63  }
0xd6: {  	_ =	swait.ge [sflag:s3], $0x200  }
0xd7: {  	[sflag:s3] =	ssyncset.done $0x0  }
0xd8: {  	[sflag:s3] =	ssyncadd.s32 $0xFFFFFE00  }
0xd9: {  	[tilespmem:s5], [sflag:$0x1] =	stream.indirect.gather [hbm4b:s4+s5], $0x80, s2, s5, $0xb8;
	[tilespmem:$0x10200] =	vst v63  }
0xda: {  	_ =	swait.ge [sflag:s6], $0x10000  }
0xdb: {  	[sflag:s6] =	ssyncset.done $0x0  }
0xdc: {  	s1 =	rddreg [dreg:$0x4];
	[sflag:s6] =	ssyncadd.s32 $0xFFFF0000  }
0xdd: {  	[hbm4b:s1+s2] =	stream.linear.scatter [tilespmem:s5], [sflag:$0x2], $0x10000, $0x38;
	[tilespmem:$0x10200] =	vst v63  }
0xde: {  	_ =	swait.ge [sflag:s3], $0x10000  }
0xdf: {  	[sflag:s3] =	ssyncset.done $0x0  }
0xe0: {  	s1 =	rddreg [dreg:$0x5];
	[sflag:s3] =	ssyncadd.s32 $0xFFFF0000  }
0xe1: {  	[tilespmem:s2], [sflag:$0x2] =	stream.linear.gather [hbm4b:s1+s2], $0x200, $0x38;
	[tilespmem:$0x10200] =	vst v63  }
0xe2: {  	_ =	swait.ge [sflag:s3], $0x200  }
0xe3: {  	[sflag:s3] =	ssyncset.done $0x0  }
0xe4: {  	[sflag:s3] =	ssyncadd.s32 $0xFFFFFE00  }
0xe5: {  	[tilespmem:s5], [sflag:$0x1] =	stream.indirect.gather [hbm4b:s4+s5], $0x80, s2, s5, $0xb8;
	[tilespmem:$0x10200] =	vst v63  }
0xe6: {  	_ =	swait.ge [sflag:s6], $0x10000  }
0xe7: {  	[sflag:s6] =	ssyncset.done $0x0  }
0xe8: {  	s1 =	rddreg [dreg:$0x6];
	[sflag:s6] =	ssyncadd.s32 $0xFFFF0000  }
0xe9: {  	[hbm4b:s1+s2] =	stream.linear.scatter [tilespmem:s5], [sflag:$0x2], $0x10000, $0x38;
	[tilespmem:$0x10200] =	vst v63  }
0xea: {  	_ =	swait.ge [sflag:s3], $0x10000  }
0xeb: {  	[sflag:s3] =	ssyncset.done $0x0  }
0xec: {  	s1 =	rddreg [dreg:$0x7];
	[sflag:s3] =	ssyncadd.s32 $0xFFFF0000  }
0xed: {  	[tilespmem:s2], [sflag:$0x2] =	stream.linear.gather [hbm4b:s1+s2], $0x200, $0x38;
	[tilespmem:$0x10200] =	vst v63  }
0xee: {  	_ =	swait.ge [sflag:s3], $0x200  }
0xef: {  	[sflag:s3] =	ssyncset.done $0x0  }
0xf0: {  	[sflag:s3] =	ssyncadd.s32 $0xFFFFFE00  }
0xf1: {  	[tilespmem:s5], [sflag:$0x1] =	stream.indirect.gather [hbm4b:s4+s5], $0x80, s2, s5, $0xb8;
	[tilespmem:$0x10200] =	vst v63  }
0xf2: {  	_ =	swait.ge [sflag:s6], $0x10000  }
0xf3: {  	[sflag:s6] =	ssyncset.done $0x0  }
0xf4: {  	s1 =	rddreg [dreg:$0x8];
	[sflag:s6] =	ssyncadd.s32 $0xFFFF0000  }
0xf5: {  	[hbm4b:s1+s2] =	stream.linear.scatter [tilespmem:s5], [sflag:$0x2], $0x10000, $0x38;
	[tilespmem:$0x10200] =	vst v63  }
0xf6: {  	_ =	swait.ge [sflag:s3], $0x10000  }
0xf7: {  	[sflag:s3] =	ssyncset.done $0x0  }
0xf8: {  	s1 =	rddreg [dreg:$0x9];
	[sflag:s3] =	ssyncadd.s32 $0xFFFF0000  }
0xf9: {  	[tilespmem:s2], [sflag:$0x2] =	stream.linear.gather [hbm4b:s1+s2], $0x200, $0x38;
	[tilespmem:$0x10200] =	vst v63  }
0xfa: {  	_ =	swait.ge [sflag:s3], $0x200  }
0xfb: {  	[sflag:s3] =	ssyncset.done $0x0  }
0xfc: {  	[sflag:s3] =	ssyncadd.s32 $0xFFFFFE00  }
0xfd: {  	[tilespmem:s5], [sflag:$0x1] =	stream.indirect.gather [hbm4b:s4+s5], $0x80, s2, s5, $0xb8;
	[tilespmem:$0x10200] =	vst v63  }
0xfe: {  	_ =	swait.ge [sflag:s6], $0x10000  }
0xff: {  	[sflag:s6] =	ssyncset.done $0x0  }
0x100: {  	s1 =	rddreg [dreg:$0xa];
	[sflag:s6] =	ssyncadd.s32 $0xFFFF0000  }
0x101: {  	[hbm4b:s1+s2] =	stream.linear.scatter [tilespmem:s5], [sflag:$0x2], $0x10000, $0x38;
	[tilespmem:$0x10200] =	vst v63  }
0x102: {  	_ =	swait.ge [sflag:s3], $0x10000  }
0x103: {  	[sflag:s3] =	ssyncset.done $0x0  }
0x104: {  	[sflag:s3] =	ssyncadd.s32 $0xFFFF0000  }
0x105: {  	[tilespmem:s2], [sflag:$0x2] =	stream.linear.gather [hbm4b:s7+s2], $0x200, $0x38;
	[tilespmem:$0x10200] =	vst v63  }
0x106: {  	_ =	swait.ge [sflag:s3], $0x200  }
0x107: {  	[sflag:s3] =	ssyncset.done $0x0  }
0x108: {  	[sflag:s3] =	ssyncadd.s32 $0xFFFFFE00  }
0x109: {  	[tilespmem:s5], [sflag:$0x1] =	stream.indirect.gather [hbm4b:s4+s5], $0x80, s2, s5, $0xb8;
	[tilespmem:$0x10200] =	vst v63  }
0x10a: {  	_ =	swait.ge [sflag:s6], $0x10000  }
0x10b: {  	[sflag:s6] =	ssyncset.done $0x0  }
0x10c: {  	[sflag:s6] =	ssyncadd.s32 $0xFFFF0000  }
0x10d: {  	[hbm4b:s8+s2] =	stream.linear.scatter [tilespmem:s5], [sflag:$0x2], $0x10000, $0x38;
	[tilespmem:$0x10200] =	vst v63  }
0x10e: {  	_ =	swait.ge [sflag:s3], $0x10000  }
0x10f: {  	[sflag:s3] =	ssyncset.done $0x0  }
0x110: {  	[sflag:s3] =	ssyncadd.s32 $0xFFFF0000  }
0x111: {  	[tilespmem:s2], [sflag:$0x2] =	stream.linear.gather [hbm4b:s9+s2], $0x200, $0x38;
	[tilespmem:$0x10200] =	vst v63  }
0x112: {  	_ =	swait.ge [sflag:s3], $0x200  }
0x113: {  	[sflag:s3] =	ssyncset.done $0x0  }
0x114: {  	[sflag:s3] =	ssyncadd.s32 $0xFFFFFE00  }
0x115: {  	[tilespmem:s5], [sflag:$0x1] =	stream.indirect.gather [hbm4b:s4+s5], $0x80, s2, s5, $0xb8;
	[tilespmem:$0x10200] =	vst v63  }
0x116: {  	_ =	swait.ge [sflag:s6], $0x10000  }
0x117: {  	[sflag:s6] =	ssyncset.done $0x0  }
0x118: {  	[sflag:s6] =	ssyncadd.s32 $0xFFFF0000  }
0x119: {  	[hbm4b:s10+s2] =	stream.linear.scatter [tilespmem:s5], [sflag:$0x2], $0x10000, $0x38;
	[tilespmem:$0x10200] =	vst v63  }
0x11a: {  	_ =	swait.ge [sflag:s3], $0x10000  }
0x11b: {  	[sflag:s3] =	ssyncset.done $0x0  }
0x11c: {  	[sflag:s3] =	ssyncadd.s32 $0xFFFF0000  }
0x11d: {  	[tilespmem:s2], [sflag:$0x2] =	stream.linear.gather [hbm4b:s11+s2], $0x200, $0x38;
	[tilespmem:$0x10200] =	vst v63  }
0x11e: {  	_ =	swait.ge [sflag:s3], $0x200  }
0x11f: {  	[sflag:s3] =	ssyncset.done $0x0  }
0x120: {  	[sflag:s3] =	ssyncadd.s32 $0xFFFFFE00  }
0x121: {  	[tilespmem:s5], [sflag:$0x1] =	stream.indirect.gather [hbm4b:s4+s5], $0x80, s2, s5, $0xb8;
	[tilespmem:$0x10200] =	vst v63  }
0x122: {  	_ =	swait.ge [sflag:s6], $0x10000  }
0x123: {  	[sflag:s6] =	ssyncset.done $0x0  }
0x124: {  	[sflag:s6] =	ssyncadd.s32 $0xFFFF0000  }
0x125: {  	[hbm4b:s12+s2] =	stream.linear.scatter [tilespmem:s5], [sflag:$0x2], $0x10000, $0x38;
	[tilespmem:$0x10200] =	vst v63  }
0x126: {  	_ =	swait.ge [sflag:s3], $0x10000  }
0x127: {  	[sflag:s3] =	ssyncset.done $0x0  }
0x128: {  	[sflag:s3] =	ssyncadd.s32 $0xFFFF0000  }
0x129: {  	[tilespmem:s2], [sflag:$0x2] =	stream.linear.gather [hbm4b:s13+s2], $0x200, $0x38;
	[tilespmem:$0x10200] =	vst v63  }
0x12a: {  	_ =	swait.ge [sflag:s3], $0x200  }
0x12b: {  	[sflag:s3] =	ssyncset.done $0x0  }
0x12c: {  	[sflag:s3] =	ssyncadd.s32 $0xFFFFFE00  }
0x12d: {  	[tilespmem:s5], [sflag:$0x1] =	stream.indirect.gather [hbm4b:s4+s5], $0x80, s2, s5, $0xb8;
	[tilespmem:$0x10200] =	vst v63  }
0x12e: {  	_ =	swait.ge [sflag:s6], $0x10000  }
0x12f: {  	[sflag:s6] =	ssyncset.done $0x0  }
0x130: {  	[sflag:s6] =	ssyncadd.s32 $0xFFFF0000  }
0x131: {  	[hbm4b:s14+s2] =	stream.linear.scatter [tilespmem:s5], [sflag:$0x2], $0x10000, $0x38;
	[tilespmem:$0x10200] =	vst v63  }
0x132: {  	_ =	swait.ge [sflag:s3], $0x10000  }
0x133: {  	[sflag:s3] =	ssyncset.done $0x0  }
0x134: {  	[sflag:s3] =	ssyncadd.s32 $0xFFFF0000  }
0x135: {  	[tilespmem:s2], [sflag:$0x2] =	stream.linear.gather [hbm4b:s15+s2], $0x200, $0x38;
	[tilespmem:$0x10200] =	vst v63  }
0x136: {  	_ =	swait.ge [sflag:s3], $0x200  }
0x137: {  	[sflag:s3] =	ssyncset.done $0x0  }
0x138: {  	[sflag:s3] =	ssyncadd.s32 $0xFFFFFE00  }
0x139: {  	[tilespmem:s5], [sflag:$0x1] =	stream.indirect.gather [hbm4b:s4+s5], $0x80, s2, s5, $0xb8;
	[tilespmem:$0x10200] =	vst v63  }
0x13a: {  	_ =	swait.ge [sflag:s6], $0x10000  }
0x13b: {  	[sflag:s6] =	ssyncset.done $0x0  }
0x13c: {  	[sflag:s6] =	ssyncadd.s32 $0xFFFF0000  }
0x13d: {  	[hbm4b:s16+s2] =	stream.linear.scatter [tilespmem:s5], [sflag:$0x2], $0x10000, $0x38;
	[tilespmem:$0x10200] =	vst v63  }
0x13e: {  	_ =	swait.ge [sflag:s3], $0x10000  }
0x13f: {  	[sflag:s3] =	ssyncset.done $0x0  }
0x140: {  	[sflag:s3] =	ssyncadd.s32 $0xFFFF0000  }
0x141: {  	[tilespmem:s2], [sflag:$0x2] =	stream.linear.gather [hbm4b:s17+s2], $0x200, $0x38;
	[tilespmem:$0x10200] =	vst v63  }
0x142: {  	_ =	swait.ge [sflag:s3], $0x200  }
0x143: {  	[sflag:s3] =	ssyncset.done $0x0  }
0x144: {  	[sflag:s3] =	ssyncadd.s32 $0xFFFFFE00  }
0x145: {  	[tilespmem:s5], [sflag:$0x1] =	stream.indirect.gather [hbm4b:s4+s5], $0x80, s2, s5, $0xb8;
	[tilespmem:$0x10200] =	vst v63  }
0x146: {  	_ =	swait.ge [sflag:s6], $0x10000  }
0x147: {  	[sflag:s6] =	ssyncset.done $0x0  }
0x148: {  	[sflag:s6] =	ssyncadd.s32 $0xFFFF0000  }
0x149: {  	[hbm4b:s18+s2] =	stream.linear.scatter [tilespmem:s5], [sflag:$0x2], $0x10000, $0x38;
	[tilespmem:$0x10200] =	vst v63  }
0x14a: {  	_ =	swait.ge [sflag:s3], $0x10000  }
0x14b: {  	[sflag:s3] =	ssyncset.done $0x0  }
0x14c: {  	[sflag:s3] =	ssyncadd.s32 $0xFFFF0000  }
0x14d: {  	[tilespmem:s2], [sflag:$0x2] =	stream.linear.gather [hbm4b:s19+s2], $0x200, $0x38;
	[tilespmem:$0x10200] =	vst v63  }
0x14e: {  	_ =	swait.ge [sflag:s3], $0x200  }
0x14f: {  	[sflag:s3] =	ssyncset.done $0x0  }
0x150: {  	[sflag:s3] =	ssyncadd.s32 $0xFFFFFE00  }
0x151: {  	[tilespmem:s5], [sflag:$0x1] =	stream.indirect.gather [hbm4b:s4+s5], $0x80, s2, s5, $0xb8;
	[tilespmem:$0x10200] =	vst v63  }
0x152: {  	_ =	swait.ge [sflag:s6], $0x10000  }
0x153: {  	[sflag:s6] =	ssyncset.done $0x0  }
0x154: {  	[sflag:s6] =	ssyncadd.s32 $0xFFFF0000  }
0x155: {  	[hbm4b:s20+s2] =	stream.linear.scatter [tilespmem:s5], [sflag:$0x2], $0x10000, $0x38;
	[tilespmem:$0x10200] =	vst v63  }
0x156: {  	_ =	swait.ge [sflag:s3], $0x10000  }
0x157: {  	[sflag:s3] =	ssyncset.done $0x0  }
0x158: {  	[sflag:s3] =	ssyncadd.s32 $0xFFFF0000  }
0x159: {  	[tilespmem:s2], [sflag:$0x2] =	stream.linear.gather [hbm4b:s21+s2], $0x200, $0x38;
	[tilespmem:$0x10200] =	vst v63  }
0x15a: {  	_ =	swait.ge [sflag:s3], $0x200  }
0x15b: {  	[sflag:s3] =	ssyncset.done $0x0  }
0x15c: {  	[sflag:s3] =	ssyncadd.s32 $0xFFFFFE00  }
0x15d: {  	[tilespmem:s5], [sflag:$0x1] =	stream.indirect.gather [hbm4b:s4+s5], $0x80, s2, s5, $0xb8;
	[tilespmem:$0x10200] =	vst v63  }
0x15e: {  	_ =	swait.ge [sflag:s6], $0x10000  }
0x15f: {  	[sflag:s6] =	ssyncset.done $0x0  }
0x160: {  	[sflag:s6] =	ssyncadd.s32 $0xFFFF0000  }
0x161: {  	[hbm4b:s22+s2] =	stream.linear.scatter [tilespmem:s5], [sflag:$0x2], $0x10000, $0x38;
	[tilespmem:$0x10200] =	vst v63  }
0x162: {  	_ =	swait.ge [sflag:s3], $0x10000  }
0x163: {  	[sflag:s3] =	ssyncset.done $0x0  }
0x164: {  	[sflag:s3] =	ssyncadd.s32 $0xFFFF0000  }
0x165: {  	[tilespmem:s2], [sflag:$0x2] =	stream.linear.gather [hbm4b:s23+s2], $0x200, $0x38;
	[tilespmem:$0x10200] =	vst v63  }
0x166: {  	_ =	swait.ge [sflag:s3], $0x200  }
0x167: {  	[sflag:s3] =	ssyncset.done $0x0  }
0x168: {  	[sflag:s3] =	ssyncadd.s32 $0xFFFFFE00  }
0x169: {  	[tilespmem:s5], [sflag:$0x1] =	stream.indirect.gather [hbm4b:s4+s5], $0x80, s2, s5, $0xb8;
	[tilespmem:$0x10200] =	vst v63  }
0x16a: {  	_ =	swait.ge [sflag:s6], $0x10000  }
0x16b: {  	[sflag:s6] =	ssyncset.done $0x0  }
0x16c: {  	[sflag:s6] =	ssyncadd.s32 $0xFFFF0000  }
0x16d: {  	[hbm4b:s24+s2] =	stream.linear.scatter [tilespmem:s5], [sflag:$0x2], $0x10000, $0x38;
	[tilespmem:$0x10200] =	vst v63  }
0x16e: {  	_ =	swait.ge [sflag:s3], $0x10000  }
0x16f: {  	[sflag:s3] =	ssyncset.done $0x0  }
0x170: {  	[sflag:s3] =	ssyncadd.s32 $0xFFFF0000  }
0x171: {  	[tilespmem:s2], [sflag:$0x2] =	stream.linear.gather [hbm4b:s25+s2], $0x200, $0x38;
	[tilespmem:$0x10200] =	vst v63  }
0x172: {  	_ =	swait.ge [sflag:s3], $0x200  }
0x173: {  	[sflag:s3] =	ssyncset.done $0x0  }
0x174: {  	[sflag:s3] =	ssyncadd.s32 $0xFFFFFE00  }
0x175: {  	[tilespmem:s5], [sflag:$0x1] =	stream.indirect.gather [hbm4b:s4+s5], $0x80, s2, s5, $0xb8;
	[tilespmem:$0x10200] =	vst v63  }
0x176: {  	_ =	swait.ge [sflag:s6], $0x10000  }
0x177: {  	[sflag:s6] =	ssyncset.done $0x0  }
0x178: {  	[sflag:s6] =	ssyncadd.s32 $0xFFFF0000  }
0x179: {  	[hbm4b:s26+s2] =	stream.linear.scatter [tilespmem:s5], [sflag:$0x2], $0x10000, $0x38;
	[tilespmem:$0x10200] =	vst v63  }
0x17a: {  	_ =	swait.ge [sflag:s3], $0x10000  }
0x17b: {  	[sflag:s3] =	ssyncset.done $0x0  }
0x17c: {  	[sflag:s3] =	ssyncadd.s32 $0xFFFF0000  }
0x17d: {  	[tilespmem:s2], [sflag:$0x2] =	stream.linear.gather [hbm4b:s28+s2], $0x200, $0x38;
	[tilespmem:$0x10200] =	vst v63  }
0x17e: {  	_ =	swait.ge [sflag:s3], $0x200  }
0x17f: {  	[sflag:s3] =	ssyncset.done $0x0  }
0x180: {  	[sflag:s3] =	ssyncadd.s32 $0xFFFFFE00  }
0x181: {  	[tilespmem:s5], [sflag:$0x1] =	stream.indirect.gather [hbm4b:s4+s5], $0x80, s2, s5, $0xb8;
	[tilespmem:$0x10200] =	vst v63  }
0x182: {  	_ =	swait.ge [sflag:s6], $0x10000  }
0x183: {  	[sflag:s6] =	ssyncset.done $0x0  }
0x184: {  	[sflag:s6] =	ssyncadd.s32 $0xFFFF0000  }
0x185: {  	[hbm4b:s29+s2] =	stream.linear.scatter [tilespmem:s5], [sflag:$0x2], $0x10000, $0x38;
	[tilespmem:$0x10200] =	vst v63  }
0x186: {  	_ =	swait.ge [sflag:s3], $0x10000  }
0x187: {  	[sflag:s3] =	ssyncset.done $0x0  }
0x188: {  	[sflag:s3] =	ssyncadd.s32 $0xFFFF0000  }
0x189: {  	[tilespmem:s2], [sflag:$0x2] =	stream.linear.gather [hbm4b:s30+s2], $0x200, $0x38;
	[tilespmem:$0x10200] =	vst v63  }
0x18a: {  	_ =	swait.ge [sflag:s3], $0x200  }
0x18b: {  	[sflag:s3] =	ssyncset.done $0x0  }
0x18c: {  	p0 =	sne.s32 s0, $0x1;
	[sflag:s3] =	ssyncadd.s32 $0xFFFFFE00  }
0x18d: {  	[tilespmem:s5], [sflag:$0x1] =	stream.indirect.gather [hbm4b:s4+s5], $0x80, s2, s5, $0xb8;
	[tilespmem:$0x10200] =	vst v63  }
.Ltmp1:
0x18e: {  	_ =	swait.ge [sflag:s6], $0x10000;
	(pc) =	sbr.rel @p0 .LBB2_1-.Ltmp1, $4  }
0x18f: {  	[sflag:s6] =	ssyncset.done $0x0  }
0x190: {  	[sflag:s6] =	ssyncadd.s32 $0xFFFF0000  }
0x191: {  	[hbm4b:s31+s2] =	stream.linear.scatter [tilespmem:s5], [sflag:$0x2], $0x10000, $0x38;
	[tilespmem:$0x10200] =	vst v63  }
0x192: {  	s0 =	sadd.s32 $0xFFFFFFFF, s0;
	_ =	swait.ge [sflag:s3], $0x10000  }
.LBB2_2:
0x193: {  	[sflag:s3] =	ssyncset.done $0x0  }
0x194: {  	[sflag:s3] =	ssyncadd.s32 $0xFFFF0000  }
0x195: {  	_ =	sfence.sel $0x180000  }
0x196: {  	[bflag:$0x0] =	sbarrier.arrive $0xFFFF  }
0x197: {  	_ =	strace $0x90000047  }
0x198: {  	s0 =	stileid.u32;
	[bflag:$0x2] =	sbarrier.arrive $0xFFFF  }
0x199: {  	p0 =	sne.s32 s0, $0x0;
	s0 =	rddreg [dreg:$0x2]  }
0x19a: {  	s0 =	sadd.s32 @!p0 $0x100000, s0  }
0x19b: {  	[sflag:s0] =	ssyncadd.tile.s32 @!p0 $0x1;
	_ =	shalt  }
.Lfunc_end2:
_tile_overlayer_lowered:
.L_overlay_start_2:
0x19c: {  	(tag) =	ssettag $0x2  }
0x19d: {  	s0 =	rddreg [dreg:$0x0];
	s2 =	stileid.u32  }
0x19e: {  	s1 =	rddreg [dreg:$0x1];
	p0 =	sne.s32 s2, $0x0  }
0x19f: {  	s3 =	rddreg [dreg:$0x2];
	[bflag:$0x3] =	sbarrier.arrive $0xFFFF;
	s2 =	simm.s32 @!p0 $0x1C02  }
0x1a0: {  	[timem:s3], [sflag:s2] =	dma.local @!p0 [hbm:s0], s1  }
0x1a1: {  	s0 =	simm.s32 @!p0 $0x2  }
0x1a2: {  	_ =	swait.ge @!p0 [sflag:s0], s1  }
0x1a3: {  	s1 =	ssub.s32 @!p0 $0x0, s1;
	[sflag:s0] =	ssyncset.done @!p0 $0x0  }
0x1a4: {  	[sflag:s0] =	ssyncadd.s32 @!p0 s1  }
0x1a5: {  	[bflag:$0x3] =	sbarrier.arrive $0xFFFF  }
0x1a6: {  	_ =	shalt  }

</sc_bundles>
